<compile_context>
chip_gen: v7x
topology: tpu7x:2x2x1
jax: 0.10.2.dev20260603
libtpu: 0.0.44.dev20260713+nightly
codegen_flags: <defaults>
</compile_context>

<pallas_src>
import functools

import jax
import jax.numpy as jnp
from jax import lax
from jax.experimental import pallas as pl
from jax.experimental.pallas import tpu as pltpu
from jax.experimental.pallas import tpu_sc as plsc

V0, V1, V2 = 12, 15, 7
D = 32
NROWS = V0 * V1 * V2
NPAD = 1280
NC, NS = 2, 16
NW = NC * NS


def _fuse_body(w0_ref, w1_ref, w2_ref, out_ref):
    r0 = lax.broadcasted_iota(jnp.int32, (NPAD, V0), 0)
    k0 = lax.broadcasted_iota(jnp.int32, (NPAD, V0), 1)
    oh0 = (r0 % V0 == k0).astype(jnp.float32)
    r1 = lax.broadcasted_iota(jnp.int32, (NPAD, V1), 0)
    k1 = lax.broadcasted_iota(jnp.int32, (NPAD, V1), 1)
    oh1 = ((r1 // V0) % V1 == k1).astype(jnp.float32)
    r2 = lax.broadcasted_iota(jnp.int32, (NPAD, V2), 0)
    k2 = lax.broadcasted_iota(jnp.int32, (NPAD, V2), 1)
    oh2 = (r2 // (V0 * V1) == k2).astype(jnp.float32)
    out_ref[...] = (
        jnp.dot(oh0, w0_ref[...], preferred_element_type=jnp.float32,
                precision=lax.Precision.HIGHEST)
        + jnp.dot(oh1, w1_ref[...], preferred_element_type=jnp.float32,
                  precision=lax.Precision.HIGHEST)
        + jnp.dot(oh2, w2_ref[...], preferred_element_type=jnp.float32,
                  precision=lax.Precision.HIGHEST)
    )


def _build_fused(W0, W1, W2):
    return pl.pallas_call(
        _fuse_body,
        out_shape=jax.ShapeDtypeStruct((NPAD, D), jnp.float32),
    )(W0, W1, W2)


@functools.partial(jax.jit, static_argnames=("E", "S"))
def _sc_gather(wf_flat, c32, E, S):
    TL = S // 128
    NCH = E // S

    mesh = plsc.VectorSubcoreMesh(
        core_axis_name="c", subcore_axis_name="s",
        num_cores=NC, num_subcores=NS)

    OSZ = 4 * TL * 1024

    def body(wf_hbm, c_hbm, out_hbm, wf_v, c_v, out_v, stg,
             sem_c, sem_out):
        wid = lax.axis_index("s") * NC + lax.axis_index("c")
        lane = lax.iota(jnp.int32, 16)
        idxv = lane * 33
        spl = [jnp.full((16,), k, jnp.int32) for k in range(16)]
        pltpu.sync_copy(wf_hbm, wf_v)

        cnt = (NCH - wid + NW - 1) // NW

        def c_copy(t):
            tt = jnp.minimum(t, cnt - 1)
            ch = wid + tt * NW
            return pltpu.async_copy(
                c_hbm.at[pl.ds(ch * S, S)],
                c_v.at[pl.ds((t % 2) * S, S)],
                sem_c)

        c_copy(0).wait()

        def chunk(t, _):
            p = t % 2
            ch = wid + t * NW
            c_copy(t + 1)

            obase = p * OSZ
            cbase = p * S

            def tlbody(tl, _):
                @plsc.parallel_loop(0, 8, unroll=8)
                def _(q):
                    cvq = c_v[pl.ds(cbase + tl * 128 + q * 16, 16)]
                    for k in range(16):
                        b = cvq.at[spl[k]].get(
                            mode="promise_in_bounds") + lane
                        stg[pl.ds(q * 528 + k * 33, 16)] = \
                            plsc.load_gather(wf_v, [b])
                        stg[pl.ds(q * 528 + k * 33 + 16, 16)] = \
                            plsc.load_gather(wf_v, [b + 16])

                @plsc.parallel_loop(0, D, unroll=8)
                def _(d):
                    o = obase + (d // 8) * (TL * 1024) + tl * 1024 \
                        + (d % 8) * 128
                    for q in range(8):
                        v = plsc.load_gather(stg, [idxv + (q * 528 + d)])
                        out_v[pl.ds(o + q * 16, 16)] = v
                return 0

            lax.fori_loop(0, TL, tlbody, 0, unroll=False)

            copies = [
                pltpu.async_copy(
                    out_v.at[pl.ds(obase + dg * (TL * 1024), TL * 1024)],
                    out_hbm.at[pl.ds(dg * (8 * E) + ch * (TL * 1024),
                                     TL * 1024)],
                    sem_out)
                for dg in range(4)
            ]

            @pl.when(t > 0)
            def _():
                for _ in range(4):
                    pltpu.make_async_copy(
                        out_v.at[pl.ds(0, TL * 1024)],
                        out_hbm.at[pl.ds(0, TL * 1024)],
                        sem_out).wait()

            pltpu.make_async_copy(
                c_hbm.at[pl.ds(0, S)], c_v.at[pl.ds(0, S)], sem_c).wait()
            return 0

        lax.fori_loop(0, cnt, chunk, 0, unroll=False)
        for _ in range(4):
            pltpu.make_async_copy(
                out_v.at[pl.ds(0, TL * 1024)],
                out_hbm.at[pl.ds(0, TL * 1024)],
                sem_out).wait()

    return pl.kernel(
        body,
        out_type=jax.ShapeDtypeStruct((D * E,), jnp.float32),
        mesh=mesh,
        compiler_params=pltpu.CompilerParams(needs_layout_passes=False),
        scratch_types=[
            pltpu.VMEM((NPAD * D,), jnp.float32),
            pltpu.VMEM((2 * S,), jnp.int32),
            pltpu.VMEM((2 * 4 * TL * 1024,), jnp.float32),
            pltpu.VMEM((128 * 33,), jnp.float32),
            pltpu.SemaphoreType.DMA,
            pltpu.SemaphoreType.DMA,
        ],
    )(wf_flat, c32)


def kernel(edge_features, W0, W1, W2):
    E = edge_features.shape[0]
    S = 640
    assert E % S == 0
    ef = edge_features.astype(jnp.int32)
    c32 = (ef[:, 0] + ef[:, 1] * V0 + ef[:, 2] * (V0 * V1)) * D
    wf = _build_fused(W0, W1, W2).reshape(-1)
    out = _sc_gather(wf, c32, E, S)
    return out.reshape(4, E // 128, 8, 128).transpose(1, 3, 0, 2).reshape(E, D)

# --- scband reference (transcript-rebuilt; emitter-appended) ---
"""Pipeline reference for scband-bond-embedding-14731737825289 (READ-ONLY COPY).

The authoritative reference and input builder live on the scoring server;
editing this copy changes nothing except your own understanding.
"""

import jax, jax.numpy as jnp
import numpy as np

BOND_VOCABS = [12, 15, 7]  # CompoundKit.get_bond_feature_size(name) + 5 for bond_dir, bond_type, is_in_ring
EMBED_DIM = 32
E = 1600000

def setup_inputs(seed: int = 0) -> dict:
    key = jax.random.key(seed)
    k_idx, k0, k1, k2 = jax.random.split(key, 4)
    edge_features = jax.random.randint(k_idx, (E, 3), 0, 7, dtype=jnp.int64)
    # xavier_normal init for each embedding table: std = sqrt(2/(fan_in+fan_out))
    def xavier(k, shape):
        std = float(np.sqrt(2.0 / (shape[0] + shape[1])))
        return jax.random.normal(k, shape, dtype=jnp.float32) * std
    W0 = xavier(k0, (BOND_VOCABS[0], EMBED_DIM))
    W1 = xavier(k1, (BOND_VOCABS[1], EMBED_DIM))
    W2 = xavier(k2, (BOND_VOCABS[2], EMBED_DIM))
    return {"edge_features": edge_features, "W0": W0, "W1": W1, "W2": W2}

def reference(edge_features, W0, W1, W2):
    idx = edge_features.astype(jnp.int32)
    out = jnp.take(W0, idx[:, 0], axis=0)
    out = out + jnp.take(W1, idx[:, 1], axis=0)
    out = out + jnp.take(W2, idx[:, 2], axis=0)
    return out

if __name__ == "__main__":
    import jax
    _d = setup_inputs()
    print(jax.jit(kernel)(*tuple(_d.values())))

</pallas_src>

<mosaic_0001>
#map = affine_map<(d0, d1) -> (0)>
module attributes {stable_mosaic.version = 14 : i64} {
  func.func @body(%arg0: i32, %arg1: i32, %arg2: memref<40960xf32, #tpu.memory_space<hbm>>, %arg3: memref<1600000xi32, #tpu.memory_space<hbm>>, %arg4: memref<51200000xf32, #tpu.memory_space<hbm>>, %arg5: memref<40960xf32, #tpu.memory_space<vmem>>, %arg6: memref<1280xi32, #tpu.memory_space<vmem>>, %arg7: memref<40960xf32, #tpu.memory_space<vmem>>, %arg8: memref<4224xf32, #tpu.memory_space<vmem>>, %arg9: memref<!tpu.dma_semaphore, #tpu.memory_space<semaphore_mem>>, %arg10: memref<!tpu.dma_semaphore, #tpu.memory_space<semaphore_mem>>) attributes {dimension_semantics = [#tpu.dimension_semantics<core_parallel>, #tpu.dimension_semantics<subcore_parallel>], iteration_bounds = array<i64: 2, 16>, scalar_prefetch = 0 : i64, scratch_operands = 6 : i64, tpu.core_type = #tpu.core_type<sc_vector_subcore>, window_params = [{transform_indices = #map}, {transform_indices = #map}, {transform_indices = #map}]} {
    %mul3A = arith.constant 2 : i32
    %mul3A_0 = arith.muli %arg1, %mul3A : i32
    %add3A = arith.addi %mul3A_0, %arg0 : i32
    %iota3A = tpu.iota {dimensions = array<i32: 0>} : vector<16xi32>
    %mul3A_1 = arith.constant 33 : i32
    %mul3A_2 = vector.broadcast %mul3A_1 : i32 to vector<16xi32>
    %mul3A_3 = arith.muli %iota3A, %mul3A_2 : vector<16xi32>
    %broadcast_in_dim3A = arith.constant 0 : i32
    %broadcast_in_dim3A_4 = vector.broadcast %broadcast_in_dim3A : i32 to vector<16xi32>
    %broadcast_in_dim3A_5 = arith.constant 1 : i32
    %broadcast_in_dim3A_6 = vector.broadcast %broadcast_in_dim3A_5 : i32 to vector<16xi32>
    %broadcast_in_dim3A_7 = arith.constant 2 : i32
    %broadcast_in_dim3A_8 = vector.broadcast %broadcast_in_dim3A_7 : i32 to vector<16xi32>
    %broadcast_in_dim3A_9 = arith.constant 3 : i32
    %broadcast_in_dim3A_10 = vector.broadcast %broadcast_in_dim3A_9 : i32 to vector<16xi32>
    %broadcast_in_dim3A_11 = arith.constant 4 : i32
    %broadcast_in_dim3A_12 = vector.broadcast %broadcast_in_dim3A_11 : i32 to vector<16xi32>
    %broadcast_in_dim3A_13 = arith.constant 5 : i32
    %broadcast_in_dim3A_14 = vector.broadcast %broadcast_in_dim3A_13 : i32 to vector<16xi32>
    %broadcast_in_dim3A_15 = arith.constant 6 : i32
    %broadcast_in_dim3A_16 = vector.broadcast %broadcast_in_dim3A_15 : i32 to vector<16xi32>
    %broadcast_in_dim3A_17 = arith.constant 7 : i32
    %broadcast_in_dim3A_18 = vector.broadcast %broadcast_in_dim3A_17 : i32 to vector<16xi32>
    %broadcast_in_dim3A_19 = arith.constant 8 : i32
    %broadcast_in_dim3A_20 = vector.broadcast %broadcast_in_dim3A_19 : i32 to vector<16xi32>
    %broadcast_in_dim3A_21 = arith.constant 9 : i32
    %broadcast_in_dim3A_22 = vector.broadcast %broadcast_in_dim3A_21 : i32 to vector<16xi32>
    %broadcast_in_dim3A_23 = arith.constant 10 : i32
    %broadcast_in_dim3A_24 = vector.broadcast %broadcast_in_dim3A_23 : i32 to vector<16xi32>
    %broadcast_in_dim3A_25 = arith.constant 11 : i32
    %broadcast_in_dim3A_26 = vector.broadcast %broadcast_in_dim3A_25 : i32 to vector<16xi32>
    %broadcast_in_dim3A_27 = arith.constant 12 : i32
    %broadcast_in_dim3A_28 = vector.broadcast %broadcast_in_dim3A_27 : i32 to vector<16xi32>
    %broadcast_in_dim3A_29 = arith.constant 13 : i32
    %broadcast_in_dim3A_30 = vector.broadcast %broadcast_in_dim3A_29 : i32 to vector<16xi32>
    %broadcast_in_dim3A_31 = arith.constant 14 : i32
    %broadcast_in_dim3A_32 = vector.broadcast %broadcast_in_dim3A_31 : i32 to vector<16xi32>
    %broadcast_in_dim3A_33 = arith.constant 15 : i32
    %broadcast_in_dim3A_34 = vector.broadcast %broadcast_in_dim3A_33 : i32 to vector<16xi32>
    "tpu.region"() ({
      %run_scoped3A = tpu.sem_alloc : memref<!tpu.dma_semaphore, #tpu.memory_space<semaphore_mem>>
      tpu.enqueue_dma source(%arg2 : memref<40960xf32, #tpu.memory_space<hbm>>) target(%arg5 : memref<40960xf32, #tpu.memory_space<vmem>>) target_semaphore(%run_scoped3A : memref<!tpu.dma_semaphore, #tpu.memory_space<semaphore_mem>>)
      tpu.wait_dma2 semaphore(%run_scoped3A : memref<!tpu.dma_semaphore, #tpu.memory_space<semaphore_mem>>) src(%arg2 : memref<40960xf32, #tpu.memory_space<hbm>>) dst(%arg5 : memref<40960xf32, #tpu.memory_space<vmem>>)
      tpu.yield
    }) : () -> ()
    %sub3A = arith.constant 2500 : i32
    %sub3A_35 = arith.subi %sub3A, %add3A : i32
    %add3A_36 = arith.constant 32 : i32
    %add3A_37 = arith.addi %sub3A_35, %add3A_36 : i32
    %sub3A_38 = arith.constant 1 : i32
    %sub3A_39 = arith.subi %add3A_37, %sub3A_38 : i32
    %jit3A = arith.constant 32 : i32
    %div3A = arith.divsi %sub3A_39, %jit3A : i32
    %sign3A = arith.constant 0 : i32
    %sign3A_40 = arith.cmpi sgt, %sub3A_39, %sign3A : i32
    %sign3A_41 = arith.extui %sign3A_40 : i1 to i32
    %sign3A_42 = arith.constant 0 : i32
    %sign3A_43 = arith.cmpi slt, %sub3A_39, %sign3A_42 : i32
    %sign3A_44 = arith.extui %sign3A_43 : i1 to i32
    %sign3A_45 = arith.subi %sign3A_41, %sign3A_44 : i32
    %sign3A_46 = arith.constant 0 : i32
    %sign3A_47 = arith.cmpi sgt, %jit3A, %sign3A_46 : i32
    %sign3A_48 = arith.extui %sign3A_47 : i1 to i32
    %sign3A_49 = arith.constant 0 : i32
    %sign3A_50 = arith.cmpi slt, %jit3A, %sign3A_49 : i32
    %sign3A_51 = arith.extui %sign3A_50 : i1 to i32
    %sign3A_52 = arith.subi %sign3A_48, %sign3A_51 : i32
    %ne3A = arith.cmpi ne, %sign3A_45, %sign3A_52 : i32
    %rem3A = arith.remsi %sub3A_39, %jit3A : i32
    %ne3A_53 = arith.constant 0 : i32
    %ne3A_54 = arith.cmpi ne, %rem3A, %ne3A_53 : i32
    %and3A = arith.andi %ne3A, %ne3A_54 : i1
    %sub3A_55 = arith.constant 1 : i32
    %sub3A_56 = arith.subi %div3A, %sub3A_55 : i32
    %select_n3A = arith.select %and3A, %sub3A_56, %div3A : i32
    %sub3A_57 = arith.constant 1 : i32
    %sub3A_58 = arith.subi %select_n3A, %sub3A_57 : i32
    %min3A = arith.constant 0 : i32
    %min3A_59 = arith.minsi %min3A, %sub3A_58 : i32
    %mul3A_60 = arith.constant 32 : i32
    %mul3A_61 = arith.muli %min3A_59, %mul3A_60 : i32
    %add3A_62 = arith.addi %add3A, %mul3A_61 : i32
    %mul3A_63 = arith.constant 640 : i32
    %mul3A_64 = arith.muli %add3A_62, %mul3A_63 : i32
    %dma_start3A = arith.constant 0 : i32
    %dma_start3A_65 = tpu.memref_slice %arg6[%dma_start3A] : memref<1280xi32, #tpu.memory_space<vmem>> -> memref<640xi32, #tpu.memory_space<vmem>>
    %dma_start3A_66 = tpu.memref_slice %arg3[%mul3A_64] : memref<1600000xi32, #tpu.memory_space<hbm>> -> memref<640xi32, #tpu.memory_space<hbm>>
    %dma_start3A_67 = arith.constant 0 : i32
    %dma_start3A_68 = tpu.memref_slice %arg6[%dma_start3A_67] : memref<1280xi32, #tpu.memory_space<vmem>> -> memref<640xi32, #tpu.memory_space<vmem>>
    %dma_start3A_69 = tpu.memref_slice %arg3[%mul3A_64] : memref<1600000xi32, #tpu.memory_space<hbm>> -> memref<640xi32, #tpu.memory_space<hbm>>
    tpu.enqueue_dma source(%dma_start3A_69 : memref<640xi32, #tpu.memory_space<hbm>>) target(%dma_start3A_68 : memref<640xi32, #tpu.memory_space<vmem>>) target_semaphore(%arg9 : memref<!tpu.dma_semaphore, #tpu.memory_space<semaphore_mem>>)
    %dma_wait3A = arith.constant 0 : i32
    %dma_wait3A_70 = tpu.memref_slice %arg6[%dma_wait3A] : memref<1280xi32, #tpu.memory_space<vmem>> -> memref<640xi32, #tpu.memory_space<vmem>>
    %dma_wait3A_71 = tpu.memref_slice %arg3[%mul3A_64] : memref<1600000xi32, #tpu.memory_space<hbm>> -> memref<640xi32, #tpu.memory_space<hbm>>
    %dma_wait3A_72 = arith.constant 0 : i32
    %dma_wait3A_73 = tpu.memref_slice %arg6[%dma_wait3A_72] : memref<1280xi32, #tpu.memory_space<vmem>> -> memref<640xi32, #tpu.memory_space<vmem>>
    %dma_wait3A_74 = tpu.memref_slice %arg3[%mul3A_64] : memref<1600000xi32, #tpu.memory_space<hbm>> -> memref<640xi32, #tpu.memory_space<hbm>>
    tpu.wait_dma2 semaphore(%arg9 : memref<!tpu.dma_semaphore, #tpu.memory_space<semaphore_mem>>) src(%dma_wait3A_74 : memref<640xi32, #tpu.memory_space<hbm>>) dst(%dma_wait3A_73 : memref<640xi32, #tpu.memory_space<vmem>>)
    %while3A = arith.constant 0 : i32
    %while3A_75 = arith.constant 0 : i32
    %while3A_76 = arith.subi %select_n3A, %while3A : i32
    %while3A_77 = arith.addi %while3A, %while3A_76 : i32
    %while3A_78 = arith.constant 1 : i32
    %while3A_79 = arith.divsi %while3A_76, %while3A_78 : i32
    %while3A_80 = arith.muli %while3A_79, %while3A_78 : i32
    %while3A_81 = arith.addi %while3A, %while3A_80 : i32
    %while3A_82 = arith.constant 1 : i32
    %while3A_83 = scf.for %while3A_118 = %while3A to %while3A_81 step %while3A_82 iter_args(%while3A_119 = %while3A_75) -> (i32)  : i32 {
      %jit3A_120 = arith.constant 2 : i32
      %eq3A = arith.constant 0 : i32
      %eq3A_121 = arith.cmpi eq, %jit3A_120, %eq3A : i32
      %jit3A_122 = arith.constant 1 : i32
      %select_n3A_123 = arith.select %eq3A_121, %jit3A_122, %jit3A_120 : i32
      %rem3A_124 = arith.remsi %while3A_118, %select_n3A_123 : i32
      %ne3A_125 = arith.constant 0 : i32
      %ne3A_126 = arith.cmpi ne, %rem3A_124, %ne3A_125 : i32
      %lt3A = arith.constant 0 : i32
      %lt3A_127 = arith.cmpi slt, %rem3A_124, %lt3A : i32
      %lt3A_128 = arith.constant 0 : i32
      %lt3A_129 = arith.cmpi slt, %select_n3A_123, %lt3A_128 : i32
      %ne3A_130 = arith.xori %lt3A_127, %lt3A_129 : i1
      %and3A_131 = arith.andi %ne3A_130, %ne3A_126 : i1
      %add3A_132 = arith.addi %rem3A_124, %select_n3A_123 : i32
      %select_n3A_133 = arith.select %and3A_131, %add3A_132, %rem3A_124 : i32
      %mul3A_134 = arith.constant 32 : i32
      %mul3A_135 = arith.muli %while3A_118, %mul3A_134 : i32
      %add3A_136 = arith.addi %add3A, %mul3A_135 : i32
      %add3A_137 = arith.constant 1 : i32
      %add3A_138 = arith.addi %while3A_118, %add3A_137 : i32
      %sub3A_139 = arith.constant 1 : i32
      %sub3A_140 = arith.subi %select_n3A, %sub3A_139 : i32
      %min3A_141 = arith.minsi %add3A_138, %sub3A_140 : i32
      %mul3A_142 = arith.constant 32 : i32
      %mul3A_143 = arith.muli %min3A_141, %mul3A_142 : i32
      %add3A_144 = arith.addi %add3A, %mul3A_143 : i32
      %mul3A_145 = arith.constant 640 : i32
      %mul3A_146 = arith.muli %add3A_144, %mul3A_145 : i32
      %jit3A_147 = arith.constant 2 : i32
      %eq3A_148 = arith.constant 0 : i32
      %eq3A_149 = arith.cmpi eq, %jit3A_147, %eq3A_148 : i32
      %jit3A_150 = arith.constant 1 : i32
      %select_n3A_151 = arith.select %eq3A_149, %jit3A_150, %jit3A_147 : i32
      %rem3A_152 = arith.remsi %add3A_138, %select_n3A_151 : i32
      %ne3A_153 = arith.constant 0 : i32
      %ne3A_154 = arith.cmpi ne, %rem3A_152, %ne3A_153 : i32
      %lt3A_155 = arith.constant 0 : i32
      %lt3A_156 = arith.cmpi slt, %rem3A_152, %lt3A_155 : i32
      %lt3A_157 = arith.constant 0 : i32
      %lt3A_158 = arith.cmpi slt, %select_n3A_151, %lt3A_157 : i32
      %ne3A_159 = arith.xori %lt3A_156, %lt3A_158 : i1
      %and3A_160 = arith.andi %ne3A_159, %ne3A_154 : i1
      %add3A_161 = arith.addi %rem3A_152, %select_n3A_151 : i32
      %select_n3A_162 = arith.select %and3A_160, %add3A_161, %rem3A_152 : i32
      %mul3A_163 = arith.constant 640 : i32
      %mul3A_164 = arith.muli %select_n3A_162, %mul3A_163 : i32
      %dma_start3A_165 = tpu.memref_slice %arg6[%mul3A_164] : memref<1280xi32, #tpu.memory_space<vmem>> -> memref<640xi32, #tpu.memory_space<vmem>>
      %dma_start3A_166 = tpu.memref_slice %arg3[%mul3A_146] : memref<1600000xi32, #tpu.memory_space<hbm>> -> memref<640xi32, #tpu.memory_space<hbm>>
      %dma_start3A_167 = tpu.memref_slice %arg6[%mul3A_164] : memref<1280xi32, #tpu.memory_space<vmem>> -> memref<640xi32, #tpu.memory_space<vmem>>
      %dma_start3A_168 = tpu.memref_slice %arg3[%mul3A_146] : memref<1600000xi32, #tpu.memory_space<hbm>> -> memref<640xi32, #tpu.memory_space<hbm>>
      tpu.enqueue_dma source(%dma_start3A_168 : memref<640xi32, #tpu.memory_space<hbm>>) target(%dma_start3A_167 : memref<640xi32, #tpu.memory_space<vmem>>) target_semaphore(%arg9 : memref<!tpu.dma_semaphore, #tpu.memory_space<semaphore_mem>>)
      %mul3A_169 = arith.constant 20480 : i32
      %mul3A_170 = arith.muli %select_n3A_133, %mul3A_169 : i32
      %mul3A_171 = arith.constant 640 : i32
      %mul3A_172 = arith.muli %select_n3A_133, %mul3A_171 : i32
      %scan3A = arith.constant 0 : i32
      %scan3A_173 = arith.constant 0 : i32
      %scan3A_174 = arith.constant 5 : i32
      %scan3A_175 = arith.addi %scan3A_173, %scan3A_174 : i32
      %scan3A_176 = arith.constant 1 : i32
      %scan3A_177 = scf.for %scan3A_230 = %scan3A_173 to %scan3A_175 step %scan3A_176 iter_args(%scan3A_231 = %scan3A) -> (i32)  : i32 {
        %parallel_loop3A = arith.constant 0 : i32
        %parallel_loop3A_232 = arith.constant 8 : i32
        %parallel_loop3A_233 = arith.constant 1 : i32
        scf.for %parallel_loop3A_238 = %parallel_loop3A to %parallel_loop3A_232 step %parallel_loop3A_233  : i32 {
          %parallel_loop3A_239 = arith.constant 128 : i32
          %parallel_loop3A_240 = arith.muli %scan3A_230, %parallel_loop3A_239 : i32
          %parallel_loop3A_241 = arith.addi %mul3A_172, %parallel_loop3A_240 : i32
          %parallel_loop3A_242 = arith.constant 16 : i32
          %parallel_loop3A_243 = arith.muli %parallel_loop3A_238, %parallel_loop3A_242 : i32
          %parallel_loop3A_244 = arith.addi %parallel_loop3A_241, %parallel_loop3A_243 : i32
          %parallel_loop3A_245 = arith.index_cast %parallel_loop3A_244 : i32 to index
          %parallel_loop3A_246 = tpu.vector_load %arg6[%parallel_loop3A_245] {strides = array<i32>} : memref<1280xi32, #tpu.memory_space<vmem>>, vector<16xi32>,
          %parallel_loop3A_247 = arith.constant 0 : i32
          %parallel_loop3A_248 = vector.broadcast %parallel_loop3A_247 : i32 to vector<16xi32>
          %parallel_loop3A_249 = arith.cmpi slt, %broadcast_in_dim3A_4, %parallel_loop3A_248 : vector<16xi32>
          %parallel_loop3A_250 = arith.constant 16 : i32
          %parallel_loop3A_251 = vector.broadcast %parallel_loop3A_250 : i32 to vector<16xi32>
          %parallel_loop3A_252 = arith.addi %broadcast_in_dim3A_4, %parallel_loop3A_251 : vector<16xi32>
          %parallel_loop3A_253 = arith.select %parallel_loop3A_249, %parallel_loop3A_252, %broadcast_in_dim3A_4 : vector<16xi1>, vector<16xi32>
          %parallel_loop3A_254 = vector.shape_cast %parallel_loop3A_253 : vector<16xi32> to vector<16x1xi32>
          %parallel_loop3A_255 = vector.shape_cast %parallel_loop3A_254 : vector<16x1xi32> to vector<16xi32>
          %parallel_loop3A_256 = tpu.dynamic_gather %parallel_loop3A_246[%parallel_loop3A_255] in [0] : vector<16xi32>, vector<16xi32> -> vector<16xi32>
          %parallel_loop3A_257 = arith.addi %parallel_loop3A_256, %iota3A : vector<16xi32>
          %parallel_loop3A_258 = tpu.vector_load_idx %arg5[%parallel_loop3A_257] : memref<40960xf32, #tpu.memory_space<vmem>>[vector<16xi32>], vector<16xf32>,
          %parallel_loop3A_259 = arith.constant 528 : i32
          %parallel_loop3A_260 = arith.muli %parallel_loop3A_238, %parallel_loop3A_259 : i32
          %parallel_loop3A_261 = arith.constant 0 : i32
          %parallel_loop3A_262 = arith.addi %parallel_loop3A_260, %parallel_loop3A_261 : i32
          %parallel_loop3A_263 = arith.index_cast %parallel_loop3A_262 : i32 to index
          %parallel_loop3A_264 = tpu.vector_load %arg8[%parallel_loop3A_263] {strides = array<i32>} : memref<4224xf32, #tpu.memory_space<vmem>>, vector<16xf32>,
          tpu.vector_store %arg8[%parallel_loop3A_263], %parallel_loop3A_258 {strides = array<i32>} : memref<4224xf32, #tpu.memory_space<vmem>>, vector<16xf32>,
          %parallel_loop3A_265 = arith.constant 16 : i32
          %parallel_loop3A_266 = vector.broadcast %parallel_loop3A_265 : i32 to vector<16xi32>
          %parallel_loop3A_267 = arith.addi %parallel_loop3A_257, %parallel_loop3A_266 : vector<16xi32>
          %parallel_loop3A_268 = tpu.vector_load_idx %arg5[%parallel_loop3A_267] : memref<40960xf32, #tpu.memory_space<vmem>>[vector<16xi32>], vector<16xf32>,
          %parallel_loop3A_269 = arith.constant 528 : i32
          %parallel_loop3A_270 = arith.muli %parallel_loop3A_238, %parallel_loop3A_269 : i32
          %parallel_loop3A_271 = arith.constant 0 : i32
          %parallel_loop3A_272 = arith.addi %parallel_loop3A_270, %parallel_loop3A_271 : i32
          %parallel_loop3A_273 = arith.constant 16 : i32
          %parallel_loop3A_274 = arith.addi %parallel_loop3A_272, %parallel_loop3A_273 : i32
          %parallel_loop3A_275 = arith.index_cast %parallel_loop3A_274 : i32 to index
          %parallel_loop3A_276 = tpu.vector_load %arg8[%parallel_loop3A_275] {strides = array<i32>} : memref<4224xf32, #tpu.memory_space<vmem>>, vector<16xf32>,
          tpu.vector_store %arg8[%parallel_loop3A_275], %parallel_loop3A_268 {strides = array<i32>} : memref<4224xf32, #tpu.memory_space<vmem>>, vector<16xf32>,
          %parallel_loop3A_277 = arith.constant 0 : i32
          %parallel_loop3A_278 = vector.broadcast %parallel_loop3A_277 : i32 to vector<16xi32>
          %parallel_loop3A_279 = arith.cmpi slt, %broadcast_in_dim3A_6, %parallel_loop3A_278 : vector<16xi32>
          %parallel_loop3A_280 = arith.constant 16 : i32
          %parallel_loop3A_281 = vector.broadcast %parallel_loop3A_280 : i32 to vector<16xi32>
          %parallel_loop3A_282 = arith.addi %broadcast_in_dim3A_6, %parallel_loop3A_281 : vector<16xi32>
          %parallel_loop3A_283 = arith.select %parallel_loop3A_279, %parallel_loop3A_282, %broadcast_in_dim3A_6 : vector<16xi1>, vector<16xi32>
          %parallel_loop3A_284 = vector.shape_cast %parallel_loop3A_283 : vector<16xi32> to vector<16x1xi32>
          %parallel_loop3A_285 = vector.shape_cast %parallel_loop3A_284 : vector<16x1xi32> to vector<16xi32>
          %parallel_loop3A_286 = tpu.dynamic_gather %parallel_loop3A_246[%parallel_loop3A_285] in [0] : vector<16xi32>, vector<16xi32> -> vector<16xi32>
          %parallel_loop3A_287 = arith.addi %parallel_loop3A_286, %iota3A : vector<16xi32>
          %parallel_loop3A_288 = tpu.vector_load_idx %arg5[%parallel_loop3A_287] : memref<40960xf32, #tpu.memory_space<vmem>>[vector<16xi32>], vector<16xf32>,
          %parallel_loop3A_289 = arith.constant 528 : i32
          %parallel_loop3A_290 = arith.muli %parallel_loop3A_238, %parallel_loop3A_289 : i32
          %parallel_loop3A_291 = arith.constant 33 : i32
          %parallel_loop3A_292 = arith.addi %parallel_loop3A_290, %parallel_loop3A_291 : i32
          %parallel_loop3A_293 = arith.index_cast %parallel_loop3A_292 : i32 to index
          %parallel_loop3A_294 = tpu.vector_load %arg8[%parallel_loop3A_293] {strides = array<i32>} : memref<4224xf32, #tpu.memory_space<vmem>>, vector<16xf32>,
          tpu.vector_store %arg8[%parallel_loop3A_293], %parallel_loop3A_288 {strides = array<i32>} : memref<4224xf32, #tpu.memory_space<vmem>>, vector<16xf32>,
          %parallel_loop3A_295 = arith.constant 16 : i32
          %parallel_loop3A_296 = vector.broadcast %parallel_loop3A_295 : i32 to vector<16xi32>
          %parallel_loop3A_297 = arith.addi %parallel_loop3A_287, %parallel_loop3A_296 : vector<16xi32>
          %parallel_loop3A_298 = tpu.vector_load_idx %arg5[%parallel_loop3A_297] : memref<40960xf32, #tpu.memory_space<vmem>>[vector<16xi32>], vector<16xf32>,
          %parallel_loop3A_299 = arith.constant 528 : i32
          %parallel_loop3A_300 = arith.muli %parallel_loop3A_238, %parallel_loop3A_299 : i32
          %parallel_loop3A_301 = arith.constant 33 : i32
          %parallel_loop3A_302 = arith.addi %parallel_loop3A_300, %parallel_loop3A_301 : i32
          %parallel_loop3A_303 = arith.constant 16 : i32
          %parallel_loop3A_304 = arith.addi %parallel_loop3A_302, %parallel_loop3A_303 : i32
          %parallel_loop3A_305 = arith.index_cast %parallel_loop3A_304 : i32 to index
          %parallel_loop3A_306 = tpu.vector_load %arg8[%parallel_loop3A_305] {strides = array<i32>} : memref<4224xf32, #tpu.memory_space<vmem>>, vector<16xf32>,
          tpu.vector_store %arg8[%parallel_loop3A_305], %parallel_loop3A_298 {strides = array<i32>} : memref<4224xf32, #tpu.memory_space<vmem>>, vector<16xf32>,
          %parallel_loop3A_307 = arith.constant 0 : i32
          %parallel_loop3A_308 = vector.broadcast %parallel_loop3A_307 : i32 to vector<16xi32>
          %parallel_loop3A_309 = arith.cmpi slt, %broadcast_in_dim3A_8, %parallel_loop3A_308 : vector<16xi32>
          %parallel_loop3A_310 = arith.constant 16 : i32
          %parallel_loop3A_311 = vector.broadcast %parallel_loop3A_310 : i32 to vector<16xi32>
          %parallel_loop3A_312 = arith.addi %broadcast_in_dim3A_8, %parallel_loop3A_311 : vector<16xi32>
          %parallel_loop3A_313 = arith.select %parallel_loop3A_309, %parallel_loop3A_312, %broadcast_in_dim3A_8 : vector<16xi1>, vector<16xi32>
          %parallel_loop3A_314 = vector.shape_cast %parallel_loop3A_313 : vector<16xi32> to vector<16x1xi32>
          %parallel_loop3A_315 = vector.shape_cast %parallel_loop3A_314 : vector<16x1xi32> to vector<16xi32>
          %parallel_loop3A_316 = tpu.dynamic_gather %parallel_loop3A_246[%parallel_loop3A_315] in [0] : vector<16xi32>, vector<16xi32> -> vector<16xi32>
          %parallel_loop3A_317 = arith.addi %parallel_loop3A_316, %iota3A : vector<16xi32>
          %parallel_loop3A_318 = tpu.vector_load_idx %arg5[%parallel_loop3A_317] : memref<40960xf32, #tpu.memory_space<vmem>>[vector<16xi32>], vector<16xf32>,
          %parallel_loop3A_319 = arith.constant 528 : i32
          %parallel_loop3A_320 = arith.muli %parallel_loop3A_238, %parallel_loop3A_319 : i32
          %parallel_loop3A_321 = arith.constant 66 : i32
          %parallel_loop3A_322 = arith.addi %parallel_loop3A_320, %parallel_loop3A_321 : i32
          %parallel_loop3A_323 = arith.index_cast %parallel_loop3A_322 : i32 to index
          %parallel_loop3A_324 = tpu.vector_load %arg8[%parallel_loop3A_323] {strides = array<i32>} : memref<4224xf32, #tpu.memory_space<vmem>>, vector<16xf32>,
          tpu.vector_store %arg8[%parallel_loop3A_323], %parallel_loop3A_318 {strides = array<i32>} : memref<4224xf32, #tpu.memory_space<vmem>>, vector<16xf32>,
          %parallel_loop3A_325 = arith.constant 16 : i32
          %parallel_loop3A_326 = vector.broadcast %parallel_loop3A_325 : i32 to vector<16xi32>
          %parallel_loop3A_327 = arith.addi %parallel_loop3A_317, %parallel_loop3A_326 : vector<16xi32>
          %parallel_loop3A_328 = tpu.vector_load_idx %arg5[%parallel_loop3A_327] : memref<40960xf32, #tpu.memory_space<vmem>>[vector<16xi32>], vector<16xf32>,
          %parallel_loop3A_329 = arith.constant 528 : i32
          %parallel_loop3A_330 = arith.muli %parallel_loop3A_238, %parallel_loop3A_329 : i32
          %parallel_loop3A_331 = arith.constant 66 : i32
          %parallel_loop3A_332 = arith.addi %parallel_loop3A_330, %parallel_loop3A_331 : i32
          %parallel_loop3A_333 = arith.constant 16 : i32
          %parallel_loop3A_334 = arith.addi %parallel_loop3A_332, %parallel_loop3A_333 : i32
          %parallel_loop3A_335 = arith.index_cast %parallel_loop3A_334 : i32 to index
          %parallel_loop3A_336 = tpu.vector_load %arg8[%parallel_loop3A_335] {strides = array<i32>} : memref<4224xf32, #tpu.memory_space<vmem>>, vector<16xf32>,
          tpu.vector_store %arg8[%parallel_loop3A_335], %parallel_loop3A_328 {strides = array<i32>} : memref<4224xf32, #tpu.memory_space<vmem>>, vector<16xf32>,
          %parallel_loop3A_337 = arith.constant 0 : i32
          %parallel_loop3A_338 = vector.broadcast %parallel_loop3A_337 : i32 to vector<16xi32>
          %parallel_loop3A_339 = arith.cmpi slt, %broadcast_in_dim3A_10, %parallel_loop3A_338 : vector<16xi32>
          %parallel_loop3A_340 = arith.constant 16 : i32
          %parallel_loop3A_341 = vector.broadcast %parallel_loop3A_340 : i32 to vector<16xi32>
          %parallel_loop3A_342 = arith.addi %broadcast_in_dim3A_10, %parallel_loop3A_341 : vector<16xi32>
          %parallel_loop3A_343 = arith.select %parallel_loop3A_339, %parallel_loop3A_342, %broadcast_in_dim3A_10 : vector<16xi1>, vector<16xi32>
          %parallel_loop3A_344 = vector.shape_cast %parallel_loop3A_343 : vector<16xi32> to vector<16x1xi32>
          %parallel_loop3A_345 = vector.shape_cast %parallel_loop3A_344 : vector<16x1xi32> to vector<16xi32>
          %parallel_loop3A_346 = tpu.dynamic_gather %parallel_loop3A_246[%parallel_loop3A_345] in [0] : vector<16xi32>, vector<16xi32> -> vector<16xi32>
          %parallel_loop3A_347 = arith.addi %parallel_loop3A_346, %iota3A : vector<16xi32>
          %parallel_loop3A_348 = tpu.vector_load_idx %arg5[%parallel_loop3A_347] : memref<40960xf32, #tpu.memory_space<vmem>>[vector<16xi32>], vector<16xf32>,
          %parallel_loop3A_349 = arith.constant 528 : i32
          %parallel_loop3A_350 = arith.muli %parallel_loop3A_238, %parallel_loop3A_349 : i32
          %parallel_loop3A_351 = arith.constant 99 : i32
          %parallel_loop3A_352 = arith.addi %parallel_loop3A_350, %parallel_loop3A_351 : i32
          %parallel_loop3A_353 = arith.index_cast %parallel_loop3A_352 : i32 to index
          %parallel_loop3A_354 = tpu.vector_load %arg8[%parallel_loop3A_353] {strides = array<i32>} : memref<4224xf32, #tpu.memory_space<vmem>>, vector<16xf32>,
          tpu.vector_store %arg8[%parallel_loop3A_353], %parallel_loop3A_348 {strides = array<i32>} : memref<4224xf32, #tpu.memory_space<vmem>>, vector<16xf32>,
          %parallel_loop3A_355 = arith.constant 16 : i32
          %parallel_loop3A_356 = vector.broadcast %parallel_loop3A_355 : i32 to vector<16xi32>
          %parallel_loop3A_357 = arith.addi %parallel_loop3A_347, %parallel_loop3A_356 : vector<16xi32>
          %parallel_loop3A_358 = tpu.vector_load_idx %arg5[%parallel_loop3A_357] : memref<40960xf32, #tpu.memory_space<vmem>>[vector<16xi32>], vector<16xf32>,
          %parallel_loop3A_359 = arith.constant 528 : i32
          %parallel_loop3A_360 = arith.muli %parallel_loop3A_238, %parallel_loop3A_359 : i32
          %parallel_loop3A_361 = arith.constant 99 : i32
          %parallel_loop3A_362 = arith.addi %parallel_loop3A_360, %parallel_loop3A_361 : i32
          %parallel_loop3A_363 = arith.constant 16 : i32
          %parallel_loop3A_364 = arith.addi %parallel_loop3A_362, %parallel_loop3A_363 : i32
          %parallel_loop3A_365 = arith.index_cast %parallel_loop3A_364 : i32 to index
          %parallel_loop3A_366 = tpu.vector_load %arg8[%parallel_loop3A_365] {strides = array<i32>} : memref<4224xf32, #tpu.memory_space<vmem>>, vector<16xf32>,
          tpu.vector_store %arg8[%parallel_loop3A_365], %parallel_loop3A_358 {strides = array<i32>} : memref<4224xf32, #tpu.memory_space<vmem>>, vector<16xf32>,
          %parallel_loop3A_367 = arith.constant 0 : i32
          %parallel_loop3A_368 = vector.broadcast %parallel_loop3A_367 : i32 to vector<16xi32>
          %parallel_loop3A_369 = arith.cmpi slt, %broadcast_in_dim3A_12, %parallel_loop3A_368 : vector<16xi32>
          %parallel_loop3A_370 = arith.constant 16 : i32
          %parallel_loop3A_371 = vector.broadcast %parallel_loop3A_370 : i32 to vector<16xi32>
          %parallel_loop3A_372 = arith.addi %broadcast_in_dim3A_12, %parallel_loop3A_371 : vector<16xi32>
          %parallel_loop3A_373 = arith.select %parallel_loop3A_369, %parallel_loop3A_372, %broadcast_in_dim3A_12 : vector<16xi1>, vector<16xi32>
          %parallel_loop3A_374 = vector.shape_cast %parallel_loop3A_373 : vector<16xi32> to vector<16x1xi32>
          %parallel_loop3A_375 = vector.shape_cast %parallel_loop3A_374 : vector<16x1xi32> to vector<16xi32>
          %parallel_loop3A_376 = tpu.dynamic_gather %parallel_loop3A_246[%parallel_loop3A_375] in [0] : vector<16xi32>, vector<16xi32> -> vector<16xi32>
          %parallel_loop3A_377 = arith.addi %parallel_loop3A_376, %iota3A : vector<16xi32>
          %parallel_loop3A_378 = tpu.vector_load_idx %arg5[%parallel_loop3A_377] : memref<40960xf32, #tpu.memory_space<vmem>>[vector<16xi32>], vector<16xf32>,
          %parallel_loop3A_379 = arith.constant 528 : i32
          %parallel_loop3A_380 = arith.muli %parallel_loop3A_238, %parallel_loop3A_379 : i32
          %parallel_loop3A_381 = arith.constant 132 : i32
          %parallel_loop3A_382 = arith.addi %parallel_loop3A_380, %parallel_loop3A_381 : i32
          %parallel_loop3A_383 = arith.index_cast %parallel_loop3A_382 : i32 to index
          %parallel_loop3A_384 = tpu.vector_load %arg8[%parallel_loop3A_383] {strides = array<i32>} : memref<4224xf32, #tpu.memory_space<vmem>>, vector<16xf32>,
          tpu.vector_store %arg8[%parallel_loop3A_383], %parallel_loop3A_378 {strides = array<i32>} : memref<4224xf32, #tpu.memory_space<vmem>>, vector<16xf32>,
          %parallel_loop3A_385 = arith.constant 16 : i32
          %parallel_loop3A_386 = vector.broadcast %parallel_loop3A_385 : i32 to vector<16xi32>
          %parallel_loop3A_387 = arith.addi %parallel_loop3A_377, %parallel_loop3A_386 : vector<16xi32>
          %parallel_loop3A_388 = tpu.vector_load_idx %arg5[%parallel_loop3A_387] : memref<40960xf32, #tpu.memory_space<vmem>>[vector<16xi32>], vector<16xf32>,
          %parallel_loop3A_389 = arith.constant 528 : i32
          %parallel_loop3A_390 = arith.muli %parallel_loop3A_238, %parallel_loop3A_389 : i32
          %parallel_loop3A_391 = arith.constant 132 : i32
          %parallel_loop3A_392 = arith.addi %parallel_loop3A_390, %parallel_loop3A_391 : i32
          %parallel_loop3A_393 = arith.constant 16 : i32
          %parallel_loop3A_394 = arith.addi %parallel_loop3A_392, %parallel_loop3A_393 : i32
          %parallel_loop3A_395 = arith.index_cast %parallel_loop3A_394 : i32 to index
          %parallel_loop3A_396 = tpu.vector_load %arg8[%parallel_loop3A_395] {strides = array<i32>} : memref<4224xf32, #tpu.memory_space<vmem>>, vector<16xf32>,
          tpu.vector_store %arg8[%parallel_loop3A_395], %parallel_loop3A_388 {strides = array<i32>} : memref<4224xf32, #tpu.memory_space<vmem>>, vector<16xf32>,
          %parallel_loop3A_397 = arith.constant 0 : i32
          %parallel_loop3A_398 = vector.broadcast %parallel_loop3A_397 : i32 to vector<16xi32>
          %parallel_loop3A_399 = arith.cmpi slt, %broadcast_in_dim3A_14, %parallel_loop3A_398 : vector<16xi32>
          %parallel_loop3A_400 = arith.constant 16 : i32
          %parallel_loop3A_401 = vector.broadcast %parallel_loop3A_400 : i32 to vector<16xi32>
          %parallel_loop3A_402 = arith.addi %broadcast_in_dim3A_14, %parallel_loop3A_401 : vector<16xi32>
          %parallel_loop3A_403 = arith.select %parallel_loop3A_399, %parallel_loop3A_402, %broadcast_in_dim3A_14 : vector<16xi1>, vector<16xi32>
          %parallel_loop3A_404 = vector.shape_cast %parallel_loop3A_403 : vector<16xi32> to vector<16x1xi32>
          %parallel_loop3A_405 = vector.shape_cast %parallel_loop3A_404 : vector<16x1xi32> to vector<16xi32>
          %parallel_loop3A_406 = tpu.dynamic_gather %parallel_loop3A_246[%parallel_loop3A_405] in [0] : vector<16xi32>, vector<16xi32> -> vector<16xi32>
          %parallel_loop3A_407 = arith.addi %parallel_loop3A_406, %iota3A : vector<16xi32>
          %parallel_loop3A_408 = tpu.vector_load_idx %arg5[%parallel_loop3A_407] : memref<40960xf32, #tpu.memory_space<vmem>>[vector<16xi32>], vector<16xf32>,
          %parallel_loop3A_409 = arith.constant 528 : i32
          %parallel_loop3A_410 = arith.muli %parallel_loop3A_238, %parallel_loop3A_409 : i32
          %parallel_loop3A_411 = arith.constant 165 : i32
          %parallel_loop3A_412 = arith.addi %parallel_loop3A_410, %parallel_loop3A_411 : i32
          %parallel_loop3A_413 = arith.index_cast %parallel_loop3A_412 : i32 to index
          %parallel_loop3A_414 = tpu.vector_load %arg8[%parallel_loop3A_413] {strides = array<i32>} : memref<4224xf32, #tpu.memory_space<vmem>>, vector<16xf32>,
          tpu.vector_store %arg8[%parallel_loop3A_413], %parallel_loop3A_408 {strides = array<i32>} : memref<4224xf32, #tpu.memory_space<vmem>>, vector<16xf32>,
          %parallel_loop3A_415 = arith.constant 16 : i32
          %parallel_loop3A_416 = vector.broadcast %parallel_loop3A_415 : i32 to vector<16xi32>
          %parallel_loop3A_417 = arith.addi %parallel_loop3A_407, %parallel_loop3A_416 : vector<16xi32>
          %parallel_loop3A_418 = tpu.vector_load_idx %arg5[%parallel_loop3A_417] : memref<40960xf32, #tpu.memory_space<vmem>>[vector<16xi32>], vector<16xf32>,
          %parallel_loop3A_419 = arith.constant 528 : i32
          %parallel_loop3A_420 = arith.muli %parallel_loop3A_238, %parallel_loop3A_419 : i32
          %parallel_loop3A_421 = arith.constant 165 : i32
          %parallel_loop3A_422 = arith.addi %parallel_loop3A_420, %parallel_loop3A_421 : i32
          %parallel_loop3A_423 = arith.constant 16 : i32
          %parallel_loop3A_424 = arith.addi %parallel_loop3A_422, %parallel_loop3A_423 : i32
          %parallel_loop3A_425 = arith.index_cast %parallel_loop3A_424 : i32 to index
          %parallel_loop3A_426 = tpu.vector_load %arg8[%parallel_loop3A_425] {strides = array<i32>} : memref<4224xf32, #tpu.memory_space<vmem>>, vector<16xf32>,
          tpu.vector_store %arg8[%parallel_loop3A_425], %parallel_loop3A_418 {strides = array<i32>} : memref<4224xf32, #tpu.memory_space<vmem>>, vector<16xf32>,
          %parallel_loop3A_427 = arith.constant 0 : i32
          %parallel_loop3A_428 = vector.broadcast %parallel_loop3A_427 : i32 to vector<16xi32>
          %parallel_loop3A_429 = arith.cmpi slt, %broadcast_in_dim3A_16, %parallel_loop3A_428 : vector<16xi32>
          %parallel_loop3A_430 = arith.constant 16 : i32
          %parallel_loop3A_431 = vector.broadcast %parallel_loop3A_430 : i32 to vector<16xi32>
          %parallel_loop3A_432 = arith.addi %broadcast_in_dim3A_16, %parallel_loop3A_431 : vector<16xi32>
          %parallel_loop3A_433 = arith.select %parallel_loop3A_429, %parallel_loop3A_432, %broadcast_in_dim3A_16 : vector<16xi1>, vector<16xi32>
          %parallel_loop3A_434 = vector.shape_cast %parallel_loop3A_433 : vector<16xi32> to vector<16x1xi32>
          %parallel_loop3A_435 = vector.shape_cast %parallel_loop3A_434 : vector<16x1xi32> to vector<16xi32>
          %parallel_loop3A_436 = tpu.dynamic_gather %parallel_loop3A_246[%parallel_loop3A_435] in [0] : vector<16xi32>, vector<16xi32> -> vector<16xi32>
          %parallel_loop3A_437 = arith.addi %parallel_loop3A_436, %iota3A : vector<16xi32>
          %parallel_loop3A_438 = tpu.vector_load_idx %arg5[%parallel_loop3A_437] : memref<40960xf32, #tpu.memory_space<vmem>>[vector<16xi32>], vector<16xf32>,
          %parallel_loop3A_439 = arith.constant 528 : i32
          %parallel_loop3A_440 = arith.muli %parallel_loop3A_238, %parallel_loop3A_439 : i32
          %parallel_loop3A_441 = arith.constant 198 : i32
          %parallel_loop3A_442 = arith.addi %parallel_loop3A_440, %parallel_loop3A_441 : i32
          %parallel_loop3A_443 = arith.index_cast %parallel_loop3A_442 : i32 to index
          %parallel_loop3A_444 = tpu.vector_load %arg8[%parallel_loop3A_443] {strides = array<i32>} : memref<4224xf32, #tpu.memory_space<vmem>>, vector<16xf32>,
          tpu.vector_store %arg8[%parallel_loop3A_443], %parallel_loop3A_438 {strides = array<i32>} : memref<4224xf32, #tpu.memory_space<vmem>>, vector<16xf32>,
          %parallel_loop3A_445 = arith.constant 16 : i32
          %parallel_loop3A_446 = vector.broadcast %parallel_loop3A_445 : i32 to vector<16xi32>
          %parallel_loop3A_447 = arith.addi %parallel_loop3A_437, %parallel_loop3A_446 : vector<16xi32>
          %parallel_loop3A_448 = tpu.vector_load_idx %arg5[%parallel_loop3A_447] : memref<40960xf32, #tpu.memory_space<vmem>>[vector<16xi32>], vector<16xf32>,
          %parallel_loop3A_449 = arith.constant 528 : i32
          %parallel_loop3A_450 = arith.muli %parallel_loop3A_238, %parallel_loop3A_449 : i32
          %parallel_loop3A_451 = arith.constant 198 : i32
          %parallel_loop3A_452 = arith.addi %parallel_loop3A_450, %parallel_loop3A_451 : i32
          %parallel_loop3A_453 = arith.constant 16 : i32
          %parallel_loop3A_454 = arith.addi %parallel_loop3A_452, %parallel_loop3A_453 : i32
          %parallel_loop3A_455 = arith.index_cast %parallel_loop3A_454 : i32 to index
          %parallel_loop3A_456 = tpu.vector_load %arg8[%parallel_loop3A_455] {strides = array<i32>} : memref<4224xf32, #tpu.memory_space<vmem>>, vector<16xf32>,
          tpu.vector_store %arg8[%parallel_loop3A_455], %parallel_loop3A_448 {strides = array<i32>} : memref<4224xf32, #tpu.memory_space<vmem>>, vector<16xf32>,
          %parallel_loop3A_457 = arith.constant 0 : i32
          %parallel_loop3A_458 = vector.broadcast %parallel_loop3A_457 : i32 to vector<16xi32>
          %parallel_loop3A_459 = arith.cmpi slt, %broadcast_in_dim3A_18, %parallel_loop3A_458 : vector<16xi32>
          %parallel_loop3A_460 = arith.constant 16 : i32
          %parallel_loop3A_461 = vector.broadcast %parallel_loop3A_460 : i32 to vector<16xi32>
          %parallel_loop3A_462 = arith.addi %broadcast_in_dim3A_18, %parallel_loop3A_461 : vector<16xi32>
          %parallel_loop3A_463 = arith.select %parallel_loop3A_459, %parallel_loop3A_462, %broadcast_in_dim3A_18 : vector<16xi1>, vector<16xi32>
          %parallel_loop3A_464 = vector.shape_cast %parallel_loop3A_463 : vector<16xi32> to vector<16x1xi32>
          %parallel_loop3A_465 = vector.shape_cast %parallel_loop3A_464 : vector<16x1xi32> to vector<16xi32>
          %parallel_loop3A_466 = tpu.dynamic_gather %parallel_loop3A_246[%parallel_loop3A_465] in [0] : vector<16xi32>, vector<16xi32> -> vector<16xi32>
          %parallel_loop3A_467 = arith.addi %parallel_loop3A_466, %iota3A : vector<16xi32>
          %parallel_loop3A_468 = tpu.vector_load_idx %arg5[%parallel_loop3A_467] : memref<40960xf32, #tpu.memory_space<vmem>>[vector<16xi32>], vector<16xf32>,
          %parallel_loop3A_469 = arith.constant 528 : i32
          %parallel_loop3A_470 = arith.muli %parallel_loop3A_238, %parallel_loop3A_469 : i32
          %parallel_loop3A_471 = arith.constant 231 : i32
          %parallel_loop3A_472 = arith.addi %parallel_loop3A_470, %parallel_loop3A_471 : i32
          %parallel_loop3A_473 = arith.index_cast %parallel_loop3A_472 : i32 to index
          %parallel_loop3A_474 = tpu.vector_load %arg8[%parallel_loop3A_473] {strides = array<i32>} : memref<4224xf32, #tpu.memory_space<vmem>>, vector<16xf32>,
          tpu.vector_store %arg8[%parallel_loop3A_473], %parallel_loop3A_468 {strides = array<i32>} : memref<4224xf32, #tpu.memory_space<vmem>>, vector<16xf32>,
          %parallel_loop3A_475 = arith.constant 16 : i32
          %parallel_loop3A_476 = vector.broadcast %parallel_loop3A_475 : i32 to vector<16xi32>
          %parallel_loop3A_477 = arith.addi %parallel_loop3A_467, %parallel_loop3A_476 : vector<16xi32>
          %parallel_loop3A_478 = tpu.vector_load_idx %arg5[%parallel_loop3A_477] : memref<40960xf32, #tpu.memory_space<vmem>>[vector<16xi32>], vector<16xf32>,
          %parallel_loop3A_479 = arith.constant 528 : i32
          %parallel_loop3A_480 = arith.muli %parallel_loop3A_238, %parallel_loop3A_479 : i32
          %parallel_loop3A_481 = arith.constant 231 : i32
          %parallel_loop3A_482 = arith.addi %parallel_loop3A_480, %parallel_loop3A_481 : i32
          %parallel_loop3A_483 = arith.constant 16 : i32
          %parallel_loop3A_484 = arith.addi %parallel_loop3A_482, %parallel_loop3A_483 : i32
          %parallel_loop3A_485 = arith.index_cast %parallel_loop3A_484 : i32 to index
          %parallel_loop3A_486 = tpu.vector_load %arg8[%parallel_loop3A_485] {strides = array<i32>} : memref<4224xf32, #tpu.memory_space<vmem>>, vector<16xf32>,
          tpu.vector_store %arg8[%parallel_loop3A_485], %parallel_loop3A_478 {strides = array<i32>} : memref<4224xf32, #tpu.memory_space<vmem>>, vector<16xf32>,
          %parallel_loop3A_487 = arith.constant 0 : i32
          %parallel_loop3A_488 = vector.broadcast %parallel_loop3A_487 : i32 to vector<16xi32>
          %parallel_loop3A_489 = arith.cmpi slt, %broadcast_in_dim3A_20, %parallel_loop3A_488 : vector<16xi32>
          %parallel_loop3A_490 = arith.constant 16 : i32
          %parallel_loop3A_491 = vector.broadcast %parallel_loop3A_490 : i32 to vector<16xi32>
          %parallel_loop3A_492 = arith.addi %broadcast_in_dim3A_20, %parallel_loop3A_491 : vector<16xi32>
          %parallel_loop3A_493 = arith.select %parallel_loop3A_489, %parallel_loop3A_492, %broadcast_in_dim3A_20 : vector<16xi1>, vector<16xi32>
          %parallel_loop3A_494 = vector.shape_cast %parallel_loop3A_493 : vector<16xi32> to vector<16x1xi32>
          %parallel_loop3A_495 = vector.shape_cast %parallel_loop3A_494 : vector<16x1xi32> to vector<16xi32>
          %parallel_loop3A_496 = tpu.dynamic_gather %parallel_loop3A_246[%parallel_loop3A_495] in [0] : vector<16xi32>, vector<16xi32> -> vector<16xi32>
          %parallel_loop3A_497 = arith.addi %parallel_loop3A_496, %iota3A : vector<16xi32>
          %parallel_loop3A_498 = tpu.vector_load_idx %arg5[%parallel_loop3A_497] : memref<40960xf32, #tpu.memory_space<vmem>>[vector<16xi32>], vector<16xf32>,
          %parallel_loop3A_499 = arith.constant 528 : i32
          %parallel_loop3A_500 = arith.muli %parallel_loop3A_238, %parallel_loop3A_499 : i32
          %parallel_loop3A_501 = arith.constant 264 : i32
          %parallel_loop3A_502 = arith.addi %parallel_loop3A_500, %parallel_loop3A_501 : i32
          %parallel_loop3A_503 = arith.index_cast %parallel_loop3A_502 : i32 to index
          %parallel_loop3A_504 = tpu.vector_load %arg8[%parallel_loop3A_503] {strides = array<i32>} : memref<4224xf32, #tpu.memory_space<vmem>>, vector<16xf32>,
          tpu.vector_store %arg8[%parallel_loop3A_503], %parallel_loop3A_498 {strides = array<i32>} : memref<4224xf32, #tpu.memory_space<vmem>>, vector<16xf32>,
          %parallel_loop3A_505 = arith.constant 16 : i32
          %parallel_loop3A_506 = vector.broadcast %parallel_loop3A_505 : i32 to vector<16xi32>
          %parallel_loop3A_507 = arith.addi %parallel_loop3A_497, %parallel_loop3A_506 : vector<16xi32>
          %parallel_loop3A_508 = tpu.vector_load_idx %arg5[%parallel_loop3A_507] : memref<40960xf32, #tpu.memory_space<vmem>>[vector<16xi32>], vector<16xf32>,
          %parallel_loop3A_509 = arith.constant 528 : i32
          %parallel_loop3A_510 = arith.muli %parallel_loop3A_238, %parallel_loop3A_509 : i32
          %parallel_loop3A_511 = arith.constant 264 : i32
          %parallel_loop3A_512 = arith.addi %parallel_loop3A_510, %parallel_loop3A_511 : i32
          %parallel_loop3A_513 = arith.constant 16 : i32
          %parallel_loop3A_514 = arith.addi %parallel_loop3A_512, %parallel_loop3A_513 : i32
          %parallel_loop3A_515 = arith.index_cast %parallel_loop3A_514 : i32 to index
          %parallel_loop3A_516 = tpu.vector_load %arg8[%parallel_loop3A_515] {strides = array<i32>} : memref<4224xf32, #tpu.memory_space<vmem>>, vector<16xf32>,
          tpu.vector_store %arg8[%parallel_loop3A_515], %parallel_loop3A_508 {strides = array<i32>} : memref<4224xf32, #tpu.memory_space<vmem>>, vector<16xf32>,
          %parallel_loop3A_517 = arith.constant 0 : i32
          %parallel_loop3A_518 = vector.broadcast %parallel_loop3A_517 : i32 to vector<16xi32>
          %parallel_loop3A_519 = arith.cmpi slt, %broadcast_in_dim3A_22, %parallel_loop3A_518 : vector<16xi32>
          %parallel_loop3A_520 = arith.constant 16 : i32
          %parallel_loop3A_521 = vector.broadcast %parallel_loop3A_520 : i32 to vector<16xi32>
          %parallel_loop3A_522 = arith.addi %broadcast_in_dim3A_22, %parallel_loop3A_521 : vector<16xi32>
          %parallel_loop3A_523 = arith.select %parallel_loop3A_519, %parallel_loop3A_522, %broadcast_in_dim3A_22 : vector<16xi1>, vector<16xi32>
          %parallel_loop3A_524 = vector.shape_cast %parallel_loop3A_523 : vector<16xi32> to vector<16x1xi32>
          %parallel_loop3A_525 = vector.shape_cast %parallel_loop3A_524 : vector<16x1xi32> to vector<16xi32>
          %parallel_loop3A_526 = tpu.dynamic_gather %parallel_loop3A_246[%parallel_loop3A_525] in [0] : vector<16xi32>, vector<16xi32> -> vector<16xi32>
          %parallel_loop3A_527 = arith.addi %parallel_loop3A_526, %iota3A : vector<16xi32>
          %parallel_loop3A_528 = tpu.vector_load_idx %arg5[%parallel_loop3A_527] : memref<40960xf32, #tpu.memory_space<vmem>>[vector<16xi32>], vector<16xf32>,
          %parallel_loop3A_529 = arith.constant 528 : i32
          %parallel_loop3A_530 = arith.muli %parallel_loop3A_238, %parallel_loop3A_529 : i32
          %parallel_loop3A_531 = arith.constant 297 : i32
          %parallel_loop3A_532 = arith.addi %parallel_loop3A_530, %parallel_loop3A_531 : i32
          %parallel_loop3A_533 = arith.index_cast %parallel_loop3A_532 : i32 to index
          %parallel_loop3A_534 = tpu.vector_load %arg8[%parallel_loop3A_533] {strides = array<i32>} : memref<4224xf32, #tpu.memory_space<vmem>>, vector<16xf32>,
          tpu.vector_store %arg8[%parallel_loop3A_533], %parallel_loop3A_528 {strides = array<i32>} : memref<4224xf32, #tpu.memory_space<vmem>>, vector<16xf32>,
          %parallel_loop3A_535 = arith.constant 16 : i32
          %parallel_loop3A_536 = vector.broadcast %parallel_loop3A_535 : i32 to vector<16xi32>
          %parallel_loop3A_537 = arith.addi %parallel_loop3A_527, %parallel_loop3A_536 : vector<16xi32>
          %parallel_loop3A_538 = tpu.vector_load_idx %arg5[%parallel_loop3A_537] : memref<40960xf32, #tpu.memory_space<vmem>>[vector<16xi32>], vector<16xf32>,
          %parallel_loop3A_539 = arith.constant 528 : i32
          %parallel_loop3A_540 = arith.muli %parallel_loop3A_238, %parallel_loop3A_539 : i32
          %parallel_loop3A_541 = arith.constant 297 : i32
          %parallel_loop3A_542 = arith.addi %parallel_loop3A_540, %parallel_loop3A_541 : i32
          %parallel_loop3A_543 = arith.constant 16 : i32
          %parallel_loop3A_544 = arith.addi %parallel_loop3A_542, %parallel_loop3A_543 : i32
          %parallel_loop3A_545 = arith.index_cast %parallel_loop3A_544 : i32 to index
          %parallel_loop3A_546 = tpu.vector_load %arg8[%parallel_loop3A_545] {strides = array<i32>} : memref<4224xf32, #tpu.memory_space<vmem>>, vector<16xf32>,
          tpu.vector_store %arg8[%parallel_loop3A_545], %parallel_loop3A_538 {strides = array<i32>} : memref<4224xf32, #tpu.memory_space<vmem>>, vector<16xf32>,
          %parallel_loop3A_547 = arith.constant 0 : i32
          %parallel_loop3A_548 = vector.broadcast %parallel_loop3A_547 : i32 to vector<16xi32>
          %parallel_loop3A_549 = arith.cmpi slt, %broadcast_in_dim3A_24, %parallel_loop3A_548 : vector<16xi32>
          %parallel_loop3A_550 = arith.constant 16 : i32
          %parallel_loop3A_551 = vector.broadcast %parallel_loop3A_550 : i32 to vector<16xi32>
          %parallel_loop3A_552 = arith.addi %broadcast_in_dim3A_24, %parallel_loop3A_551 : vector<16xi32>
          %parallel_loop3A_553 = arith.select %parallel_loop3A_549, %parallel_loop3A_552, %broadcast_in_dim3A_24 : vector<16xi1>, vector<16xi32>
          %parallel_loop3A_554 = vector.shape_cast %parallel_loop3A_553 : vector<16xi32> to vector<16x1xi32>
          %parallel_loop3A_555 = vector.shape_cast %parallel_loop3A_554 : vector<16x1xi32> to vector<16xi32>
          %parallel_loop3A_556 = tpu.dynamic_gather %parallel_loop3A_246[%parallel_loop3A_555] in [0] : vector<16xi32>, vector<16xi32> -> vector<16xi32>
          %parallel_loop3A_557 = arith.addi %parallel_loop3A_556, %iota3A : vector<16xi32>
          %parallel_loop3A_558 = tpu.vector_load_idx %arg5[%parallel_loop3A_557] : memref<40960xf32, #tpu.memory_space<vmem>>[vector<16xi32>], vector<16xf32>,
          %parallel_loop3A_559 = arith.constant 528 : i32
          %parallel_loop3A_560 = arith.muli %parallel_loop3A_238, %parallel_loop3A_559 : i32
          %parallel_loop3A_561 = arith.constant 330 : i32
          %parallel_loop3A_562 = arith.addi %parallel_loop3A_560, %parallel_loop3A_561 : i32
          %parallel_loop3A_563 = arith.index_cast %parallel_loop3A_562 : i32 to index
          %parallel_loop3A_564 = tpu.vector_load %arg8[%parallel_loop3A_563] {strides = array<i32>} : memref<4224xf32, #tpu.memory_space<vmem>>, vector<16xf32>,
          tpu.vector_store %arg8[%parallel_loop3A_563], %parallel_loop3A_558 {strides = array<i32>} : memref<4224xf32, #tpu.memory_space<vmem>>, vector<16xf32>,
          %parallel_loop3A_565 = arith.constant 16 : i32
          %parallel_loop3A_566 = vector.broadcast %parallel_loop3A_565 : i32 to vector<16xi32>
          %parallel_loop3A_567 = arith.addi %parallel_loop3A_557, %parallel_loop3A_566 : vector<16xi32>
          %parallel_loop3A_568 = tpu.vector_load_idx %arg5[%parallel_loop3A_567] : memref<40960xf32, #tpu.memory_space<vmem>>[vector<16xi32>], vector<16xf32>,
          %parallel_loop3A_569 = arith.constant 528 : i32
          %parallel_loop3A_570 = arith.muli %parallel_loop3A_238, %parallel_loop3A_569 : i32
          %parallel_loop3A_571 = arith.constant 330 : i32
          %parallel_loop3A_572 = arith.addi %parallel_loop3A_570, %parallel_loop3A_571 : i32
          %parallel_loop3A_573 = arith.constant 16 : i32
          %parallel_loop3A_574 = arith.addi %parallel_loop3A_572, %parallel_loop3A_573 : i32
          %parallel_loop3A_575 = arith.index_cast %parallel_loop3A_574 : i32 to index
          %parallel_loop3A_576 = tpu.vector_load %arg8[%parallel_loop3A_575] {strides = array<i32>} : memref<4224xf32, #tpu.memory_space<vmem>>, vector<16xf32>,
          tpu.vector_store %arg8[%parallel_loop3A_575], %parallel_loop3A_568 {strides = array<i32>} : memref<4224xf32, #tpu.memory_space<vmem>>, vector<16xf32>,
          %parallel_loop3A_577 = arith.constant 0 : i32
          %parallel_loop3A_578 = vector.broadcast %parallel_loop3A_577 : i32 to vector<16xi32>
          %parallel_loop3A_579 = arith.cmpi slt, %broadcast_in_dim3A_26, %parallel_loop3A_578 : vector<16xi32>
          %parallel_loop3A_580 = arith.constant 16 : i32
          %parallel_loop3A_581 = vector.broadcast %parallel_loop3A_580 : i32 to vector<16xi32>
          %parallel_loop3A_582 = arith.addi %broadcast_in_dim3A_26, %parallel_loop3A_581 : vector<16xi32>
          %parallel_loop3A_583 = arith.select %parallel_loop3A_579, %parallel_loop3A_582, %broadcast_in_dim3A_26 : vector<16xi1>, vector<16xi32>
          %parallel_loop3A_584 = vector.shape_cast %parallel_loop3A_583 : vector<16xi32> to vector<16x1xi32>
          %parallel_loop3A_585 = vector.shape_cast %parallel_loop3A_584 : vector<16x1xi32> to vector<16xi32>
          %parallel_loop3A_586 = tpu.dynamic_gather %parallel_loop3A_246[%parallel_loop3A_585] in [0] : vector<16xi32>, vector<16xi32> -> vector<16xi32>
          %parallel_loop3A_587 = arith.addi %parallel_loop3A_586, %iota3A : vector<16xi32>
          %parallel_loop3A_588 = tpu.vector_load_idx %arg5[%parallel_loop3A_587] : memref<40960xf32, #tpu.memory_space<vmem>>[vector<16xi32>], vector<16xf32>,
          %parallel_loop3A_589 = arith.constant 528 : i32
          %parallel_loop3A_590 = arith.muli %parallel_loop3A_238, %parallel_loop3A_589 : i32
          %parallel_loop3A_591 = arith.constant 363 : i32
          %parallel_loop3A_592 = arith.addi %parallel_loop3A_590, %parallel_loop3A_591 : i32
          %parallel_loop3A_593 = arith.index_cast %parallel_loop3A_592 : i32 to index
          %parallel_loop3A_594 = tpu.vector_load %arg8[%parallel_loop3A_593] {strides = array<i32>} : memref<4224xf32, #tpu.memory_space<vmem>>, vector<16xf32>,
          tpu.vector_store %arg8[%parallel_loop3A_593], %parallel_loop3A_588 {strides = array<i32>} : memref<4224xf32, #tpu.memory_space<vmem>>, vector<16xf32>,
          %parallel_loop3A_595 = arith.constant 16 : i32
          %parallel_loop3A_596 = vector.broadcast %parallel_loop3A_595 : i32 to vector<16xi32>
          %parallel_loop3A_597 = arith.addi %parallel_loop3A_587, %parallel_loop3A_596 : vector<16xi32>
          %parallel_loop3A_598 = tpu.vector_load_idx %arg5[%parallel_loop3A_597] : memref<40960xf32, #tpu.memory_space<vmem>>[vector<16xi32>], vector<16xf32>,
          %parallel_loop3A_599 = arith.constant 528 : i32
          %parallel_loop3A_600 = arith.muli %parallel_loop3A_238, %parallel_loop3A_599 : i32
          %parallel_loop3A_601 = arith.constant 363 : i32
          %parallel_loop3A_602 = arith.addi %parallel_loop3A_600, %parallel_loop3A_601 : i32
          %parallel_loop3A_603 = arith.constant 16 : i32
          %parallel_loop3A_604 = arith.addi %parallel_loop3A_602, %parallel_loop3A_603 : i32
          %parallel_loop3A_605 = arith.index_cast %parallel_loop3A_604 : i32 to index
          %parallel_loop3A_606 = tpu.vector_load %arg8[%parallel_loop3A_605] {strides = array<i32>} : memref<4224xf32, #tpu.memory_space<vmem>>, vector<16xf32>,
          tpu.vector_store %arg8[%parallel_loop3A_605], %parallel_loop3A_598 {strides = array<i32>} : memref<4224xf32, #tpu.memory_space<vmem>>, vector<16xf32>,
          %parallel_loop3A_607 = arith.constant 0 : i32
          %parallel_loop3A_608 = vector.broadcast %parallel_loop3A_607 : i32 to vector<16xi32>
          %parallel_loop3A_609 = arith.cmpi slt, %broadcast_in_dim3A_28, %parallel_loop3A_608 : vector<16xi32>
          %parallel_loop3A_610 = arith.constant 16 : i32
          %parallel_loop3A_611 = vector.broadcast %parallel_loop3A_610 : i32 to vector<16xi32>
          %parallel_loop3A_612 = arith.addi %broadcast_in_dim3A_28, %parallel_loop3A_611 : vector<16xi32>
          %parallel_loop3A_613 = arith.select %parallel_loop3A_609, %parallel_loop3A_612, %broadcast_in_dim3A_28 : vector<16xi1>, vector<16xi32>
          %parallel_loop3A_614 = vector.shape_cast %parallel_loop3A_613 : vector<16xi32> to vector<16x1xi32>
          %parallel_loop3A_615 = vector.shape_cast %parallel_loop3A_614 : vector<16x1xi32> to vector<16xi32>
          %parallel_loop3A_616 = tpu.dynamic_gather %parallel_loop3A_246[%parallel_loop3A_615] in [0] : vector<16xi32>, vector<16xi32> -> vector<16xi32>
          %parallel_loop3A_617 = arith.addi %parallel_loop3A_616, %iota3A : vector<16xi32>
          %parallel_loop3A_618 = tpu.vector_load_idx %arg5[%parallel_loop3A_617] : memref<40960xf32, #tpu.memory_space<vmem>>[vector<16xi32>], vector<16xf32>,
          %parallel_loop3A_619 = arith.constant 528 : i32
          %parallel_loop3A_620 = arith.muli %parallel_loop3A_238, %parallel_loop3A_619 : i32
          %parallel_loop3A_621 = arith.constant 396 : i32
          %parallel_loop3A_622 = arith.addi %parallel_loop3A_620, %parallel_loop3A_621 : i32
          %parallel_loop3A_623 = arith.index_cast %parallel_loop3A_622 : i32 to index
          %parallel_loop3A_624 = tpu.vector_load %arg8[%parallel_loop3A_623] {strides = array<i32>} : memref<4224xf32, #tpu.memory_space<vmem>>, vector<16xf32>,
          tpu.vector_store %arg8[%parallel_loop3A_623], %parallel_loop3A_618 {strides = array<i32>} : memref<4224xf32, #tpu.memory_space<vmem>>, vector<16xf32>,
          %parallel_loop3A_625 = arith.constant 16 : i32
          %parallel_loop3A_626 = vector.broadcast %parallel_loop3A_625 : i32 to vector<16xi32>
          %parallel_loop3A_627 = arith.addi %parallel_loop3A_617, %parallel_loop3A_626 : vector<16xi32>
          %parallel_loop3A_628 = tpu.vector_load_idx %arg5[%parallel_loop3A_627] : memref<40960xf32, #tpu.memory_space<vmem>>[vector<16xi32>], vector<16xf32>,
          %parallel_loop3A_629 = arith.constant 528 : i32
          %parallel_loop3A_630 = arith.muli %parallel_loop3A_238, %parallel_loop3A_629 : i32
          %parallel_loop3A_631 = arith.constant 396 : i32
          %parallel_loop3A_632 = arith.addi %parallel_loop3A_630, %parallel_loop3A_631 : i32
          %parallel_loop3A_633 = arith.constant 16 : i32
          %parallel_loop3A_634 = arith.addi %parallel_loop3A_632, %parallel_loop3A_633 : i32
          %parallel_loop3A_635 = arith.index_cast %parallel_loop3A_634 : i32 to index
          %parallel_loop3A_636 = tpu.vector_load %arg8[%parallel_loop3A_635] {strides = array<i32>} : memref<4224xf32, #tpu.memory_space<vmem>>, vector<16xf32>,
          tpu.vector_store %arg8[%parallel_loop3A_635], %parallel_loop3A_628 {strides = array<i32>} : memref<4224xf32, #tpu.memory_space<vmem>>, vector<16xf32>,
          %parallel_loop3A_637 = arith.constant 0 : i32
          %parallel_loop3A_638 = vector.broadcast %parallel_loop3A_637 : i32 to vector<16xi32>
          %parallel_loop3A_639 = arith.cmpi slt, %broadcast_in_dim3A_30, %parallel_loop3A_638 : vector<16xi32>
          %parallel_loop3A_640 = arith.constant 16 : i32
          %parallel_loop3A_641 = vector.broadcast %parallel_loop3A_640 : i32 to vector<16xi32>
          %parallel_loop3A_642 = arith.addi %broadcast_in_dim3A_30, %parallel_loop3A_641 : vector<16xi32>
          %parallel_loop3A_643 = arith.select %parallel_loop3A_639, %parallel_loop3A_642, %broadcast_in_dim3A_30 : vector<16xi1>, vector<16xi32>
          %parallel_loop3A_644 = vector.shape_cast %parallel_loop3A_643 : vector<16xi32> to vector<16x1xi32>
          %parallel_loop3A_645 = vector.shape_cast %parallel_loop3A_644 : vector<16x1xi32> to vector<16xi32>
          %parallel_loop3A_646 = tpu.dynamic_gather %parallel_loop3A_246[%parallel_loop3A_645] in [0] : vector<16xi32>, vector<16xi32> -> vector<16xi32>
          %parallel_loop3A_647 = arith.addi %parallel_loop3A_646, %iota3A : vector<16xi32>
          %parallel_loop3A_648 = tpu.vector_load_idx %arg5[%parallel_loop3A_647] : memref<40960xf32, #tpu.memory_space<vmem>>[vector<16xi32>], vector<16xf32>,
          %parallel_loop3A_649 = arith.constant 528 : i32
          %parallel_loop3A_650 = arith.muli %parallel_loop3A_238, %parallel_loop3A_649 : i32
          %parallel_loop3A_651 = arith.constant 429 : i32
          %parallel_loop3A_652 = arith.addi %parallel_loop3A_650, %parallel_loop3A_651 : i32
          %parallel_loop3A_653 = arith.index_cast %parallel_loop3A_652 : i32 to index
          %parallel_loop3A_654 = tpu.vector_load %arg8[%parallel_loop3A_653] {strides = array<i32>} : memref<4224xf32, #tpu.memory_space<vmem>>, vector<16xf32>,
          tpu.vector_store %arg8[%parallel_loop3A_653], %parallel_loop3A_648 {strides = array<i32>} : memref<4224xf32, #tpu.memory_space<vmem>>, vector<16xf32>,
          %parallel_loop3A_655 = arith.constant 16 : i32
          %parallel_loop3A_656 = vector.broadcast %parallel_loop3A_655 : i32 to vector<16xi32>
          %parallel_loop3A_657 = arith.addi %parallel_loop3A_647, %parallel_loop3A_656 : vector<16xi32>
          %parallel_loop3A_658 = tpu.vector_load_idx %arg5[%parallel_loop3A_657] : memref<40960xf32, #tpu.memory_space<vmem>>[vector<16xi32>], vector<16xf32>,
          %parallel_loop3A_659 = arith.constant 528 : i32
          %parallel_loop3A_660 = arith.muli %parallel_loop3A_238, %parallel_loop3A_659 : i32
          %parallel_loop3A_661 = arith.constant 429 : i32
          %parallel_loop3A_662 = arith.addi %parallel_loop3A_660, %parallel_loop3A_661 : i32
          %parallel_loop3A_663 = arith.constant 16 : i32
          %parallel_loop3A_664 = arith.addi %parallel_loop3A_662, %parallel_loop3A_663 : i32
          %parallel_loop3A_665 = arith.index_cast %parallel_loop3A_664 : i32 to index
          %parallel_loop3A_666 = tpu.vector_load %arg8[%parallel_loop3A_665] {strides = array<i32>} : memref<4224xf32, #tpu.memory_space<vmem>>, vector<16xf32>,
          tpu.vector_store %arg8[%parallel_loop3A_665], %parallel_loop3A_658 {strides = array<i32>} : memref<4224xf32, #tpu.memory_space<vmem>>, vector<16xf32>,
          %parallel_loop3A_667 = arith.constant 0 : i32
          %parallel_loop3A_668 = vector.broadcast %parallel_loop3A_667 : i32 to vector<16xi32>
          %parallel_loop3A_669 = arith.cmpi slt, %broadcast_in_dim3A_32, %parallel_loop3A_668 : vector<16xi32>
          %parallel_loop3A_670 = arith.constant 16 : i32
          %parallel_loop3A_671 = vector.broadcast %parallel_loop3A_670 : i32 to vector<16xi32>
          %parallel_loop3A_672 = arith.addi %broadcast_in_dim3A_32, %parallel_loop3A_671 : vector<16xi32>
          %parallel_loop3A_673 = arith.select %parallel_loop3A_669, %parallel_loop3A_672, %broadcast_in_dim3A_32 : vector<16xi1>, vector<16xi32>
          %parallel_loop3A_674 = vector.shape_cast %parallel_loop3A_673 : vector<16xi32> to vector<16x1xi32>
          %parallel_loop3A_675 = vector.shape_cast %parallel_loop3A_674 : vector<16x1xi32> to vector<16xi32>
          %parallel_loop3A_676 = tpu.dynamic_gather %parallel_loop3A_246[%parallel_loop3A_675] in [0] : vector<16xi32>, vector<16xi32> -> vector<16xi32>
          %parallel_loop3A_677 = arith.addi %parallel_loop3A_676, %iota3A : vector<16xi32>
          %parallel_loop3A_678 = tpu.vector_load_idx %arg5[%parallel_loop3A_677] : memref<40960xf32, #tpu.memory_space<vmem>>[vector<16xi32>], vector<16xf32>,
          %parallel_loop3A_679 = arith.constant 528 : i32
          %parallel_loop3A_680 = arith.muli %parallel_loop3A_238, %parallel_loop3A_679 : i32
          %parallel_loop3A_681 = arith.constant 462 : i32
          %parallel_loop3A_682 = arith.addi %parallel_loop3A_680, %parallel_loop3A_681 : i32
          %parallel_loop3A_683 = arith.index_cast %parallel_loop3A_682 : i32 to index
          %parallel_loop3A_684 = tpu.vector_load %arg8[%parallel_loop3A_683] {strides = array<i32>} : memref<4224xf32, #tpu.memory_space<vmem>>, vector<16xf32>,
          tpu.vector_store %arg8[%parallel_loop3A_683], %parallel_loop3A_678 {strides = array<i32>} : memref<4224xf32, #tpu.memory_space<vmem>>, vector<16xf32>,
          %parallel_loop3A_685 = arith.constant 16 : i32
          %parallel_loop3A_686 = vector.broadcast %parallel_loop3A_685 : i32 to vector<16xi32>
          %parallel_loop3A_687 = arith.addi %parallel_loop3A_677, %parallel_loop3A_686 : vector<16xi32>
          %parallel_loop3A_688 = tpu.vector_load_idx %arg5[%parallel_loop3A_687] : memref<40960xf32, #tpu.memory_space<vmem>>[vector<16xi32>], vector<16xf32>,
          %parallel_loop3A_689 = arith.constant 528 : i32
          %parallel_loop3A_690 = arith.muli %parallel_loop3A_238, %parallel_loop3A_689 : i32
          %parallel_loop3A_691 = arith.constant 462 : i32
          %parallel_loop3A_692 = arith.addi %parallel_loop3A_690, %parallel_loop3A_691 : i32
          %parallel_loop3A_693 = arith.constant 16 : i32
          %parallel_loop3A_694 = arith.addi %parallel_loop3A_692, %parallel_loop3A_693 : i32
          %parallel_loop3A_695 = arith.index_cast %parallel_loop3A_694 : i32 to index
          %parallel_loop3A_696 = tpu.vector_load %arg8[%parallel_loop3A_695] {strides = array<i32>} : memref<4224xf32, #tpu.memory_space<vmem>>, vector<16xf32>,
          tpu.vector_store %arg8[%parallel_loop3A_695], %parallel_loop3A_688 {strides = array<i32>} : memref<4224xf32, #tpu.memory_space<vmem>>, vector<16xf32>,
          %parallel_loop3A_697 = arith.constant 0 : i32
          %parallel_loop3A_698 = vector.broadcast %parallel_loop3A_697 : i32 to vector<16xi32>
          %parallel_loop3A_699 = arith.cmpi slt, %broadcast_in_dim3A_34, %parallel_loop3A_698 : vector<16xi32>
          %parallel_loop3A_700 = arith.constant 16 : i32
          %parallel_loop3A_701 = vector.broadcast %parallel_loop3A_700 : i32 to vector<16xi32>
          %parallel_loop3A_702 = arith.addi %broadcast_in_dim3A_34, %parallel_loop3A_701 : vector<16xi32>
          %parallel_loop3A_703 = arith.select %parallel_loop3A_699, %parallel_loop3A_702, %broadcast_in_dim3A_34 : vector<16xi1>, vector<16xi32>
          %parallel_loop3A_704 = vector.shape_cast %parallel_loop3A_703 : vector<16xi32> to vector<16x1xi32>
          %parallel_loop3A_705 = vector.shape_cast %parallel_loop3A_704 : vector<16x1xi32> to vector<16xi32>
          %parallel_loop3A_706 = tpu.dynamic_gather %parallel_loop3A_246[%parallel_loop3A_705] in [0] : vector<16xi32>, vector<16xi32> -> vector<16xi32>
          %parallel_loop3A_707 = arith.addi %parallel_loop3A_706, %iota3A : vector<16xi32>
          %parallel_loop3A_708 = tpu.vector_load_idx %arg5[%parallel_loop3A_707] : memref<40960xf32, #tpu.memory_space<vmem>>[vector<16xi32>], vector<16xf32>,
          %parallel_loop3A_709 = arith.constant 528 : i32
          %parallel_loop3A_710 = arith.muli %parallel_loop3A_238, %parallel_loop3A_709 : i32
          %parallel_loop3A_711 = arith.constant 495 : i32
          %parallel_loop3A_712 = arith.addi %parallel_loop3A_710, %parallel_loop3A_711 : i32
          %parallel_loop3A_713 = arith.index_cast %parallel_loop3A_712 : i32 to index
          %parallel_loop3A_714 = tpu.vector_load %arg8[%parallel_loop3A_713] {strides = array<i32>} : memref<4224xf32, #tpu.memory_space<vmem>>, vector<16xf32>,
          tpu.vector_store %arg8[%parallel_loop3A_713], %parallel_loop3A_708 {strides = array<i32>} : memref<4224xf32, #tpu.memory_space<vmem>>, vector<16xf32>,
          %parallel_loop3A_715 = arith.constant 16 : i32
          %parallel_loop3A_716 = vector.broadcast %parallel_loop3A_715 : i32 to vector<16xi32>
          %parallel_loop3A_717 = arith.addi %parallel_loop3A_707, %parallel_loop3A_716 : vector<16xi32>
          %parallel_loop3A_718 = tpu.vector_load_idx %arg5[%parallel_loop3A_717] : memref<40960xf32, #tpu.memory_space<vmem>>[vector<16xi32>], vector<16xf32>,
          %parallel_loop3A_719 = arith.constant 528 : i32
          %parallel_loop3A_720 = arith.muli %parallel_loop3A_238, %parallel_loop3A_719 : i32
          %parallel_loop3A_721 = arith.constant 495 : i32
          %parallel_loop3A_722 = arith.addi %parallel_loop3A_720, %parallel_loop3A_721 : i32
          %parallel_loop3A_723 = arith.constant 16 : i32
          %parallel_loop3A_724 = arith.addi %parallel_loop3A_722, %parallel_loop3A_723 : i32
          %parallel_loop3A_725 = arith.index_cast %parallel_loop3A_724 : i32 to index
          %parallel_loop3A_726 = tpu.vector_load %arg8[%parallel_loop3A_725] {strides = array<i32>} : memref<4224xf32, #tpu.memory_space<vmem>>, vector<16xf32>,
          tpu.vector_store %arg8[%parallel_loop3A_725], %parallel_loop3A_718 {strides = array<i32>} : memref<4224xf32, #tpu.memory_space<vmem>>, vector<16xf32>,
        } {sc.loop_unroll_factor = 8 : i64, sc.parallel_access}
        %parallel_loop3A_234 = arith.constant 0 : i32
        %parallel_loop3A_235 = arith.constant 32 : i32
        %parallel_loop3A_236 = arith.constant 1 : i32
        scf.for %parallel_loop3A_238 = %parallel_loop3A_234 to %parallel_loop3A_235 step %parallel_loop3A_236  : i32 {
          %parallel_loop3A_239 = arith.constant 8 : i32
          %parallel_loop3A_240 = arith.divsi %parallel_loop3A_238, %parallel_loop3A_239 : i32
          %parallel_loop3A_241 = arith.constant 0 : i32
          %parallel_loop3A_242 = arith.cmpi sgt, %parallel_loop3A_238, %parallel_loop3A_241 : i32
          %parallel_loop3A_243 = arith.extui %parallel_loop3A_242 : i1 to i32
          %parallel_loop3A_244 = arith.constant 0 : i32
          %parallel_loop3A_245 = arith.cmpi slt, %parallel_loop3A_238, %parallel_loop3A_244 : i32
          %parallel_loop3A_246 = arith.extui %parallel_loop3A_245 : i1 to i32
          %parallel_loop3A_247 = arith.subi %parallel_loop3A_243, %parallel_loop3A_246 : i32
          %parallel_loop3A_248 = arith.constant 0 : i32
          %parallel_loop3A_249 = arith.cmpi sgt, %parallel_loop3A_239, %parallel_loop3A_248 : i32
          %parallel_loop3A_250 = arith.extui %parallel_loop3A_249 : i1 to i32
          %parallel_loop3A_251 = arith.constant 0 : i32
          %parallel_loop3A_252 = arith.cmpi slt, %parallel_loop3A_239, %parallel_loop3A_251 : i32
          %parallel_loop3A_253 = arith.extui %parallel_loop3A_252 : i1 to i32
          %parallel_loop3A_254 = arith.subi %parallel_loop3A_250, %parallel_loop3A_253 : i32
          %parallel_loop3A_255 = arith.cmpi ne, %parallel_loop3A_247, %parallel_loop3A_254 : i32
          %parallel_loop3A_256 = arith.remsi %parallel_loop3A_238, %parallel_loop3A_239 : i32
          %parallel_loop3A_257 = arith.constant 0 : i32
          %parallel_loop3A_258 = arith.cmpi ne, %parallel_loop3A_256, %parallel_loop3A_257 : i32
          %parallel_loop3A_259 = arith.andi %parallel_loop3A_255, %parallel_loop3A_258 : i1
          %parallel_loop3A_260 = arith.constant 1 : i32
          %parallel_loop3A_261 = arith.subi %parallel_loop3A_240, %parallel_loop3A_260 : i32
          %parallel_loop3A_262 = arith.select %parallel_loop3A_259, %parallel_loop3A_261, %parallel_loop3A_240 : i32
          %parallel_loop3A_263 = arith.constant 5120 : i32
          %parallel_loop3A_264 = arith.muli %parallel_loop3A_262, %parallel_loop3A_263 : i32
          %parallel_loop3A_265 = arith.addi %mul3A_170, %parallel_loop3A_264 : i32
          %parallel_loop3A_266 = arith.constant 1024 : i32
          %parallel_loop3A_267 = arith.muli %scan3A_230, %parallel_loop3A_266 : i32
          %parallel_loop3A_268 = arith.addi %parallel_loop3A_265, %parallel_loop3A_267 : i32
          %parallel_loop3A_269 = arith.constant 8 : i32
          %parallel_loop3A_270 = arith.constant 0 : i32
          %parallel_loop3A_271 = arith.cmpi eq, %parallel_loop3A_269, %parallel_loop3A_270 : i32
          %parallel_loop3A_272 = arith.constant 1 : i32
          %parallel_loop3A_273 = arith.select %parallel_loop3A_271, %parallel_loop3A_272, %parallel_loop3A_269 : i32
          %parallel_loop3A_274 = arith.remsi %parallel_loop3A_238, %parallel_loop3A_273 : i32
          %parallel_loop3A_275 = arith.constant 0 : i32
          %parallel_loop3A_276 = arith.cmpi ne, %parallel_loop3A_274, %parallel_loop3A_275 : i32
          %parallel_loop3A_277 = arith.constant 0 : i32
          %parallel_loop3A_278 = arith.cmpi slt, %parallel_loop3A_274, %parallel_loop3A_277 : i32
          %parallel_loop3A_279 = arith.constant 0 : i32
          %parallel_loop3A_280 = arith.cmpi slt, %parallel_loop3A_273, %parallel_loop3A_279 : i32
          %parallel_loop3A_281 = arith.xori %parallel_loop3A_278, %parallel_loop3A_280 : i1
          %parallel_loop3A_282 = arith.andi %parallel_loop3A_281, %parallel_loop3A_276 : i1
          %parallel_loop3A_283 = arith.addi %parallel_loop3A_274, %parallel_loop3A_273 : i32
          %parallel_loop3A_284 = arith.select %parallel_loop3A_282, %parallel_loop3A_283, %parallel_loop3A_274 : i32
          %parallel_loop3A_285 = arith.constant 128 : i32
          %parallel_loop3A_286 = arith.muli %parallel_loop3A_284, %parallel_loop3A_285 : i32
          %parallel_loop3A_287 = arith.addi %parallel_loop3A_268, %parallel_loop3A_286 : i32
          %parallel_loop3A_288 = arith.constant 0 : i32
          %parallel_loop3A_289 = arith.addi %parallel_loop3A_288, %parallel_loop3A_238 : i32
          %parallel_loop3A_290 = vector.broadcast %parallel_loop3A_289 : i32 to vector<16xi32>
          %parallel_loop3A_291 = arith.addi %mul3A_3, %parallel_loop3A_290 : vector<16xi32>
          %parallel_loop3A_292 = tpu.vector_load_idx %arg8[%parallel_loop3A_291] : memref<4224xf32, #tpu.memory_space<vmem>>[vector<16xi32>], vector<16xf32>,
          %parallel_loop3A_293 = arith.constant 0 : i32
          %parallel_loop3A_294 = arith.addi %parallel_loop3A_287, %parallel_loop3A_293 : i32
          %parallel_loop3A_295 = arith.index_cast %parallel_loop3A_294 : i32 to index
          %parallel_loop3A_296 = tpu.vector_load %arg7[%parallel_loop3A_295] {strides = array<i32>} : memref<40960xf32, #tpu.memory_space<vmem>>, vector<16xf32>,
          tpu.vector_store %arg7[%parallel_loop3A_295], %parallel_loop3A_292 {strides = array<i32>} : memref<40960xf32, #tpu.memory_space<vmem>>, vector<16xf32>,
          %parallel_loop3A_297 = arith.constant 528 : i32
          %parallel_loop3A_298 = arith.addi %parallel_loop3A_297, %parallel_loop3A_238 : i32
          %parallel_loop3A_299 = vector.broadcast %parallel_loop3A_298 : i32 to vector<16xi32>
          %parallel_loop3A_300 = arith.addi %mul3A_3, %parallel_loop3A_299 : vector<16xi32>
          %parallel_loop3A_301 = tpu.vector_load_idx %arg8[%parallel_loop3A_300] : memref<4224xf32, #tpu.memory_space<vmem>>[vector<16xi32>], vector<16xf32>,
          %parallel_loop3A_302 = arith.constant 16 : i32
          %parallel_loop3A_303 = arith.addi %parallel_loop3A_287, %parallel_loop3A_302 : i32
          %parallel_loop3A_304 = arith.index_cast %parallel_loop3A_303 : i32 to index
          %parallel_loop3A_305 = tpu.vector_load %arg7[%parallel_loop3A_304] {strides = array<i32>} : memref<40960xf32, #tpu.memory_space<vmem>>, vector<16xf32>,
          tpu.vector_store %arg7[%parallel_loop3A_304], %parallel_loop3A_301 {strides = array<i32>} : memref<40960xf32, #tpu.memory_space<vmem>>, vector<16xf32>,
          %parallel_loop3A_306 = arith.constant 1056 : i32
          %parallel_loop3A_307 = arith.addi %parallel_loop3A_306, %parallel_loop3A_238 : i32
          %parallel_loop3A_308 = vector.broadcast %parallel_loop3A_307 : i32 to vector<16xi32>
          %parallel_loop3A_309 = arith.addi %mul3A_3, %parallel_loop3A_308 : vector<16xi32>
          %parallel_loop3A_310 = tpu.vector_load_idx %arg8[%parallel_loop3A_309] : memref<4224xf32, #tpu.memory_space<vmem>>[vector<16xi32>], vector<16xf32>,
          %parallel_loop3A_311 = arith.constant 32 : i32
          %parallel_loop3A_312 = arith.addi %parallel_loop3A_287, %parallel_loop3A_311 : i32
          %parallel_loop3A_313 = arith.index_cast %parallel_loop3A_312 : i32 to index
          %parallel_loop3A_314 = tpu.vector_load %arg7[%parallel_loop3A_313] {strides = array<i32>} : memref<40960xf32, #tpu.memory_space<vmem>>, vector<16xf32>,
          tpu.vector_store %arg7[%parallel_loop3A_313], %parallel_loop3A_310 {strides = array<i32>} : memref<40960xf32, #tpu.memory_space<vmem>>, vector<16xf32>,
          %parallel_loop3A_315 = arith.constant 1584 : i32
          %parallel_loop3A_316 = arith.addi %parallel_loop3A_315, %parallel_loop3A_238 : i32
          %parallel_loop3A_317 = vector.broadcast %parallel_loop3A_316 : i32 to vector<16xi32>
          %parallel_loop3A_318 = arith.addi %mul3A_3, %parallel_loop3A_317 : vector<16xi32>
          %parallel_loop3A_319 = tpu.vector_load_idx %arg8[%parallel_loop3A_318] : memref<4224xf32, #tpu.memory_space<vmem>>[vector<16xi32>], vector<16xf32>,
          %parallel_loop3A_320 = arith.constant 48 : i32
          %parallel_loop3A_321 = arith.addi %parallel_loop3A_287, %parallel_loop3A_320 : i32
          %parallel_loop3A_322 = arith.index_cast %parallel_loop3A_321 : i32 to index
          %parallel_loop3A_323 = tpu.vector_load %arg7[%parallel_loop3A_322] {strides = array<i32>} : memref<40960xf32, #tpu.memory_space<vmem>>, vector<16xf32>,
          tpu.vector_store %arg7[%parallel_loop3A_322], %parallel_loop3A_319 {strides = array<i32>} : memref<40960xf32, #tpu.memory_space<vmem>>, vector<16xf32>,
          %parallel_loop3A_324 = arith.constant 2112 : i32
          %parallel_loop3A_325 = arith.addi %parallel_loop3A_324, %parallel_loop3A_238 : i32
          %parallel_loop3A_326 = vector.broadcast %parallel_loop3A_325 : i32 to vector<16xi32>
          %parallel_loop3A_327 = arith.addi %mul3A_3, %parallel_loop3A_326 : vector<16xi32>
          %parallel_loop3A_328 = tpu.vector_load_idx %arg8[%parallel_loop3A_327] : memref<4224xf32, #tpu.memory_space<vmem>>[vector<16xi32>], vector<16xf32>,
          %parallel_loop3A_329 = arith.constant 64 : i32
          %parallel_loop3A_330 = arith.addi %parallel_loop3A_287, %parallel_loop3A_329 : i32
          %parallel_loop3A_331 = arith.index_cast %parallel_loop3A_330 : i32 to index
          %parallel_loop3A_332 = tpu.vector_load %arg7[%parallel_loop3A_331] {strides = array<i32>} : memref<40960xf32, #tpu.memory_space<vmem>>, vector<16xf32>,
          tpu.vector_store %arg7[%parallel_loop3A_331], %parallel_loop3A_328 {strides = array<i32>} : memref<40960xf32, #tpu.memory_space<vmem>>, vector<16xf32>,
          %parallel_loop3A_333 = arith.constant 2640 : i32
          %parallel_loop3A_334 = arith.addi %parallel_loop3A_333, %parallel_loop3A_238 : i32
          %parallel_loop3A_335 = vector.broadcast %parallel_loop3A_334 : i32 to vector<16xi32>
          %parallel_loop3A_336 = arith.addi %mul3A_3, %parallel_loop3A_335 : vector<16xi32>
          %parallel_loop3A_337 = tpu.vector_load_idx %arg8[%parallel_loop3A_336] : memref<4224xf32, #tpu.memory_space<vmem>>[vector<16xi32>], vector<16xf32>,
          %parallel_loop3A_338 = arith.constant 80 : i32
          %parallel_loop3A_339 = arith.addi %parallel_loop3A_287, %parallel_loop3A_338 : i32
          %parallel_loop3A_340 = arith.index_cast %parallel_loop3A_339 : i32 to index
          %parallel_loop3A_341 = tpu.vector_load %arg7[%parallel_loop3A_340] {strides = array<i32>} : memref<40960xf32, #tpu.memory_space<vmem>>, vector<16xf32>,
          tpu.vector_store %arg7[%parallel_loop3A_340], %parallel_loop3A_337 {strides = array<i32>} : memref<40960xf32, #tpu.memory_space<vmem>>, vector<16xf32>,
          %parallel_loop3A_342 = arith.constant 3168 : i32
          %parallel_loop3A_343 = arith.addi %parallel_loop3A_342, %parallel_loop3A_238 : i32
          %parallel_loop3A_344 = vector.broadcast %parallel_loop3A_343 : i32 to vector<16xi32>
          %parallel_loop3A_345 = arith.addi %mul3A_3, %parallel_loop3A_344 : vector<16xi32>
          %parallel_loop3A_346 = tpu.vector_load_idx %arg8[%parallel_loop3A_345] : memref<4224xf32, #tpu.memory_space<vmem>>[vector<16xi32>], vector<16xf32>,
          %parallel_loop3A_347 = arith.constant 96 : i32
          %parallel_loop3A_348 = arith.addi %parallel_loop3A_287, %parallel_loop3A_347 : i32
          %parallel_loop3A_349 = arith.index_cast %parallel_loop3A_348 : i32 to index
          %parallel_loop3A_350 = tpu.vector_load %arg7[%parallel_loop3A_349] {strides = array<i32>} : memref<40960xf32, #tpu.memory_space<vmem>>, vector<16xf32>,
          tpu.vector_store %arg7[%parallel_loop3A_349], %parallel_loop3A_346 {strides = array<i32>} : memref<40960xf32, #tpu.memory_space<vmem>>, vector<16xf32>,
          %parallel_loop3A_351 = arith.constant 3696 : i32
          %parallel_loop3A_352 = arith.addi %parallel_loop3A_351, %parallel_loop3A_238 : i32
          %parallel_loop3A_353 = vector.broadcast %parallel_loop3A_352 : i32 to vector<16xi32>
          %parallel_loop3A_354 = arith.addi %mul3A_3, %parallel_loop3A_353 : vector<16xi32>
          %parallel_loop3A_355 = tpu.vector_load_idx %arg8[%parallel_loop3A_354] : memref<4224xf32, #tpu.memory_space<vmem>>[vector<16xi32>], vector<16xf32>,
          %parallel_loop3A_356 = arith.constant 112 : i32
          %parallel_loop3A_357 = arith.addi %parallel_loop3A_287, %parallel_loop3A_356 : i32
          %parallel_loop3A_358 = arith.index_cast %parallel_loop3A_357 : i32 to index
          %parallel_loop3A_359 = tpu.vector_load %arg7[%parallel_loop3A_358] {strides = array<i32>} : memref<40960xf32, #tpu.memory_space<vmem>>, vector<16xf32>,
          tpu.vector_store %arg7[%parallel_loop3A_358], %parallel_loop3A_355 {strides = array<i32>} : memref<40960xf32, #tpu.memory_space<vmem>>, vector<16xf32>,
        } {sc.loop_unroll_factor = 8 : i64, sc.parallel_access}
        %scan3A_237 = arith.constant 0 : i32
        scf.yield %scan3A_237 : i32
      }
      %scan3A_178 = arith.constant 5 : i32
      %add3A_179 = arith.constant 0 : i32
      %add3A_180 = arith.addi %mul3A_170, %add3A_179 : i32
      %mul3A_181 = arith.constant 5120 : i32
      %mul3A_182 = arith.muli %add3A_136, %mul3A_181 : i32
      %add3A_183 = arith.constant 0 : i32
      %add3A_184 = arith.addi %add3A_183, %mul3A_182 : i32
      %dma_start3A_185 = tpu.memref_slice %arg7[%add3A_180] : memref<40960xf32, #tpu.memory_space<vmem>> -> memref<5120xf32, #tpu.memory_space<vmem>>
      %dma_start3A_186 = tpu.memref_slice %arg4[%add3A_184] : memref<51200000xf32, #tpu.memory_space<hbm>> -> memref<5120xf32, #tpu.memory_space<hbm>>
      %dma_start3A_187 = tpu.memref_slice %arg4[%add3A_184] : memref<51200000xf32, #tpu.memory_space<hbm>> -> memref<5120xf32, #tpu.memory_space<hbm>>
      %dma_start3A_188 = tpu.memref_slice %arg7[%add3A_180] : memref<40960xf32, #tpu.memory_space<vmem>> -> memref<5120xf32, #tpu.memory_space<vmem>>
      tpu.enqueue_dma source(%dma_start3A_188 : memref<5120xf32, #tpu.memory_space<vmem>>) target(%dma_start3A_187 : memref<5120xf32, #tpu.memory_space<hbm>>) target_semaphore(%arg10 : memref<!tpu.dma_semaphore, #tpu.memory_space<semaphore_mem>>)
      %add3A_189 = arith.constant 5120 : i32
      %add3A_190 = arith.addi %mul3A_170, %add3A_189 : i32
      %mul3A_191 = arith.constant 5120 : i32
      %mul3A_192 = arith.muli %add3A_136, %mul3A_191 : i32
      %add3A_193 = arith.constant 12800000 : i32
      %add3A_194 = arith.addi %add3A_193, %mul3A_192 : i32
      %dma_start3A_195 = tpu.memref_slice %arg7[%add3A_190] : memref<40960xf32, #tpu.memory_space<vmem>> -> memref<5120xf32, #tpu.memory_space<vmem>>
      %dma_start3A_196 = tpu.memref_slice %arg4[%add3A_194] : memref<51200000xf32, #tpu.memory_space<hbm>> -> memref<5120xf32, #tpu.memory_space<hbm>>
      %dma_start3A_197 = tpu.memref_slice %arg4[%add3A_194] : memref<51200000xf32, #tpu.memory_space<hbm>> -> memref<5120xf32, #tpu.memory_space<hbm>>
      %dma_start3A_198 = tpu.memref_slice %arg7[%add3A_190] : memref<40960xf32, #tpu.memory_space<vmem>> -> memref<5120xf32, #tpu.memory_space<vmem>>
      tpu.enqueue_dma source(%dma_start3A_198 : memref<5120xf32, #tpu.memory_space<vmem>>) target(%dma_start3A_197 : memref<5120xf32, #tpu.memory_space<hbm>>) target_semaphore(%arg10 : memref<!tpu.dma_semaphore, #tpu.memory_space<semaphore_mem>>)
      %add3A_199 = arith.constant 10240 : i32
      %add3A_200 = arith.addi %mul3A_170, %add3A_199 : i32
      %mul3A_201 = arith.constant 5120 : i32
      %mul3A_202 = arith.muli %add3A_136, %mul3A_201 : i32
      %add3A_203 = arith.constant 25600000 : i32
      %add3A_204 = arith.addi %add3A_203, %mul3A_202 : i32
      %dma_start3A_205 = tpu.memref_slice %arg7[%add3A_200] : memref<40960xf32, #tpu.memory_space<vmem>> -> memref<5120xf32, #tpu.memory_space<vmem>>
      %dma_start3A_206 = tpu.memref_slice %arg4[%add3A_204] : memref<51200000xf32, #tpu.memory_space<hbm>> -> memref<5120xf32, #tpu.memory_space<hbm>>
      %dma_start3A_207 = tpu.memref_slice %arg4[%add3A_204] : memref<51200000xf32, #tpu.memory_space<hbm>> -> memref<5120xf32, #tpu.memory_space<hbm>>
      %dma_start3A_208 = tpu.memref_slice %arg7[%add3A_200] : memref<40960xf32, #tpu.memory_space<vmem>> -> memref<5120xf32, #tpu.memory_space<vmem>>
      tpu.enqueue_dma source(%dma_start3A_208 : memref<5120xf32, #tpu.memory_space<vmem>>) target(%dma_start3A_207 : memref<5120xf32, #tpu.memory_space<hbm>>) target_semaphore(%arg10 : memref<!tpu.dma_semaphore, #tpu.memory_space<semaphore_mem>>)
      %add3A_209 = arith.constant 15360 : i32
      %add3A_210 = arith.addi %mul3A_170, %add3A_209 : i32
      %mul3A_211 = arith.constant 5120 : i32
      %mul3A_212 = arith.muli %add3A_136, %mul3A_211 : i32
      %add3A_213 = arith.constant 38400000 : i32
      %add3A_214 = arith.addi %add3A_213, %mul3A_212 : i32
      %dma_start3A_215 = tpu.memref_slice %arg7[%add3A_210] : memref<40960xf32, #tpu.memory_space<vmem>> -> memref<5120xf32, #tpu.memory_space<vmem>>
      %dma_start3A_216 = tpu.memref_slice %arg4[%add3A_214] : memref<51200000xf32, #tpu.memory_space<hbm>> -> memref<5120xf32, #tpu.memory_space<hbm>>
      %dma_start3A_217 = tpu.memref_slice %arg4[%add3A_214] : memref<51200000xf32, #tpu.memory_space<hbm>> -> memref<5120xf32, #tpu.memory_space<hbm>>
      %dma_start3A_218 = tpu.memref_slice %arg7[%add3A_210] : memref<40960xf32, #tpu.memory_space<vmem>> -> memref<5120xf32, #tpu.memory_space<vmem>>
      tpu.enqueue_dma source(%dma_start3A_218 : memref<5120xf32, #tpu.memory_space<vmem>>) target(%dma_start3A_217 : memref<5120xf32, #tpu.memory_space<hbm>>) target_semaphore(%arg10 : memref<!tpu.dma_semaphore, #tpu.memory_space<semaphore_mem>>)
      %gt3A = arith.constant 0 : i32
      %gt3A_219 = arith.cmpi sgt, %while3A_118, %gt3A : i32
      %convert_element_type3A = arith.extui %gt3A_219 : i1 to i32
      %cond3A = arith.constant 0 : i32
      %cond3A_220 = arith.cmpi ne, %convert_element_type3A, %cond3A : i32
      scf.if %cond3A_220 {
        %dma_wait3A_230 = arith.constant 0 : i32
        %dma_wait3A_231 = tpu.memref_slice %arg7[%dma_wait3A_230] : memref<40960xf32, #tpu.memory_space<vmem>> -> memref<5120xf32, #tpu.memory_space<vmem>>
        %dma_wait3A_232 = arith.constant 0 : i32
        %dma_wait3A_233 = tpu.memref_slice %arg4[%dma_wait3A_232] : memref<51200000xf32, #tpu.memory_space<hbm>> -> memref<5120xf32, #tpu.memory_space<hbm>>
        %dma_wait3A_234 = arith.constant 0 : i32
        %dma_wait3A_235 = tpu.memref_slice %arg4[%dma_wait3A_234] : memref<51200000xf32, #tpu.memory_space<hbm>> -> memref<5120xf32, #tpu.memory_space<hbm>>
        %dma_wait3A_236 = arith.constant 0 : i32
        %dma_wait3A_237 = tpu.memref_slice %arg7[%dma_wait3A_236] : memref<40960xf32, #tpu.memory_space<vmem>> -> memref<5120xf32, #tpu.memory_space<vmem>>
        tpu.wait_dma2 semaphore(%arg10 : memref<!tpu.dma_semaphore, #tpu.memory_space<semaphore_mem>>) src(%dma_wait3A_237 : memref<5120xf32, #tpu.memory_space<vmem>>) dst(%dma_wait3A_235 : memref<5120xf32, #tpu.memory_space<hbm>>)
        %dma_wait3A_238 = arith.constant 0 : i32
        %dma_wait3A_239 = tpu.memref_slice %arg7[%dma_wait3A_238] : memref<40960xf32, #tpu.memory_space<vmem>> -> memref<5120xf32, #tpu.memory_space<vmem>>
        %dma_wait3A_240 = arith.constant 0 : i32
        %dma_wait3A_241 = tpu.memref_slice %arg4[%dma_wait3A_240] : memref<51200000xf32, #tpu.memory_space<hbm>> -> memref<5120xf32, #tpu.memory_space<hbm>>
        %dma_wait3A_242 = arith.constant 0 : i32
        %dma_wait3A_243 = tpu.memref_slice %arg4[%dma_wait3A_242] : memref<51200000xf32, #tpu.memory_space<hbm>> -> memref<5120xf32, #tpu.memory_space<hbm>>
        %dma_wait3A_244 = arith.constant 0 : i32
        %dma_wait3A_245 = tpu.memref_slice %arg7[%dma_wait3A_244] : memref<40960xf32, #tpu.memory_space<vmem>> -> memref<5120xf32, #tpu.memory_space<vmem>>
        tpu.wait_dma2 semaphore(%arg10 : memref<!tpu.dma_semaphore, #tpu.memory_space<semaphore_mem>>) src(%dma_wait3A_245 : memref<5120xf32, #tpu.memory_space<vmem>>) dst(%dma_wait3A_243 : memref<5120xf32, #tpu.memory_space<hbm>>)
        %dma_wait3A_246 = arith.constant 0 : i32
        %dma_wait3A_247 = tpu.memref_slice %arg7[%dma_wait3A_246] : memref<40960xf32, #tpu.memory_space<vmem>> -> memref<5120xf32, #tpu.memory_space<vmem>>
        %dma_wait3A_248 = arith.constant 0 : i32
        %dma_wait3A_249 = tpu.memref_slice %arg4[%dma_wait3A_248] : memref<51200000xf32, #tpu.memory_space<hbm>> -> memref<5120xf32, #tpu.memory_space<hbm>>
        %dma_wait3A_250 = arith.constant 0 : i32
        %dma_wait3A_251 = tpu.memref_slice %arg4[%dma_wait3A_250] : memref<51200000xf32, #tpu.memory_space<hbm>> -> memref<5120xf32, #tpu.memory_space<hbm>>
        %dma_wait3A_252 = arith.constant 0 : i32
        %dma_wait3A_253 = tpu.memref_slice %arg7[%dma_wait3A_252] : memref<40960xf32, #tpu.memory_space<vmem>> -> memref<5120xf32, #tpu.memory_space<vmem>>
        tpu.wait_dma2 semaphore(%arg10 : memref<!tpu.dma_semaphore, #tpu.memory_space<semaphore_mem>>) src(%dma_wait3A_253 : memref<5120xf32, #tpu.memory_space<vmem>>) dst(%dma_wait3A_251 : memref<5120xf32, #tpu.memory_space<hbm>>)
        %dma_wait3A_254 = arith.constant 0 : i32
        %dma_wait3A_255 = tpu.memref_slice %arg7[%dma_wait3A_254] : memref<40960xf32, #tpu.memory_space<vmem>> -> memref<5120xf32, #tpu.memory_space<vmem>>
        %dma_wait3A_256 = arith.constant 0 : i32
        %dma_wait3A_257 = tpu.memref_slice %arg4[%dma_wait3A_256] : memref<51200000xf32, #tpu.memory_space<hbm>> -> memref<5120xf32, #tpu.memory_space<hbm>>
        %dma_wait3A_258 = arith.constant 0 : i32
        %dma_wait3A_259 = tpu.memref_slice %arg4[%dma_wait3A_258] : memref<51200000xf32, #tpu.memory_space<hbm>> -> memref<5120xf32, #tpu.memory_space<hbm>>
        %dma_wait3A_260 = arith.constant 0 : i32
        %dma_wait3A_261 = tpu.memref_slice %arg7[%dma_wait3A_260] : memref<40960xf32, #tpu.memory_space<vmem>> -> memref<5120xf32, #tpu.memory_space<vmem>>
        tpu.wait_dma2 semaphore(%arg10 : memref<!tpu.dma_semaphore, #tpu.memory_space<semaphore_mem>>) src(%dma_wait3A_261 : memref<5120xf32, #tpu.memory_space<vmem>>) dst(%dma_wait3A_259 : memref<5120xf32, #tpu.memory_space<hbm>>)
      } else {
      }
      %dma_wait3A_221 = arith.constant 0 : i32
      %dma_wait3A_222 = tpu.memref_slice %arg6[%dma_wait3A_221] : memref<1280xi32, #tpu.memory_space<vmem>> -> memref<640xi32, #tpu.memory_space<vmem>>
      %dma_wait3A_223 = arith.constant 0 : i32
      %dma_wait3A_224 = tpu.memref_slice %arg3[%dma_wait3A_223] : memref<1600000xi32, #tpu.memory_space<hbm>> -> memref<640xi32, #tpu.memory_space<hbm>>
      %dma_wait3A_225 = arith.constant 0 : i32
      %dma_wait3A_226 = tpu.memref_slice %arg6[%dma_wait3A_225] : memref<1280xi32, #tpu.memory_space<vmem>> -> memref<640xi32, #tpu.memory_space<vmem>>
      %dma_wait3A_227 = arith.constant 0 : i32
      %dma_wait3A_228 = tpu.memref_slice %arg3[%dma_wait3A_227] : memref<1600000xi32, #tpu.memory_space<hbm>> -> memref<640xi32, #tpu.memory_space<hbm>>
      tpu.wait_dma2 semaphore(%arg9 : memref<!tpu.dma_semaphore, #tpu.memory_space<semaphore_mem>>) src(%dma_wait3A_228 : memref<640xi32, #tpu.memory_space<hbm>>) dst(%dma_wait3A_226 : memref<640xi32, #tpu.memory_space<vmem>>)
      %while3A_229 = arith.constant 0 : i32
      scf.yield %while3A_229 : i32
    }
    %while3A_84 = arith.constant 1 : i32
    %while3A_85 = scf.for %while3A_118 = %while3A_81 to %while3A_77 step %while3A_84 iter_args(%while3A_119 = %while3A_83) -> (i32)  : i32 {
      %jit3A_120 = arith.constant 2 : i32
      %eq3A = arith.constant 0 : i32
      %eq3A_121 = arith.cmpi eq, %jit3A_120, %eq3A : i32
      %jit3A_122 = arith.constant 1 : i32
      %select_n3A_123 = arith.select %eq3A_121, %jit3A_122, %jit3A_120 : i32
      %rem3A_124 = arith.remsi %while3A_118, %select_n3A_123 : i32
      %ne3A_125 = arith.constant 0 : i32
      %ne3A_126 = arith.cmpi ne, %rem3A_124, %ne3A_125 : i32
      %lt3A = arith.constant 0 : i32
      %lt3A_127 = arith.cmpi slt, %rem3A_124, %lt3A : i32
      %lt3A_128 = arith.constant 0 : i32
      %lt3A_129 = arith.cmpi slt, %select_n3A_123, %lt3A_128 : i32
      %ne3A_130 = arith.xori %lt3A_127, %lt3A_129 : i1
      %and3A_131 = arith.andi %ne3A_130, %ne3A_126 : i1
      %add3A_132 = arith.addi %rem3A_124, %select_n3A_123 : i32
      %select_n3A_133 = arith.select %and3A_131, %add3A_132, %rem3A_124 : i32
      %mul3A_134 = arith.constant 32 : i32
      %mul3A_135 = arith.muli %while3A_118, %mul3A_134 : i32
      %add3A_136 = arith.addi %add3A, %mul3A_135 : i32
      %add3A_137 = arith.constant 1 : i32
      %add3A_138 = arith.addi %while3A_118, %add3A_137 : i32
      %sub3A_139 = arith.constant 1 : i32
      %sub3A_140 = arith.subi %select_n3A, %sub3A_139 : i32
      %min3A_141 = arith.minsi %add3A_138, %sub3A_140 : i32
      %mul3A_142 = arith.constant 32 : i32
      %mul3A_143 = arith.muli %min3A_141, %mul3A_142 : i32
      %add3A_144 = arith.addi %add3A, %mul3A_143 : i32
      %mul3A_145 = arith.constant 640 : i32
      %mul3A_146 = arith.muli %add3A_144, %mul3A_145 : i32
      %jit3A_147 = arith.constant 2 : i32
      %eq3A_148 = arith.constant 0 : i32
      %eq3A_149 = arith.cmpi eq, %jit3A_147, %eq3A_148 : i32
      %jit3A_150 = arith.constant 1 : i32
      %select_n3A_151 = arith.select %eq3A_149, %jit3A_150, %jit3A_147 : i32
      %rem3A_152 = arith.remsi %add3A_138, %select_n3A_151 : i32
      %ne3A_153 = arith.constant 0 : i32
      %ne3A_154 = arith.cmpi ne, %rem3A_152, %ne3A_153 : i32
      %lt3A_155 = arith.constant 0 : i32
      %lt3A_156 = arith.cmpi slt, %rem3A_152, %lt3A_155 : i32
      %lt3A_157 = arith.constant 0 : i32
      %lt3A_158 = arith.cmpi slt, %select_n3A_151, %lt3A_157 : i32
      %ne3A_159 = arith.xori %lt3A_156, %lt3A_158 : i1
      %and3A_160 = arith.andi %ne3A_159, %ne3A_154 : i1
      %add3A_161 = arith.addi %rem3A_152, %select_n3A_151 : i32
      %select_n3A_162 = arith.select %and3A_160, %add3A_161, %rem3A_152 : i32
      %mul3A_163 = arith.constant 640 : i32
      %mul3A_164 = arith.muli %select_n3A_162, %mul3A_163 : i32
      %dma_start3A_165 = tpu.memref_slice %arg6[%mul3A_164] : memref<1280xi32, #tpu.memory_space<vmem>> -> memref<640xi32, #tpu.memory_space<vmem>>
      %dma_start3A_166 = tpu.memref_slice %arg3[%mul3A_146] : memref<1600000xi32, #tpu.memory_space<hbm>> -> memref<640xi32, #tpu.memory_space<hbm>>
      %dma_start3A_167 = tpu.memref_slice %arg6[%mul3A_164] : memref<1280xi32, #tpu.memory_space<vmem>> -> memref<640xi32, #tpu.memory_space<vmem>>
      %dma_start3A_168 = tpu.memref_slice %arg3[%mul3A_146] : memref<1600000xi32, #tpu.memory_space<hbm>> -> memref<640xi32, #tpu.memory_space<hbm>>
      tpu.enqueue_dma source(%dma_start3A_168 : memref<640xi32, #tpu.memory_space<hbm>>) target(%dma_start3A_167 : memref<640xi32, #tpu.memory_space<vmem>>) target_semaphore(%arg9 : memref<!tpu.dma_semaphore, #tpu.memory_space<semaphore_mem>>)
      %mul3A_169 = arith.constant 20480 : i32
      %mul3A_170 = arith.muli %select_n3A_133, %mul3A_169 : i32
      %mul3A_171 = arith.constant 640 : i32
      %mul3A_172 = arith.muli %select_n3A_133, %mul3A_171 : i32
      %scan3A = arith.constant 0 : i32
      %scan3A_173 = arith.constant 0 : i32
      %scan3A_174 = arith.constant 5 : i32
      %scan3A_175 = arith.addi %scan3A_173, %scan3A_174 : i32
      %scan3A_176 = arith.constant 1 : i32
      %scan3A_177 = scf.for %scan3A_230 = %scan3A_173 to %scan3A_175 step %scan3A_176 iter_args(%scan3A_231 = %scan3A) -> (i32)  : i32 {
        %parallel_loop3A = arith.constant 0 : i32
        %parallel_loop3A_232 = arith.constant 8 : i32
        %parallel_loop3A_233 = arith.constant 1 : i32
        scf.for %parallel_loop3A_238 = %parallel_loop3A to %parallel_loop3A_232 step %parallel_loop3A_233  : i32 {
          %parallel_loop3A_239 = arith.constant 128 : i32
          %parallel_loop3A_240 = arith.muli %scan3A_230, %parallel_loop3A_239 : i32
          %parallel_loop3A_241 = arith.addi %mul3A_172, %parallel_loop3A_240 : i32
          %parallel_loop3A_242 = arith.constant 16 : i32
          %parallel_loop3A_243 = arith.muli %parallel_loop3A_238, %parallel_loop3A_242 : i32
          %parallel_loop3A_244 = arith.addi %parallel_loop3A_241, %parallel_loop3A_243 : i32
          %parallel_loop3A_245 = arith.index_cast %parallel_loop3A_244 : i32 to index
          %parallel_loop3A_246 = tpu.vector_load %arg6[%parallel_loop3A_245] {strides = array<i32>} : memref<1280xi32, #tpu.memory_space<vmem>>, vector<16xi32>,
          %parallel_loop3A_247 = arith.constant 0 : i32
          %parallel_loop3A_248 = vector.broadcast %parallel_loop3A_247 : i32 to vector<16xi32>
          %parallel_loop3A_249 = arith.cmpi slt, %broadcast_in_dim3A_4, %parallel_loop3A_248 : vector<16xi32>
          %parallel_loop3A_250 = arith.constant 16 : i32
          %parallel_loop3A_251 = vector.broadcast %parallel_loop3A_250 : i32 to vector<16xi32>
          %parallel_loop3A_252 = arith.addi %broadcast_in_dim3A_4, %parallel_loop3A_251 : vector<16xi32>
          %parallel_loop3A_253 = arith.select %parallel_loop3A_249, %parallel_loop3A_252, %broadcast_in_dim3A_4 : vector<16xi1>, vector<16xi32>
          %parallel_loop3A_254 = vector.shape_cast %parallel_loop3A_253 : vector<16xi32> to vector<16x1xi32>
          %parallel_loop3A_255 = vector.shape_cast %parallel_loop3A_254 : vector<16x1xi32> to vector<16xi32>
          %parallel_loop3A_256 = tpu.dynamic_gather %parallel_loop3A_246[%parallel_loop3A_255] in [0] : vector<16xi32>, vector<16xi32> -> vector<16xi32>
          %parallel_loop3A_257 = arith.addi %parallel_loop3A_256, %iota3A : vector<16xi32>
          %parallel_loop3A_258 = tpu.vector_load_idx %arg5[%parallel_loop3A_257] : memref<40960xf32, #tpu.memory_space<vmem>>[vector<16xi32>], vector<16xf32>,
          %parallel_loop3A_259 = arith.constant 528 : i32
          %parallel_loop3A_260 = arith.muli %parallel_loop3A_238, %parallel_loop3A_259 : i32
          %parallel_loop3A_261 = arith.constant 0 : i32
          %parallel_loop3A_262 = arith.addi %parallel_loop3A_260, %parallel_loop3A_261 : i32
          %parallel_loop3A_263 = arith.index_cast %parallel_loop3A_262 : i32 to index
          %parallel_loop3A_264 = tpu.vector_load %arg8[%parallel_loop3A_263] {strides = array<i32>} : memref<4224xf32, #tpu.memory_space<vmem>>, vector<16xf32>,
          tpu.vector_store %arg8[%parallel_loop3A_263], %parallel_loop3A_258 {strides = array<i32>} : memref<4224xf32, #tpu.memory_space<vmem>>, vector<16xf32>,
          %parallel_loop3A_265 = arith.constant 16 : i32
          %parallel_loop3A_266 = vector.broadcast %parallel_loop3A_265 : i32 to vector<16xi32>
          %parallel_loop3A_267 = arith.addi %parallel_loop3A_257, %parallel_loop3A_266 : vector<16xi32>
          %parallel_loop3A_268 = tpu.vector_load_idx %arg5[%parallel_loop3A_267] : memref<40960xf32, #tpu.memory_space<vmem>>[vector<16xi32>], vector<16xf32>,
          %parallel_loop3A_269 = arith.constant 528 : i32
          %parallel_loop3A_270 = arith.muli %parallel_loop3A_238, %parallel_loop3A_269 : i32
          %parallel_loop3A_271 = arith.constant 0 : i32
          %parallel_loop3A_272 = arith.addi %parallel_loop3A_270, %parallel_loop3A_271 : i32
          %parallel_loop3A_273 = arith.constant 16 : i32
          %parallel_loop3A_274 = arith.addi %parallel_loop3A_272, %parallel_loop3A_273 : i32
          %parallel_loop3A_275 = arith.index_cast %parallel_loop3A_274 : i32 to index
          %parallel_loop3A_276 = tpu.vector_load %arg8[%parallel_loop3A_275] {strides = array<i32>} : memref<4224xf32, #tpu.memory_space<vmem>>, vector<16xf32>,
          tpu.vector_store %arg8[%parallel_loop3A_275], %parallel_loop3A_268 {strides = array<i32>} : memref<4224xf32, #tpu.memory_space<vmem>>, vector<16xf32>,
          %parallel_loop3A_277 = arith.constant 0 : i32
          %parallel_loop3A_278 = vector.broadcast %parallel_loop3A_277 : i32 to vector<16xi32>
          %parallel_loop3A_279 = arith.cmpi slt, %broadcast_in_dim3A_6, %parallel_loop3A_278 : vector<16xi32>
          %parallel_loop3A_280 = arith.constant 16 : i32
          %parallel_loop3A_281 = vector.broadcast %parallel_loop3A_280 : i32 to vector<16xi32>
          %parallel_loop3A_282 = arith.addi %broadcast_in_dim3A_6, %parallel_loop3A_281 : vector<16xi32>
          %parallel_loop3A_283 = arith.select %parallel_loop3A_279, %parallel_loop3A_282, %broadcast_in_dim3A_6 : vector<16xi1>, vector<16xi32>
          %parallel_loop3A_284 = vector.shape_cast %parallel_loop3A_283 : vector<16xi32> to vector<16x1xi32>
          %parallel_loop3A_285 = vector.shape_cast %parallel_loop3A_284 : vector<16x1xi32> to vector<16xi32>
          %parallel_loop3A_286 = tpu.dynamic_gather %parallel_loop3A_246[%parallel_loop3A_285] in [0] : vector<16xi32>, vector<16xi32> -> vector<16xi32>
          %parallel_loop3A_287 = arith.addi %parallel_loop3A_286, %iota3A : vector<16xi32>
          %parallel_loop3A_288 = tpu.vector_load_idx %arg5[%parallel_loop3A_287] : memref<40960xf32, #tpu.memory_space<vmem>>[vector<16xi32>], vector<16xf32>,
          %parallel_loop3A_289 = arith.constant 528 : i32
          %parallel_loop3A_290 = arith.muli %parallel_loop3A_238, %parallel_loop3A_289 : i32
          %parallel_loop3A_291 = arith.constant 33 : i32
          %parallel_loop3A_292 = arith.addi %parallel_loop3A_290, %parallel_loop3A_291 : i32
          %parallel_loop3A_293 = arith.index_cast %parallel_loop3A_292 : i32 to index
          %parallel_loop3A_294 = tpu.vector_load %arg8[%parallel_loop3A_293] {strides = array<i32>} : memref<4224xf32, #tpu.memory_space<vmem>>, vector<16xf32>,
          tpu.vector_store %arg8[%parallel_loop3A_293], %parallel_loop3A_288 {strides = array<i32>} : memref<4224xf32, #tpu.memory_space<vmem>>, vector<16xf32>,
          %parallel_loop3A_295 = arith.constant 16 : i32
          %parallel_loop3A_296 = vector.broadcast %parallel_loop3A_295 : i32 to vector<16xi32>
          %parallel_loop3A_297 = arith.addi %parallel_loop3A_287, %parallel_loop3A_296 : vector<16xi32>
          %parallel_loop3A_298 = tpu.vector_load_idx %arg5[%parallel_loop3A_297] : memref<40960xf32, #tpu.memory_space<vmem>>[vector<16xi32>], vector<16xf32>,
          %parallel_loop3A_299 = arith.constant 528 : i32
          %parallel_loop3A_300 = arith.muli %parallel_loop3A_238, %parallel_loop3A_299 : i32
          %parallel_loop3A_301 = arith.constant 33 : i32
          %parallel_loop3A_302 = arith.addi %parallel_loop3A_300, %parallel_loop3A_301 : i32
          %parallel_loop3A_303 = arith.constant 16 : i32
          %parallel_loop3A_304 = arith.addi %parallel_loop3A_302, %parallel_loop3A_303 : i32
          %parallel_loop3A_305 = arith.index_cast %parallel_loop3A_304 : i32 to index
          %parallel_loop3A_306 = tpu.vector_load %arg8[%parallel_loop3A_305] {strides = array<i32>} : memref<4224xf32, #tpu.memory_space<vmem>>, vector<16xf32>,
          tpu.vector_store %arg8[%parallel_loop3A_305], %parallel_loop3A_298 {strides = array<i32>} : memref<4224xf32, #tpu.memory_space<vmem>>, vector<16xf32>,
          %parallel_loop3A_307 = arith.constant 0 : i32
          %parallel_loop3A_308 = vector.broadcast %parallel_loop3A_307 : i32 to vector<16xi32>
          %parallel_loop3A_309 = arith.cmpi slt, %broadcast_in_dim3A_8, %parallel_loop3A_308 : vector<16xi32>
          %parallel_loop3A_310 = arith.constant 16 : i32
          %parallel_loop3A_311 = vector.broadcast %parallel_loop3A_310 : i32 to vector<16xi32>
          %parallel_loop3A_312 = arith.addi %broadcast_in_dim3A_8, %parallel_loop3A_311 : vector<16xi32>
          %parallel_loop3A_313 = arith.select %parallel_loop3A_309, %parallel_loop3A_312, %broadcast_in_dim3A_8 : vector<16xi1>, vector<16xi32>
          %parallel_loop3A_314 = vector.shape_cast %parallel_loop3A_313 : vector<16xi32> to vector<16x1xi32>
          %parallel_loop3A_315 = vector.shape_cast %parallel_loop3A_314 : vector<16x1xi32> to vector<16xi32>
          %parallel_loop3A_316 = tpu.dynamic_gather %parallel_loop3A_246[%parallel_loop3A_315] in [0] : vector<16xi32>, vector<16xi32> -> vector<16xi32>
          %parallel_loop3A_317 = arith.addi %parallel_loop3A_316, %iota3A : vector<16xi32>
          %parallel_loop3A_318 = tpu.vector_load_idx %arg5[%parallel_loop3A_317] : memref<40960xf32, #tpu.memory_space<vmem>>[vector<16xi32>], vector<16xf32>,
          %parallel_loop3A_319 = arith.constant 528 : i32
          %parallel_loop3A_320 = arith.muli %parallel_loop3A_238, %parallel_loop3A_319 : i32
          %parallel_loop3A_321 = arith.constant 66 : i32
          %parallel_loop3A_322 = arith.addi %parallel_loop3A_320, %parallel_loop3A_321 : i32
          %parallel_loop3A_323 = arith.index_cast %parallel_loop3A_322 : i32 to index
          %parallel_loop3A_324 = tpu.vector_load %arg8[%parallel_loop3A_323] {strides = array<i32>} : memref<4224xf32, #tpu.memory_space<vmem>>, vector<16xf32>,
          tpu.vector_store %arg8[%parallel_loop3A_323], %parallel_loop3A_318 {strides = array<i32>} : memref<4224xf32, #tpu.memory_space<vmem>>, vector<16xf32>,
          %parallel_loop3A_325 = arith.constant 16 : i32
          %parallel_loop3A_326 = vector.broadcast %parallel_loop3A_325 : i32 to vector<16xi32>
          %parallel_loop3A_327 = arith.addi %parallel_loop3A_317, %parallel_loop3A_326 : vector<16xi32>
          %parallel_loop3A_328 = tpu.vector_load_idx %arg5[%parallel_loop3A_327] : memref<40960xf32, #tpu.memory_space<vmem>>[vector<16xi32>], vector<16xf32>,
          %parallel_loop3A_329 = arith.constant 528 : i32
          %parallel_loop3A_330 = arith.muli %parallel_loop3A_238, %parallel_loop3A_329 : i32
          %parallel_loop3A_331 = arith.constant 66 : i32
          %parallel_loop3A_332 = arith.addi %parallel_loop3A_330, %parallel_loop3A_331 : i32
          %parallel_loop3A_333 = arith.constant 16 : i32
          %parallel_loop3A_334 = arith.addi %parallel_loop3A_332, %parallel_loop3A_333 : i32
          %parallel_loop3A_335 = arith.index_cast %parallel_loop3A_334 : i32 to index
          %parallel_loop3A_336 = tpu.vector_load %arg8[%parallel_loop3A_335] {strides = array<i32>} : memref<4224xf32, #tpu.memory_space<vmem>>, vector<16xf32>,
          tpu.vector_store %arg8[%parallel_loop3A_335], %parallel_loop3A_328 {strides = array<i32>} : memref<4224xf32, #tpu.memory_space<vmem>>, vector<16xf32>,
          %parallel_loop3A_337 = arith.constant 0 : i32
          %parallel_loop3A_338 = vector.broadcast %parallel_loop3A_337 : i32 to vector<16xi32>
          %parallel_loop3A_339 = arith.cmpi slt, %broadcast_in_dim3A_10, %parallel_loop3A_338 : vector<16xi32>
          %parallel_loop3A_340 = arith.constant 16 : i32
          %parallel_loop3A_341 = vector.broadcast %parallel_loop3A_340 : i32 to vector<16xi32>
          %parallel_loop3A_342 = arith.addi %broadcast_in_dim3A_10, %parallel_loop3A_341 : vector<16xi32>
          %parallel_loop3A_343 = arith.select %parallel_loop3A_339, %parallel_loop3A_342, %broadcast_in_dim3A_10 : vector<16xi1>, vector<16xi32>
          %parallel_loop3A_344 = vector.shape_cast %parallel_loop3A_343 : vector<16xi32> to vector<16x1xi32>
          %parallel_loop3A_345 = vector.shape_cast %parallel_loop3A_344 : vector<16x1xi32> to vector<16xi32>
          %parallel_loop3A_346 = tpu.dynamic_gather %parallel_loop3A_246[%parallel_loop3A_345] in [0] : vector<16xi32>, vector<16xi32> -> vector<16xi32>
          %parallel_loop3A_347 = arith.addi %parallel_loop3A_346, %iota3A : vector<16xi32>
          %parallel_loop3A_348 = tpu.vector_load_idx %arg5[%parallel_loop3A_347] : memref<40960xf32, #tpu.memory_space<vmem>>[vector<16xi32>], vector<16xf32>,
          %parallel_loop3A_349 = arith.constant 528 : i32
          %parallel_loop3A_350 = arith.muli %parallel_loop3A_238, %parallel_loop3A_349 : i32
          %parallel_loop3A_351 = arith.constant 99 : i32
          %parallel_loop3A_352 = arith.addi %parallel_loop3A_350, %parallel_loop3A_351 : i32
          %parallel_loop3A_353 = arith.index_cast %parallel_loop3A_352 : i32 to index
          %parallel_loop3A_354 = tpu.vector_load %arg8[%parallel_loop3A_353] {strides = array<i32>} : memref<4224xf32, #tpu.memory_space<vmem>>, vector<16xf32>,
          tpu.vector_store %arg8[%parallel_loop3A_353], %parallel_loop3A_348 {strides = array<i32>} : memref<4224xf32, #tpu.memory_space<vmem>>, vector<16xf32>,
          %parallel_loop3A_355 = arith.constant 16 : i32
          %parallel_loop3A_356 = vector.broadcast %parallel_loop3A_355 : i32 to vector<16xi32>
          %parallel_loop3A_357 = arith.addi %parallel_loop3A_347, %parallel_loop3A_356 : vector<16xi32>
          %parallel_loop3A_358 = tpu.vector_load_idx %arg5[%parallel_loop3A_357] : memref<40960xf32, #tpu.memory_space<vmem>>[vector<16xi32>], vector<16xf32>,
          %parallel_loop3A_359 = arith.constant 528 : i32
          %parallel_loop3A_360 = arith.muli %parallel_loop3A_238, %parallel_loop3A_359 : i32
          %parallel_loop3A_361 = arith.constant 99 : i32
          %parallel_loop3A_362 = arith.addi %parallel_loop3A_360, %parallel_loop3A_361 : i32
          %parallel_loop3A_363 = arith.constant 16 : i32
          %parallel_loop3A_364 = arith.addi %parallel_loop3A_362, %parallel_loop3A_363 : i32
          %parallel_loop3A_365 = arith.index_cast %parallel_loop3A_364 : i32 to index
          %parallel_loop3A_366 = tpu.vector_load %arg8[%parallel_loop3A_365] {strides = array<i32>} : memref<4224xf32, #tpu.memory_space<vmem>>, vector<16xf32>,
          tpu.vector_store %arg8[%parallel_loop3A_365], %parallel_loop3A_358 {strides = array<i32>} : memref<4224xf32, #tpu.memory_space<vmem>>, vector<16xf32>,
          %parallel_loop3A_367 = arith.constant 0 : i32
          %parallel_loop3A_368 = vector.broadcast %parallel_loop3A_367 : i32 to vector<16xi32>
          %parallel_loop3A_369 = arith.cmpi slt, %broadcast_in_dim3A_12, %parallel_loop3A_368 : vector<16xi32>
          %parallel_loop3A_370 = arith.constant 16 : i32
          %parallel_loop3A_371 = vector.broadcast %parallel_loop3A_370 : i32 to vector<16xi32>
          %parallel_loop3A_372 = arith.addi %broadcast_in_dim3A_12, %parallel_loop3A_371 : vector<16xi32>
          %parallel_loop3A_373 = arith.select %parallel_loop3A_369, %parallel_loop3A_372, %broadcast_in_dim3A_12 : vector<16xi1>, vector<16xi32>
          %parallel_loop3A_374 = vector.shape_cast %parallel_loop3A_373 : vector<16xi32> to vector<16x1xi32>
          %parallel_loop3A_375 = vector.shape_cast %parallel_loop3A_374 : vector<16x1xi32> to vector<16xi32>
          %parallel_loop3A_376 = tpu.dynamic_gather %parallel_loop3A_246[%parallel_loop3A_375] in [0] : vector<16xi32>, vector<16xi32> -> vector<16xi32>
          %parallel_loop3A_377 = arith.addi %parallel_loop3A_376, %iota3A : vector<16xi32>
          %parallel_loop3A_378 = tpu.vector_load_idx %arg5[%parallel_loop3A_377] : memref<40960xf32, #tpu.memory_space<vmem>>[vector<16xi32>], vector<16xf32>,
          %parallel_loop3A_379 = arith.constant 528 : i32
          %parallel_loop3A_380 = arith.muli %parallel_loop3A_238, %parallel_loop3A_379 : i32
          %parallel_loop3A_381 = arith.constant 132 : i32
          %parallel_loop3A_382 = arith.addi %parallel_loop3A_380, %parallel_loop3A_381 : i32
          %parallel_loop3A_383 = arith.index_cast %parallel_loop3A_382 : i32 to index
          %parallel_loop3A_384 = tpu.vector_load %arg8[%parallel_loop3A_383] {strides = array<i32>} : memref<4224xf32, #tpu.memory_space<vmem>>, vector<16xf32>,
          tpu.vector_store %arg8[%parallel_loop3A_383], %parallel_loop3A_378 {strides = array<i32>} : memref<4224xf32, #tpu.memory_space<vmem>>, vector<16xf32>,
          %parallel_loop3A_385 = arith.constant 16 : i32
          %parallel_loop3A_386 = vector.broadcast %parallel_loop3A_385 : i32 to vector<16xi32>
          %parallel_loop3A_387 = arith.addi %parallel_loop3A_377, %parallel_loop3A_386 : vector<16xi32>
          %parallel_loop3A_388 = tpu.vector_load_idx %arg5[%parallel_loop3A_387] : memref<40960xf32, #tpu.memory_space<vmem>>[vector<16xi32>], vector<16xf32>,
          %parallel_loop3A_389 = arith.constant 528 : i32
          %parallel_loop3A_390 = arith.muli %parallel_loop3A_238, %parallel_loop3A_389 : i32
          %parallel_loop3A_391 = arith.constant 132 : i32
          %parallel_loop3A_392 = arith.addi %parallel_loop3A_390, %parallel_loop3A_391 : i32
          %parallel_loop3A_393 = arith.constant 16 : i32
          %parallel_loop3A_394 = arith.addi %parallel_loop3A_392, %parallel_loop3A_393 : i32
          %parallel_loop3A_395 = arith.index_cast %parallel_loop3A_394 : i32 to index
          %parallel_loop3A_396 = tpu.vector_load %arg8[%parallel_loop3A_395] {strides = array<i32>} : memref<4224xf32, #tpu.memory_space<vmem>>, vector<16xf32>,
          tpu.vector_store %arg8[%parallel_loop3A_395], %parallel_loop3A_388 {strides = array<i32>} : memref<4224xf32, #tpu.memory_space<vmem>>, vector<16xf32>,
          %parallel_loop3A_397 = arith.constant 0 : i32
          %parallel_loop3A_398 = vector.broadcast %parallel_loop3A_397 : i32 to vector<16xi32>
          %parallel_loop3A_399 = arith.cmpi slt, %broadcast_in_dim3A_14, %parallel_loop3A_398 : vector<16xi32>
          %parallel_loop3A_400 = arith.constant 16 : i32
          %parallel_loop3A_401 = vector.broadcast %parallel_loop3A_400 : i32 to vector<16xi32>
          %parallel_loop3A_402 = arith.addi %broadcast_in_dim3A_14, %parallel_loop3A_401 : vector<16xi32>
          %parallel_loop3A_403 = arith.select %parallel_loop3A_399, %parallel_loop3A_402, %broadcast_in_dim3A_14 : vector<16xi1>, vector<16xi32>
          %parallel_loop3A_404 = vector.shape_cast %parallel_loop3A_403 : vector<16xi32> to vector<16x1xi32>
          %parallel_loop3A_405 = vector.shape_cast %parallel_loop3A_404 : vector<16x1xi32> to vector<16xi32>
          %parallel_loop3A_406 = tpu.dynamic_gather %parallel_loop3A_246[%parallel_loop3A_405] in [0] : vector<16xi32>, vector<16xi32> -> vector<16xi32>
          %parallel_loop3A_407 = arith.addi %parallel_loop3A_406, %iota3A : vector<16xi32>
          %parallel_loop3A_408 = tpu.vector_load_idx %arg5[%parallel_loop3A_407] : memref<40960xf32, #tpu.memory_space<vmem>>[vector<16xi32>], vector<16xf32>,
          %parallel_loop3A_409 = arith.constant 528 : i32
          %parallel_loop3A_410 = arith.muli %parallel_loop3A_238, %parallel_loop3A_409 : i32
          %parallel_loop3A_411 = arith.constant 165 : i32
          %parallel_loop3A_412 = arith.addi %parallel_loop3A_410, %parallel_loop3A_411 : i32
          %parallel_loop3A_413 = arith.index_cast %parallel_loop3A_412 : i32 to index
          %parallel_loop3A_414 = tpu.vector_load %arg8[%parallel_loop3A_413] {strides = array<i32>} : memref<4224xf32, #tpu.memory_space<vmem>>, vector<16xf32>,
          tpu.vector_store %arg8[%parallel_loop3A_413], %parallel_loop3A_408 {strides = array<i32>} : memref<4224xf32, #tpu.memory_space<vmem>>, vector<16xf32>,
          %parallel_loop3A_415 = arith.constant 16 : i32
          %parallel_loop3A_416 = vector.broadcast %parallel_loop3A_415 : i32 to vector<16xi32>
          %parallel_loop3A_417 = arith.addi %parallel_loop3A_407, %parallel_loop3A_416 : vector<16xi32>
          %parallel_loop3A_418 = tpu.vector_load_idx %arg5[%parallel_loop3A_417] : memref<40960xf32, #tpu.memory_space<vmem>>[vector<16xi32>], vector<16xf32>,
          %parallel_loop3A_419 = arith.constant 528 : i32
          %parallel_loop3A_420 = arith.muli %parallel_loop3A_238, %parallel_loop3A_419 : i32
          %parallel_loop3A_421 = arith.constant 165 : i32
          %parallel_loop3A_422 = arith.addi %parallel_loop3A_420, %parallel_loop3A_421 : i32
          %parallel_loop3A_423 = arith.constant 16 : i32
          %parallel_loop3A_424 = arith.addi %parallel_loop3A_422, %parallel_loop3A_423 : i32
          %parallel_loop3A_425 = arith.index_cast %parallel_loop3A_424 : i32 to index
          %parallel_loop3A_426 = tpu.vector_load %arg8[%parallel_loop3A_425] {strides = array<i32>} : memref<4224xf32, #tpu.memory_space<vmem>>, vector<16xf32>,
          tpu.vector_store %arg8[%parallel_loop3A_425], %parallel_loop3A_418 {strides = array<i32>} : memref<4224xf32, #tpu.memory_space<vmem>>, vector<16xf32>,
          %parallel_loop3A_427 = arith.constant 0 : i32
          %parallel_loop3A_428 = vector.broadcast %parallel_loop3A_427 : i32 to vector<16xi32>
          %parallel_loop3A_429 = arith.cmpi slt, %broadcast_in_dim3A_16, %parallel_loop3A_428 : vector<16xi32>
          %parallel_loop3A_430 = arith.constant 16 : i32
          %parallel_loop3A_431 = vector.broadcast %parallel_loop3A_430 : i32 to vector<16xi32>
          %parallel_loop3A_432 = arith.addi %broadcast_in_dim3A_16, %parallel_loop3A_431 : vector<16xi32>
          %parallel_loop3A_433 = arith.select %parallel_loop3A_429, %parallel_loop3A_432, %broadcast_in_dim3A_16 : vector<16xi1>, vector<16xi32>
          %parallel_loop3A_434 = vector.shape_cast %parallel_loop3A_433 : vector<16xi32> to vector<16x1xi32>
          %parallel_loop3A_435 = vector.shape_cast %parallel_loop3A_434 : vector<16x1xi32> to vector<16xi32>
          %parallel_loop3A_436 = tpu.dynamic_gather %parallel_loop3A_246[%parallel_loop3A_435] in [0] : vector<16xi32>, vector<16xi32> -> vector<16xi32>
          %parallel_loop3A_437 = arith.addi %parallel_loop3A_436, %iota3A : vector<16xi32>
          %parallel_loop3A_438 = tpu.vector_load_idx %arg5[%parallel_loop3A_437] : memref<40960xf32, #tpu.memory_space<vmem>>[vector<16xi32>], vector<16xf32>,
          %parallel_loop3A_439 = arith.constant 528 : i32
          %parallel_loop3A_440 = arith.muli %parallel_loop3A_238, %parallel_loop3A_439 : i32
          %parallel_loop3A_441 = arith.constant 198 : i32
          %parallel_loop3A_442 = arith.addi %parallel_loop3A_440, %parallel_loop3A_441 : i32
          %parallel_loop3A_443 = arith.index_cast %parallel_loop3A_442 : i32 to index
          %parallel_loop3A_444 = tpu.vector_load %arg8[%parallel_loop3A_443] {strides = array<i32>} : memref<4224xf32, #tpu.memory_space<vmem>>, vector<16xf32>,
          tpu.vector_store %arg8[%parallel_loop3A_443], %parallel_loop3A_438 {strides = array<i32>} : memref<4224xf32, #tpu.memory_space<vmem>>, vector<16xf32>,
          %parallel_loop3A_445 = arith.constant 16 : i32
          %parallel_loop3A_446 = vector.broadcast %parallel_loop3A_445 : i32 to vector<16xi32>
          %parallel_loop3A_447 = arith.addi %parallel_loop3A_437, %parallel_loop3A_446 : vector<16xi32>
          %parallel_loop3A_448 = tpu.vector_load_idx %arg5[%parallel_loop3A_447] : memref<40960xf32, #tpu.memory_space<vmem>>[vector<16xi32>], vector<16xf32>,
          %parallel_loop3A_449 = arith.constant 528 : i32
          %parallel_loop3A_450 = arith.muli %parallel_loop3A_238, %parallel_loop3A_449 : i32
          %parallel_loop3A_451 = arith.constant 198 : i32
          %parallel_loop3A_452 = arith.addi %parallel_loop3A_450, %parallel_loop3A_451 : i32
          %parallel_loop3A_453 = arith.constant 16 : i32
          %parallel_loop3A_454 = arith.addi %parallel_loop3A_452, %parallel_loop3A_453 : i32
          %parallel_loop3A_455 = arith.index_cast %parallel_loop3A_454 : i32 to index
          %parallel_loop3A_456 = tpu.vector_load %arg8[%parallel_loop3A_455] {strides = array<i32>} : memref<4224xf32, #tpu.memory_space<vmem>>, vector<16xf32>,
          tpu.vector_store %arg8[%parallel_loop3A_455], %parallel_loop3A_448 {strides = array<i32>} : memref<4224xf32, #tpu.memory_space<vmem>>, vector<16xf32>,
          %parallel_loop3A_457 = arith.constant 0 : i32
          %parallel_loop3A_458 = vector.broadcast %parallel_loop3A_457 : i32 to vector<16xi32>
          %parallel_loop3A_459 = arith.cmpi slt, %broadcast_in_dim3A_18, %parallel_loop3A_458 : vector<16xi32>
          %parallel_loop3A_460 = arith.constant 16 : i32
          %parallel_loop3A_461 = vector.broadcast %parallel_loop3A_460 : i32 to vector<16xi32>
          %parallel_loop3A_462 = arith.addi %broadcast_in_dim3A_18, %parallel_loop3A_461 : vector<16xi32>
          %parallel_loop3A_463 = arith.select %parallel_loop3A_459, %parallel_loop3A_462, %broadcast_in_dim3A_18 : vector<16xi1>, vector<16xi32>
          %parallel_loop3A_464 = vector.shape_cast %parallel_loop3A_463 : vector<16xi32> to vector<16x1xi32>
          %parallel_loop3A_465 = vector.shape_cast %parallel_loop3A_464 : vector<16x1xi32> to vector<16xi32>
          %parallel_loop3A_466 = tpu.dynamic_gather %parallel_loop3A_246[%parallel_loop3A_465] in [0] : vector<16xi32>, vector<16xi32> -> vector<16xi32>
          %parallel_loop3A_467 = arith.addi %parallel_loop3A_466, %iota3A : vector<16xi32>
          %parallel_loop3A_468 = tpu.vector_load_idx %arg5[%parallel_loop3A_467] : memref<40960xf32, #tpu.memory_space<vmem>>[vector<16xi32>], vector<16xf32>,
          %parallel_loop3A_469 = arith.constant 528 : i32
          %parallel_loop3A_470 = arith.muli %parallel_loop3A_238, %parallel_loop3A_469 : i32
          %parallel_loop3A_471 = arith.constant 231 : i32
          %parallel_loop3A_472 = arith.addi %parallel_loop3A_470, %parallel_loop3A_471 : i32
          %parallel_loop3A_473 = arith.index_cast %parallel_loop3A_472 : i32 to index
          %parallel_loop3A_474 = tpu.vector_load %arg8[%parallel_loop3A_473] {strides = array<i32>} : memref<4224xf32, #tpu.memory_space<vmem>>, vector<16xf32>,
          tpu.vector_store %arg8[%parallel_loop3A_473], %parallel_loop3A_468 {strides = array<i32>} : memref<4224xf32, #tpu.memory_space<vmem>>, vector<16xf32>,
          %parallel_loop3A_475 = arith.constant 16 : i32
          %parallel_loop3A_476 = vector.broadcast %parallel_loop3A_475 : i32 to vector<16xi32>
          %parallel_loop3A_477 = arith.addi %parallel_loop3A_467, %parallel_loop3A_476 : vector<16xi32>
          %parallel_loop3A_478 = tpu.vector_load_idx %arg5[%parallel_loop3A_477] : memref<40960xf32, #tpu.memory_space<vmem>>[vector<16xi32>], vector<16xf32>,
          %parallel_loop3A_479 = arith.constant 528 : i32
          %parallel_loop3A_480 = arith.muli %parallel_loop3A_238, %parallel_loop3A_479 : i32
          %parallel_loop3A_481 = arith.constant 231 : i32
          %parallel_loop3A_482 = arith.addi %parallel_loop3A_480, %parallel_loop3A_481 : i32
          %parallel_loop3A_483 = arith.constant 16 : i32
          %parallel_loop3A_484 = arith.addi %parallel_loop3A_482, %parallel_loop3A_483 : i32
          %parallel_loop3A_485 = arith.index_cast %parallel_loop3A_484 : i32 to index
          %parallel_loop3A_486 = tpu.vector_load %arg8[%parallel_loop3A_485] {strides = array<i32>} : memref<4224xf32, #tpu.memory_space<vmem>>, vector<16xf32>,
          tpu.vector_store %arg8[%parallel_loop3A_485], %parallel_loop3A_478 {strides = array<i32>} : memref<4224xf32, #tpu.memory_space<vmem>>, vector<16xf32>,
          %parallel_loop3A_487 = arith.constant 0 : i32
          %parallel_loop3A_488 = vector.broadcast %parallel_loop3A_487 : i32 to vector<16xi32>
          %parallel_loop3A_489 = arith.cmpi slt, %broadcast_in_dim3A_20, %parallel_loop3A_488 : vector<16xi32>
          %parallel_loop3A_490 = arith.constant 16 : i32
          %parallel_loop3A_491 = vector.broadcast %parallel_loop3A_490 : i32 to vector<16xi32>
          %parallel_loop3A_492 = arith.addi %broadcast_in_dim3A_20, %parallel_loop3A_491 : vector<16xi32>
          %parallel_loop3A_493 = arith.select %parallel_loop3A_489, %parallel_loop3A_492, %broadcast_in_dim3A_20 : vector<16xi1>, vector<16xi32>
          %parallel_loop3A_494 = vector.shape_cast %parallel_loop3A_493 : vector<16xi32> to vector<16x1xi32>
          %parallel_loop3A_495 = vector.shape_cast %parallel_loop3A_494 : vector<16x1xi32> to vector<16xi32>
          %parallel_loop3A_496 = tpu.dynamic_gather %parallel_loop3A_246[%parallel_loop3A_495] in [0] : vector<16xi32>, vector<16xi32> -> vector<16xi32>
          %parallel_loop3A_497 = arith.addi %parallel_loop3A_496, %iota3A : vector<16xi32>
          %parallel_loop3A_498 = tpu.vector_load_idx %arg5[%parallel_loop3A_497] : memref<40960xf32, #tpu.memory_space<vmem>>[vector<16xi32>], vector<16xf32>,
          %parallel_loop3A_499 = arith.constant 528 : i32
          %parallel_loop3A_500 = arith.muli %parallel_loop3A_238, %parallel_loop3A_499 : i32
          %parallel_loop3A_501 = arith.constant 264 : i32
          %parallel_loop3A_502 = arith.addi %parallel_loop3A_500, %parallel_loop3A_501 : i32
          %parallel_loop3A_503 = arith.index_cast %parallel_loop3A_502 : i32 to index
          %parallel_loop3A_504 = tpu.vector_load %arg8[%parallel_loop3A_503] {strides = array<i32>} : memref<4224xf32, #tpu.memory_space<vmem>>, vector<16xf32>,
          tpu.vector_store %arg8[%parallel_loop3A_503], %parallel_loop3A_498 {strides = array<i32>} : memref<4224xf32, #tpu.memory_space<vmem>>, vector<16xf32>,
          %parallel_loop3A_505 = arith.constant 16 : i32
          %parallel_loop3A_506 = vector.broadcast %parallel_loop3A_505 : i32 to vector<16xi32>
          %parallel_loop3A_507 = arith.addi %parallel_loop3A_497, %parallel_loop3A_506 : vector<16xi32>
          %parallel_loop3A_508 = tpu.vector_load_idx %arg5[%parallel_loop3A_507] : memref<40960xf32, #tpu.memory_space<vmem>>[vector<16xi32>], vector<16xf32>,
          %parallel_loop3A_509 = arith.constant 528 : i32
          %parallel_loop3A_510 = arith.muli %parallel_loop3A_238, %parallel_loop3A_509 : i32
          %parallel_loop3A_511 = arith.constant 264 : i32
          %parallel_loop3A_512 = arith.addi %parallel_loop3A_510, %parallel_loop3A_511 : i32
          %parallel_loop3A_513 = arith.constant 16 : i32
          %parallel_loop3A_514 = arith.addi %parallel_loop3A_512, %parallel_loop3A_513 : i32
          %parallel_loop3A_515 = arith.index_cast %parallel_loop3A_514 : i32 to index
          %parallel_loop3A_516 = tpu.vector_load %arg8[%parallel_loop3A_515] {strides = array<i32>} : memref<4224xf32, #tpu.memory_space<vmem>>, vector<16xf32>,
          tpu.vector_store %arg8[%parallel_loop3A_515], %parallel_loop3A_508 {strides = array<i32>} : memref<4224xf32, #tpu.memory_space<vmem>>, vector<16xf32>,
          %parallel_loop3A_517 = arith.constant 0 : i32
          %parallel_loop3A_518 = vector.broadcast %parallel_loop3A_517 : i32 to vector<16xi32>
          %parallel_loop3A_519 = arith.cmpi slt, %broadcast_in_dim3A_22, %parallel_loop3A_518 : vector<16xi32>
          %parallel_loop3A_520 = arith.constant 16 : i32
          %parallel_loop3A_521 = vector.broadcast %parallel_loop3A_520 : i32 to vector<16xi32>
          %parallel_loop3A_522 = arith.addi %broadcast_in_dim3A_22, %parallel_loop3A_521 : vector<16xi32>
          %parallel_loop3A_523 = arith.select %parallel_loop3A_519, %parallel_loop3A_522, %broadcast_in_dim3A_22 : vector<16xi1>, vector<16xi32>
          %parallel_loop3A_524 = vector.shape_cast %parallel_loop3A_523 : vector<16xi32> to vector<16x1xi32>
          %parallel_loop3A_525 = vector.shape_cast %parallel_loop3A_524 : vector<16x1xi32> to vector<16xi32>
          %parallel_loop3A_526 = tpu.dynamic_gather %parallel_loop3A_246[%parallel_loop3A_525] in [0] : vector<16xi32>, vector<16xi32> -> vector<16xi32>
          %parallel_loop3A_527 = arith.addi %parallel_loop3A_526, %iota3A : vector<16xi32>
          %parallel_loop3A_528 = tpu.vector_load_idx %arg5[%parallel_loop3A_527] : memref<40960xf32, #tpu.memory_space<vmem>>[vector<16xi32>], vector<16xf32>,
          %parallel_loop3A_529 = arith.constant 528 : i32
          %parallel_loop3A_530 = arith.muli %parallel_loop3A_238, %parallel_loop3A_529 : i32
          %parallel_loop3A_531 = arith.constant 297 : i32
          %parallel_loop3A_532 = arith.addi %parallel_loop3A_530, %parallel_loop3A_531 : i32
          %parallel_loop3A_533 = arith.index_cast %parallel_loop3A_532 : i32 to index
          %parallel_loop3A_534 = tpu.vector_load %arg8[%parallel_loop3A_533] {strides = array<i32>} : memref<4224xf32, #tpu.memory_space<vmem>>, vector<16xf32>,
          tpu.vector_store %arg8[%parallel_loop3A_533], %parallel_loop3A_528 {strides = array<i32>} : memref<4224xf32, #tpu.memory_space<vmem>>, vector<16xf32>,
          %parallel_loop3A_535 = arith.constant 16 : i32
          %parallel_loop3A_536 = vector.broadcast %parallel_loop3A_535 : i32 to vector<16xi32>
          %parallel_loop3A_537 = arith.addi %parallel_loop3A_527, %parallel_loop3A_536 : vector<16xi32>
          %parallel_loop3A_538 = tpu.vector_load_idx %arg5[%parallel_loop3A_537] : memref<40960xf32, #tpu.memory_space<vmem>>[vector<16xi32>], vector<16xf32>,
          %parallel_loop3A_539 = arith.constant 528 : i32
          %parallel_loop3A_540 = arith.muli %parallel_loop3A_238, %parallel_loop3A_539 : i32
          %parallel_loop3A_541 = arith.constant 297 : i32
          %parallel_loop3A_542 = arith.addi %parallel_loop3A_540, %parallel_loop3A_541 : i32
          %parallel_loop3A_543 = arith.constant 16 : i32
          %parallel_loop3A_544 = arith.addi %parallel_loop3A_542, %parallel_loop3A_543 : i32
          %parallel_loop3A_545 = arith.index_cast %parallel_loop3A_544 : i32 to index
          %parallel_loop3A_546 = tpu.vector_load %arg8[%parallel_loop3A_545] {strides = array<i32>} : memref<4224xf32, #tpu.memory_space<vmem>>, vector<16xf32>,
          tpu.vector_store %arg8[%parallel_loop3A_545], %parallel_loop3A_538 {strides = array<i32>} : memref<4224xf32, #tpu.memory_space<vmem>>, vector<16xf32>,
          %parallel_loop3A_547 = arith.constant 0 : i32
          %parallel_loop3A_548 = vector.broadcast %parallel_loop3A_547 : i32 to vector<16xi32>
          %parallel_loop3A_549 = arith.cmpi slt, %broadcast_in_dim3A_24, %parallel_loop3A_548 : vector<16xi32>
          %parallel_loop3A_550 = arith.constant 16 : i32
          %parallel_loop3A_551 = vector.broadcast %parallel_loop3A_550 : i32 to vector<16xi32>
          %parallel_loop3A_552 = arith.addi %broadcast_in_dim3A_24, %parallel_loop3A_551 : vector<16xi32>
          %parallel_loop3A_553 = arith.select %parallel_loop3A_549, %parallel_loop3A_552, %broadcast_in_dim3A_24 : vector<16xi1>, vector<16xi32>
          %parallel_loop3A_554 = vector.shape_cast %parallel_loop3A_553 : vector<16xi32> to vector<16x1xi32>
          %parallel_loop3A_555 = vector.shape_cast %parallel_loop3A_554 : vector<16x1xi32> to vector<16xi32>
          %parallel_loop3A_556 = tpu.dynamic_gather %parallel_loop3A_246[%parallel_loop3A_555] in [0] : vector<16xi32>, vector<16xi32> -> vector<16xi32>
          %parallel_loop3A_557 = arith.addi %parallel_loop3A_556, %iota3A : vector<16xi32>
          %parallel_loop3A_558 = tpu.vector_load_idx %arg5[%parallel_loop3A_557] : memref<40960xf32, #tpu.memory_space<vmem>>[vector<16xi32>], vector<16xf32>,
          %parallel_loop3A_559 = arith.constant 528 : i32
          %parallel_loop3A_560 = arith.muli %parallel_loop3A_238, %parallel_loop3A_559 : i32
          %parallel_loop3A_561 = arith.constant 330 : i32
          %parallel_loop3A_562 = arith.addi %parallel_loop3A_560, %parallel_loop3A_561 : i32
          %parallel_loop3A_563 = arith.index_cast %parallel_loop3A_562 : i32 to index
          %parallel_loop3A_564 = tpu.vector_load %arg8[%parallel_loop3A_563] {strides = array<i32>} : memref<4224xf32, #tpu.memory_space<vmem>>, vector<16xf32>,
          tpu.vector_store %arg8[%parallel_loop3A_563], %parallel_loop3A_558 {strides = array<i32>} : memref<4224xf32, #tpu.memory_space<vmem>>, vector<16xf32>,
          %parallel_loop3A_565 = arith.constant 16 : i32
          %parallel_loop3A_566 = vector.broadcast %parallel_loop3A_565 : i32 to vector<16xi32>
          %parallel_loop3A_567 = arith.addi %parallel_loop3A_557, %parallel_loop3A_566 : vector<16xi32>
          %parallel_loop3A_568 = tpu.vector_load_idx %arg5[%parallel_loop3A_567] : memref<40960xf32, #tpu.memory_space<vmem>>[vector<16xi32>], vector<16xf32>,
          %parallel_loop3A_569 = arith.constant 528 : i32
          %parallel_loop3A_570 = arith.muli %parallel_loop3A_238, %parallel_loop3A_569 : i32
          %parallel_loop3A_571 = arith.constant 330 : i32
          %parallel_loop3A_572 = arith.addi %parallel_loop3A_570, %parallel_loop3A_571 : i32
          %parallel_loop3A_573 = arith.constant 16 : i32
          %parallel_loop3A_574 = arith.addi %parallel_loop3A_572, %parallel_loop3A_573 : i32
          %parallel_loop3A_575 = arith.index_cast %parallel_loop3A_574 : i32 to index
          %parallel_loop3A_576 = tpu.vector_load %arg8[%parallel_loop3A_575] {strides = array<i32>} : memref<4224xf32, #tpu.memory_space<vmem>>, vector<16xf32>,
          tpu.vector_store %arg8[%parallel_loop3A_575], %parallel_loop3A_568 {strides = array<i32>} : memref<4224xf32, #tpu.memory_space<vmem>>, vector<16xf32>,
          %parallel_loop3A_577 = arith.constant 0 : i32
          %parallel_loop3A_578 = vector.broadcast %parallel_loop3A_577 : i32 to vector<16xi32>
          %parallel_loop3A_579 = arith.cmpi slt, %broadcast_in_dim3A_26, %parallel_loop3A_578 : vector<16xi32>
          %parallel_loop3A_580 = arith.constant 16 : i32
          %parallel_loop3A_581 = vector.broadcast %parallel_loop3A_580 : i32 to vector<16xi32>
          %parallel_loop3A_582 = arith.addi %broadcast_in_dim3A_26, %parallel_loop3A_581 : vector<16xi32>
          %parallel_loop3A_583 = arith.select %parallel_loop3A_579, %parallel_loop3A_582, %broadcast_in_dim3A_26 : vector<16xi1>, vector<16xi32>
          %parallel_loop3A_584 = vector.shape_cast %parallel_loop3A_583 : vector<16xi32> to vector<16x1xi32>
          %parallel_loop3A_585 = vector.shape_cast %parallel_loop3A_584 : vector<16x1xi32> to vector<16xi32>
          %parallel_loop3A_586 = tpu.dynamic_gather %parallel_loop3A_246[%parallel_loop3A_585] in [0] : vector<16xi32>, vector<16xi32> -> vector<16xi32>
          %parallel_loop3A_587 = arith.addi %parallel_loop3A_586, %iota3A : vector<16xi32>
          %parallel_loop3A_588 = tpu.vector_load_idx %arg5[%parallel_loop3A_587] : memref<40960xf32, #tpu.memory_space<vmem>>[vector<16xi32>], vector<16xf32>,
          %parallel_loop3A_589 = arith.constant 528 : i32
          %parallel_loop3A_590 = arith.muli %parallel_loop3A_238, %parallel_loop3A_589 : i32
          %parallel_loop3A_591 = arith.constant 363 : i32
          %parallel_loop3A_592 = arith.addi %parallel_loop3A_590, %parallel_loop3A_591 : i32
          %parallel_loop3A_593 = arith.index_cast %parallel_loop3A_592 : i32 to index
          %parallel_loop3A_594 = tpu.vector_load %arg8[%parallel_loop3A_593] {strides = array<i32>} : memref<4224xf32, #tpu.memory_space<vmem>>, vector<16xf32>,
          tpu.vector_store %arg8[%parallel_loop3A_593], %parallel_loop3A_588 {strides = array<i32>} : memref<4224xf32, #tpu.memory_space<vmem>>, vector<16xf32>,
          %parallel_loop3A_595 = arith.constant 16 : i32
          %parallel_loop3A_596 = vector.broadcast %parallel_loop3A_595 : i32 to vector<16xi32>
          %parallel_loop3A_597 = arith.addi %parallel_loop3A_587, %parallel_loop3A_596 : vector<16xi32>
          %parallel_loop3A_598 = tpu.vector_load_idx %arg5[%parallel_loop3A_597] : memref<40960xf32, #tpu.memory_space<vmem>>[vector<16xi32>], vector<16xf32>,
          %parallel_loop3A_599 = arith.constant 528 : i32
          %parallel_loop3A_600 = arith.muli %parallel_loop3A_238, %parallel_loop3A_599 : i32
          %parallel_loop3A_601 = arith.constant 363 : i32
          %parallel_loop3A_602 = arith.addi %parallel_loop3A_600, %parallel_loop3A_601 : i32
          %parallel_loop3A_603 = arith.constant 16 : i32
          %parallel_loop3A_604 = arith.addi %parallel_loop3A_602, %parallel_loop3A_603 : i32
          %parallel_loop3A_605 = arith.index_cast %parallel_loop3A_604 : i32 to index
          %parallel_loop3A_606 = tpu.vector_load %arg8[%parallel_loop3A_605] {strides = array<i32>} : memref<4224xf32, #tpu.memory_space<vmem>>, vector<16xf32>,
          tpu.vector_store %arg8[%parallel_loop3A_605], %parallel_loop3A_598 {strides = array<i32>} : memref<4224xf32, #tpu.memory_space<vmem>>, vector<16xf32>,
          %parallel_loop3A_607 = arith.constant 0 : i32
          %parallel_loop3A_608 = vector.broadcast %parallel_loop3A_607 : i32 to vector<16xi32>
          %parallel_loop3A_609 = arith.cmpi slt, %broadcast_in_dim3A_28, %parallel_loop3A_608 : vector<16xi32>
          %parallel_loop3A_610 = arith.constant 16 : i32
          %parallel_loop3A_611 = vector.broadcast %parallel_loop3A_610 : i32 to vector<16xi32>
          %parallel_loop3A_612 = arith.addi %broadcast_in_dim3A_28, %parallel_loop3A_611 : vector<16xi32>
          %parallel_loop3A_613 = arith.select %parallel_loop3A_609, %parallel_loop3A_612, %broadcast_in_dim3A_28 : vector<16xi1>, vector<16xi32>
          %parallel_loop3A_614 = vector.shape_cast %parallel_loop3A_613 : vector<16xi32> to vector<16x1xi32>
          %parallel_loop3A_615 = vector.shape_cast %parallel_loop3A_614 : vector<16x1xi32> to vector<16xi32>
          %parallel_loop3A_616 = tpu.dynamic_gather %parallel_loop3A_246[%parallel_loop3A_615] in [0] : vector<16xi32>, vector<16xi32> -> vector<16xi32>
          %parallel_loop3A_617 = arith.addi %parallel_loop3A_616, %iota3A : vector<16xi32>
          %parallel_loop3A_618 = tpu.vector_load_idx %arg5[%parallel_loop3A_617] : memref<40960xf32, #tpu.memory_space<vmem>>[vector<16xi32>], vector<16xf32>,
          %parallel_loop3A_619 = arith.constant 528 : i32
          %parallel_loop3A_620 = arith.muli %parallel_loop3A_238, %parallel_loop3A_619 : i32
          %parallel_loop3A_621 = arith.constant 396 : i32
          %parallel_loop3A_622 = arith.addi %parallel_loop3A_620, %parallel_loop3A_621 : i32
          %parallel_loop3A_623 = arith.index_cast %parallel_loop3A_622 : i32 to index
          %parallel_loop3A_624 = tpu.vector_load %arg8[%parallel_loop3A_623] {strides = array<i32>} : memref<4224xf32, #tpu.memory_space<vmem>>, vector<16xf32>,
          tpu.vector_store %arg8[%parallel_loop3A_623], %parallel_loop3A_618 {strides = array<i32>} : memref<4224xf32, #tpu.memory_space<vmem>>, vector<16xf32>,
          %parallel_loop3A_625 = arith.constant 16 : i32
          %parallel_loop3A_626 = vector.broadcast %parallel_loop3A_625 : i32 to vector<16xi32>
          %parallel_loop3A_627 = arith.addi %parallel_loop3A_617, %parallel_loop3A_626 : vector<16xi32>
          %parallel_loop3A_628 = tpu.vector_load_idx %arg5[%parallel_loop3A_627] : memref<40960xf32, #tpu.memory_space<vmem>>[vector<16xi32>], vector<16xf32>,
          %parallel_loop3A_629 = arith.constant 528 : i32
          %parallel_loop3A_630 = arith.muli %parallel_loop3A_238, %parallel_loop3A_629 : i32
          %parallel_loop3A_631 = arith.constant 396 : i32
          %parallel_loop3A_632 = arith.addi %parallel_loop3A_630, %parallel_loop3A_631 : i32
          %parallel_loop3A_633 = arith.constant 16 : i32
          %parallel_loop3A_634 = arith.addi %parallel_loop3A_632, %parallel_loop3A_633 : i32
          %parallel_loop3A_635 = arith.index_cast %parallel_loop3A_634 : i32 to index
          %parallel_loop3A_636 = tpu.vector_load %arg8[%parallel_loop3A_635] {strides = array<i32>} : memref<4224xf32, #tpu.memory_space<vmem>>, vector<16xf32>,
          tpu.vector_store %arg8[%parallel_loop3A_635], %parallel_loop3A_628 {strides = array<i32>} : memref<4224xf32, #tpu.memory_space<vmem>>, vector<16xf32>,
          %parallel_loop3A_637 = arith.constant 0 : i32
          %parallel_loop3A_638 = vector.broadcast %parallel_loop3A_637 : i32 to vector<16xi32>
          %parallel_loop3A_639 = arith.cmpi slt, %broadcast_in_dim3A_30, %parallel_loop3A_638 : vector<16xi32>
          %parallel_loop3A_640 = arith.constant 16 : i32
          %parallel_loop3A_641 = vector.broadcast %parallel_loop3A_640 : i32 to vector<16xi32>
          %parallel_loop3A_642 = arith.addi %broadcast_in_dim3A_30, %parallel_loop3A_641 : vector<16xi32>
          %parallel_loop3A_643 = arith.select %parallel_loop3A_639, %parallel_loop3A_642, %broadcast_in_dim3A_30 : vector<16xi1>, vector<16xi32>
          %parallel_loop3A_644 = vector.shape_cast %parallel_loop3A_643 : vector<16xi32> to vector<16x1xi32>
          %parallel_loop3A_645 = vector.shape_cast %parallel_loop3A_644 : vector<16x1xi32> to vector<16xi32>
          %parallel_loop3A_646 = tpu.dynamic_gather %parallel_loop3A_246[%parallel_loop3A_645] in [0] : vector<16xi32>, vector<16xi32> -> vector<16xi32>
          %parallel_loop3A_647 = arith.addi %parallel_loop3A_646, %iota3A : vector<16xi32>
          %parallel_loop3A_648 = tpu.vector_load_idx %arg5[%parallel_loop3A_647] : memref<40960xf32, #tpu.memory_space<vmem>>[vector<16xi32>], vector<16xf32>,
          %parallel_loop3A_649 = arith.constant 528 : i32
          %parallel_loop3A_650 = arith.muli %parallel_loop3A_238, %parallel_loop3A_649 : i32
          %parallel_loop3A_651 = arith.constant 429 : i32
          %parallel_loop3A_652 = arith.addi %parallel_loop3A_650, %parallel_loop3A_651 : i32
          %parallel_loop3A_653 = arith.index_cast %parallel_loop3A_652 : i32 to index
          %parallel_loop3A_654 = tpu.vector_load %arg8[%parallel_loop3A_653] {strides = array<i32>} : memref<4224xf32, #tpu.memory_space<vmem>>, vector<16xf32>,
          tpu.vector_store %arg8[%parallel_loop3A_653], %parallel_loop3A_648 {strides = array<i32>} : memref<4224xf32, #tpu.memory_space<vmem>>, vector<16xf32>,
          %parallel_loop3A_655 = arith.constant 16 : i32
          %parallel_loop3A_656 = vector.broadcast %parallel_loop3A_655 : i32 to vector<16xi32>
          %parallel_loop3A_657 = arith.addi %parallel_loop3A_647, %parallel_loop3A_656 : vector<16xi32>
          %parallel_loop3A_658 = tpu.vector_load_idx %arg5[%parallel_loop3A_657] : memref<40960xf32, #tpu.memory_space<vmem>>[vector<16xi32>], vector<16xf32>,
          %parallel_loop3A_659 = arith.constant 528 : i32
          %parallel_loop3A_660 = arith.muli %parallel_loop3A_238, %parallel_loop3A_659 : i32
          %parallel_loop3A_661 = arith.constant 429 : i32
          %parallel_loop3A_662 = arith.addi %parallel_loop3A_660, %parallel_loop3A_661 : i32
          %parallel_loop3A_663 = arith.constant 16 : i32
          %parallel_loop3A_664 = arith.addi %parallel_loop3A_662, %parallel_loop3A_663 : i32
          %parallel_loop3A_665 = arith.index_cast %parallel_loop3A_664 : i32 to index
          %parallel_loop3A_666 = tpu.vector_load %arg8[%parallel_loop3A_665] {strides = array<i32>} : memref<4224xf32, #tpu.memory_space<vmem>>, vector<16xf32>,
          tpu.vector_store %arg8[%parallel_loop3A_665], %parallel_loop3A_658 {strides = array<i32>} : memref<4224xf32, #tpu.memory_space<vmem>>, vector<16xf32>,
          %parallel_loop3A_667 = arith.constant 0 : i32
          %parallel_loop3A_668 = vector.broadcast %parallel_loop3A_667 : i32 to vector<16xi32>
          %parallel_loop3A_669 = arith.cmpi slt, %broadcast_in_dim3A_32, %parallel_loop3A_668 : vector<16xi32>
          %parallel_loop3A_670 = arith.constant 16 : i32
          %parallel_loop3A_671 = vector.broadcast %parallel_loop3A_670 : i32 to vector<16xi32>
          %parallel_loop3A_672 = arith.addi %broadcast_in_dim3A_32, %parallel_loop3A_671 : vector<16xi32>
          %parallel_loop3A_673 = arith.select %parallel_loop3A_669, %parallel_loop3A_672, %broadcast_in_dim3A_32 : vector<16xi1>, vector<16xi32>
          %parallel_loop3A_674 = vector.shape_cast %parallel_loop3A_673 : vector<16xi32> to vector<16x1xi32>
          %parallel_loop3A_675 = vector.shape_cast %parallel_loop3A_674 : vector<16x1xi32> to vector<16xi32>
          %parallel_loop3A_676 = tpu.dynamic_gather %parallel_loop3A_246[%parallel_loop3A_675] in [0] : vector<16xi32>, vector<16xi32> -> vector<16xi32>
          %parallel_loop3A_677 = arith.addi %parallel_loop3A_676, %iota3A : vector<16xi32>
          %parallel_loop3A_678 = tpu.vector_load_idx %arg5[%parallel_loop3A_677] : memref<40960xf32, #tpu.memory_space<vmem>>[vector<16xi32>], vector<16xf32>,
          %parallel_loop3A_679 = arith.constant 528 : i32
          %parallel_loop3A_680 = arith.muli %parallel_loop3A_238, %parallel_loop3A_679 : i32
          %parallel_loop3A_681 = arith.constant 462 : i32
          %parallel_loop3A_682 = arith.addi %parallel_loop3A_680, %parallel_loop3A_681 : i32
          %parallel_loop3A_683 = arith.index_cast %parallel_loop3A_682 : i32 to index
          %parallel_loop3A_684 = tpu.vector_load %arg8[%parallel_loop3A_683] {strides = array<i32>} : memref<4224xf32, #tpu.memory_space<vmem>>, vector<16xf32>,
          tpu.vector_store %arg8[%parallel_loop3A_683], %parallel_loop3A_678 {strides = array<i32>} : memref<4224xf32, #tpu.memory_space<vmem>>, vector<16xf32>,
          %parallel_loop3A_685 = arith.constant 16 : i32
          %parallel_loop3A_686 = vector.broadcast %parallel_loop3A_685 : i32 to vector<16xi32>
          %parallel_loop3A_687 = arith.addi %parallel_loop3A_677, %parallel_loop3A_686 : vector<16xi32>
          %parallel_loop3A_688 = tpu.vector_load_idx %arg5[%parallel_loop3A_687] : memref<40960xf32, #tpu.memory_space<vmem>>[vector<16xi32>], vector<16xf32>,
          %parallel_loop3A_689 = arith.constant 528 : i32
          %parallel_loop3A_690 = arith.muli %parallel_loop3A_238, %parallel_loop3A_689 : i32
          %parallel_loop3A_691 = arith.constant 462 : i32
          %parallel_loop3A_692 = arith.addi %parallel_loop3A_690, %parallel_loop3A_691 : i32
          %parallel_loop3A_693 = arith.constant 16 : i32
          %parallel_loop3A_694 = arith.addi %parallel_loop3A_692, %parallel_loop3A_693 : i32
          %parallel_loop3A_695 = arith.index_cast %parallel_loop3A_694 : i32 to index
          %parallel_loop3A_696 = tpu.vector_load %arg8[%parallel_loop3A_695] {strides = array<i32>} : memref<4224xf32, #tpu.memory_space<vmem>>, vector<16xf32>,
          tpu.vector_store %arg8[%parallel_loop3A_695], %parallel_loop3A_688 {strides = array<i32>} : memref<4224xf32, #tpu.memory_space<vmem>>, vector<16xf32>,
          %parallel_loop3A_697 = arith.constant 0 : i32
          %parallel_loop3A_698 = vector.broadcast %parallel_loop3A_697 : i32 to vector<16xi32>
          %parallel_loop3A_699 = arith.cmpi slt, %broadcast_in_dim3A_34, %parallel_loop3A_698 : vector<16xi32>
          %parallel_loop3A_700 = arith.constant 16 : i32
          %parallel_loop3A_701 = vector.broadcast %parallel_loop3A_700 : i32 to vector<16xi32>
          %parallel_loop3A_702 = arith.addi %broadcast_in_dim3A_34, %parallel_loop3A_701 : vector<16xi32>
          %parallel_loop3A_703 = arith.select %parallel_loop3A_699, %parallel_loop3A_702, %broadcast_in_dim3A_34 : vector<16xi1>, vector<16xi32>
          %parallel_loop3A_704 = vector.shape_cast %parallel_loop3A_703 : vector<16xi32> to vector<16x1xi32>
          %parallel_loop3A_705 = vector.shape_cast %parallel_loop3A_704 : vector<16x1xi32> to vector<16xi32>
          %parallel_loop3A_706 = tpu.dynamic_gather %parallel_loop3A_246[%parallel_loop3A_705] in [0] : vector<16xi32>, vector<16xi32> -> vector<16xi32>
          %parallel_loop3A_707 = arith.addi %parallel_loop3A_706, %iota3A : vector<16xi32>
          %parallel_loop3A_708 = tpu.vector_load_idx %arg5[%parallel_loop3A_707] : memref<40960xf32, #tpu.memory_space<vmem>>[vector<16xi32>], vector<16xf32>,
          %parallel_loop3A_709 = arith.constant 528 : i32
          %parallel_loop3A_710 = arith.muli %parallel_loop3A_238, %parallel_loop3A_709 : i32
          %parallel_loop3A_711 = arith.constant 495 : i32
          %parallel_loop3A_712 = arith.addi %parallel_loop3A_710, %parallel_loop3A_711 : i32
          %parallel_loop3A_713 = arith.index_cast %parallel_loop3A_712 : i32 to index
          %parallel_loop3A_714 = tpu.vector_load %arg8[%parallel_loop3A_713] {strides = array<i32>} : memref<4224xf32, #tpu.memory_space<vmem>>, vector<16xf32>,
          tpu.vector_store %arg8[%parallel_loop3A_713], %parallel_loop3A_708 {strides = array<i32>} : memref<4224xf32, #tpu.memory_space<vmem>>, vector<16xf32>,
          %parallel_loop3A_715 = arith.constant 16 : i32
          %parallel_loop3A_716 = vector.broadcast %parallel_loop3A_715 : i32 to vector<16xi32>
          %parallel_loop3A_717 = arith.addi %parallel_loop3A_707, %parallel_loop3A_716 : vector<16xi32>
          %parallel_loop3A_718 = tpu.vector_load_idx %arg5[%parallel_loop3A_717] : memref<40960xf32, #tpu.memory_space<vmem>>[vector<16xi32>], vector<16xf32>,
          %parallel_loop3A_719 = arith.constant 528 : i32
          %parallel_loop3A_720 = arith.muli %parallel_loop3A_238, %parallel_loop3A_719 : i32
          %parallel_loop3A_721 = arith.constant 495 : i32
          %parallel_loop3A_722 = arith.addi %parallel_loop3A_720, %parallel_loop3A_721 : i32
          %parallel_loop3A_723 = arith.constant 16 : i32
          %parallel_loop3A_724 = arith.addi %parallel_loop3A_722, %parallel_loop3A_723 : i32
          %parallel_loop3A_725 = arith.index_cast %parallel_loop3A_724 : i32 to index
          %parallel_loop3A_726 = tpu.vector_load %arg8[%parallel_loop3A_725] {strides = array<i32>} : memref<4224xf32, #tpu.memory_space<vmem>>, vector<16xf32>,
          tpu.vector_store %arg8[%parallel_loop3A_725], %parallel_loop3A_718 {strides = array<i32>} : memref<4224xf32, #tpu.memory_space<vmem>>, vector<16xf32>,
        } {sc.loop_unroll_factor = 8 : i64, sc.parallel_access}
        %parallel_loop3A_234 = arith.constant 0 : i32
        %parallel_loop3A_235 = arith.constant 32 : i32
        %parallel_loop3A_236 = arith.constant 1 : i32
        scf.for %parallel_loop3A_238 = %parallel_loop3A_234 to %parallel_loop3A_235 step %parallel_loop3A_236  : i32 {
          %parallel_loop3A_239 = arith.constant 8 : i32
          %parallel_loop3A_240 = arith.divsi %parallel_loop3A_238, %parallel_loop3A_239 : i32
          %parallel_loop3A_241 = arith.constant 0 : i32
          %parallel_loop3A_242 = arith.cmpi sgt, %parallel_loop3A_238, %parallel_loop3A_241 : i32
          %parallel_loop3A_243 = arith.extui %parallel_loop3A_242 : i1 to i32
          %parallel_loop3A_244 = arith.constant 0 : i32
          %parallel_loop3A_245 = arith.cmpi slt, %parallel_loop3A_238, %parallel_loop3A_244 : i32
          %parallel_loop3A_246 = arith.extui %parallel_loop3A_245 : i1 to i32
          %parallel_loop3A_247 = arith.subi %parallel_loop3A_243, %parallel_loop3A_246 : i32
          %parallel_loop3A_248 = arith.constant 0 : i32
          %parallel_loop3A_249 = arith.cmpi sgt, %parallel_loop3A_239, %parallel_loop3A_248 : i32
          %parallel_loop3A_250 = arith.extui %parallel_loop3A_249 : i1 to i32
          %parallel_loop3A_251 = arith.constant 0 : i32
          %parallel_loop3A_252 = arith.cmpi slt, %parallel_loop3A_239, %parallel_loop3A_251 : i32
          %parallel_loop3A_253 = arith.extui %parallel_loop3A_252 : i1 to i32
          %parallel_loop3A_254 = arith.subi %parallel_loop3A_250, %parallel_loop3A_253 : i32
          %parallel_loop3A_255 = arith.cmpi ne, %parallel_loop3A_247, %parallel_loop3A_254 : i32
          %parallel_loop3A_256 = arith.remsi %parallel_loop3A_238, %parallel_loop3A_239 : i32
          %parallel_loop3A_257 = arith.constant 0 : i32
          %parallel_loop3A_258 = arith.cmpi ne, %parallel_loop3A_256, %parallel_loop3A_257 : i32
          %parallel_loop3A_259 = arith.andi %parallel_loop3A_255, %parallel_loop3A_258 : i1
          %parallel_loop3A_260 = arith.constant 1 : i32
          %parallel_loop3A_261 = arith.subi %parallel_loop3A_240, %parallel_loop3A_260 : i32
          %parallel_loop3A_262 = arith.select %parallel_loop3A_259, %parallel_loop3A_261, %parallel_loop3A_240 : i32
          %parallel_loop3A_263 = arith.constant 5120 : i32
          %parallel_loop3A_264 = arith.muli %parallel_loop3A_262, %parallel_loop3A_263 : i32
          %parallel_loop3A_265 = arith.addi %mul3A_170, %parallel_loop3A_264 : i32
          %parallel_loop3A_266 = arith.constant 1024 : i32
          %parallel_loop3A_267 = arith.muli %scan3A_230, %parallel_loop3A_266 : i32
          %parallel_loop3A_268 = arith.addi %parallel_loop3A_265, %parallel_loop3A_267 : i32
          %parallel_loop3A_269 = arith.constant 8 : i32
          %parallel_loop3A_270 = arith.constant 0 : i32
          %parallel_loop3A_271 = arith.cmpi eq, %parallel_loop3A_269, %parallel_loop3A_270 : i32
          %parallel_loop3A_272 = arith.constant 1 : i32
          %parallel_loop3A_273 = arith.select %parallel_loop3A_271, %parallel_loop3A_272, %parallel_loop3A_269 : i32
          %parallel_loop3A_274 = arith.remsi %parallel_loop3A_238, %parallel_loop3A_273 : i32
          %parallel_loop3A_275 = arith.constant 0 : i32
          %parallel_loop3A_276 = arith.cmpi ne, %parallel_loop3A_274, %parallel_loop3A_275 : i32
          %parallel_loop3A_277 = arith.constant 0 : i32
          %parallel_loop3A_278 = arith.cmpi slt, %parallel_loop3A_274, %parallel_loop3A_277 : i32
          %parallel_loop3A_279 = arith.constant 0 : i32
          %parallel_loop3A_280 = arith.cmpi slt, %parallel_loop3A_273, %parallel_loop3A_279 : i32
          %parallel_loop3A_281 = arith.xori %parallel_loop3A_278, %parallel_loop3A_280 : i1
          %parallel_loop3A_282 = arith.andi %parallel_loop3A_281, %parallel_loop3A_276 : i1
          %parallel_loop3A_283 = arith.addi %parallel_loop3A_274, %parallel_loop3A_273 : i32
          %parallel_loop3A_284 = arith.select %parallel_loop3A_282, %parallel_loop3A_283, %parallel_loop3A_274 : i32
          %parallel_loop3A_285 = arith.constant 128 : i32
          %parallel_loop3A_286 = arith.muli %parallel_loop3A_284, %parallel_loop3A_285 : i32
          %parallel_loop3A_287 = arith.addi %parallel_loop3A_268, %parallel_loop3A_286 : i32
          %parallel_loop3A_288 = arith.constant 0 : i32
          %parallel_loop3A_289 = arith.addi %parallel_loop3A_288, %parallel_loop3A_238 : i32
          %parallel_loop3A_290 = vector.broadcast %parallel_loop3A_289 : i32 to vector<16xi32>
          %parallel_loop3A_291 = arith.addi %mul3A_3, %parallel_loop3A_290 : vector<16xi32>
          %parallel_loop3A_292 = tpu.vector_load_idx %arg8[%parallel_loop3A_291] : memref<4224xf32, #tpu.memory_space<vmem>>[vector<16xi32>], vector<16xf32>,
          %parallel_loop3A_293 = arith.constant 0 : i32
          %parallel_loop3A_294 = arith.addi %parallel_loop3A_287, %parallel_loop3A_293 : i32
          %parallel_loop3A_295 = arith.index_cast %parallel_loop3A_294 : i32 to index
          %parallel_loop3A_296 = tpu.vector_load %arg7[%parallel_loop3A_295] {strides = array<i32>} : memref<40960xf32, #tpu.memory_space<vmem>>, vector<16xf32>,
          tpu.vector_store %arg7[%parallel_loop3A_295], %parallel_loop3A_292 {strides = array<i32>} : memref<40960xf32, #tpu.memory_space<vmem>>, vector<16xf32>,
          %parallel_loop3A_297 = arith.constant 528 : i32
          %parallel_loop3A_298 = arith.addi %parallel_loop3A_297, %parallel_loop3A_238 : i32
          %parallel_loop3A_299 = vector.broadcast %parallel_loop3A_298 : i32 to vector<16xi32>
          %parallel_loop3A_300 = arith.addi %mul3A_3, %parallel_loop3A_299 : vector<16xi32>
          %parallel_loop3A_301 = tpu.vector_load_idx %arg8[%parallel_loop3A_300] : memref<4224xf32, #tpu.memory_space<vmem>>[vector<16xi32>], vector<16xf32>,
          %parallel_loop3A_302 = arith.constant 16 : i32
          %parallel_loop3A_303 = arith.addi %parallel_loop3A_287, %parallel_loop3A_302 : i32
          %parallel_loop3A_304 = arith.index_cast %parallel_loop3A_303 : i32 to index
          %parallel_loop3A_305 = tpu.vector_load %arg7[%parallel_loop3A_304] {strides = array<i32>} : memref<40960xf32, #tpu.memory_space<vmem>>, vector<16xf32>,
          tpu.vector_store %arg7[%parallel_loop3A_304], %parallel_loop3A_301 {strides = array<i32>} : memref<40960xf32, #tpu.memory_space<vmem>>, vector<16xf32>,
          %parallel_loop3A_306 = arith.constant 1056 : i32
          %parallel_loop3A_307 = arith.addi %parallel_loop3A_306, %parallel_loop3A_238 : i32
          %parallel_loop3A_308 = vector.broadcast %parallel_loop3A_307 : i32 to vector<16xi32>
          %parallel_loop3A_309 = arith.addi %mul3A_3, %parallel_loop3A_308 : vector<16xi32>
          %parallel_loop3A_310 = tpu.vector_load_idx %arg8[%parallel_loop3A_309] : memref<4224xf32, #tpu.memory_space<vmem>>[vector<16xi32>], vector<16xf32>,
          %parallel_loop3A_311 = arith.constant 32 : i32
          %parallel_loop3A_312 = arith.addi %parallel_loop3A_287, %parallel_loop3A_311 : i32
          %parallel_loop3A_313 = arith.index_cast %parallel_loop3A_312 : i32 to index
          %parallel_loop3A_314 = tpu.vector_load %arg7[%parallel_loop3A_313] {strides = array<i32>} : memref<40960xf32, #tpu.memory_space<vmem>>, vector<16xf32>,
          tpu.vector_store %arg7[%parallel_loop3A_313], %parallel_loop3A_310 {strides = array<i32>} : memref<40960xf32, #tpu.memory_space<vmem>>, vector<16xf32>,
          %parallel_loop3A_315 = arith.constant 1584 : i32
          %parallel_loop3A_316 = arith.addi %parallel_loop3A_315, %parallel_loop3A_238 : i32
          %parallel_loop3A_317 = vector.broadcast %parallel_loop3A_316 : i32 to vector<16xi32>
          %parallel_loop3A_318 = arith.addi %mul3A_3, %parallel_loop3A_317 : vector<16xi32>
          %parallel_loop3A_319 = tpu.vector_load_idx %arg8[%parallel_loop3A_318] : memref<4224xf32, #tpu.memory_space<vmem>>[vector<16xi32>], vector<16xf32>,
          %parallel_loop3A_320 = arith.constant 48 : i32
          %parallel_loop3A_321 = arith.addi %parallel_loop3A_287, %parallel_loop3A_320 : i32
          %parallel_loop3A_322 = arith.index_cast %parallel_loop3A_321 : i32 to index
          %parallel_loop3A_323 = tpu.vector_load %arg7[%parallel_loop3A_322] {strides = array<i32>} : memref<40960xf32, #tpu.memory_space<vmem>>, vector<16xf32>,
          tpu.vector_store %arg7[%parallel_loop3A_322], %parallel_loop3A_319 {strides = array<i32>} : memref<40960xf32, #tpu.memory_space<vmem>>, vector<16xf32>,
          %parallel_loop3A_324 = arith.constant 2112 : i32
          %parallel_loop3A_325 = arith.addi %parallel_loop3A_324, %parallel_loop3A_238 : i32
          %parallel_loop3A_326 = vector.broadcast %parallel_loop3A_325 : i32 to vector<16xi32>
          %parallel_loop3A_327 = arith.addi %mul3A_3, %parallel_loop3A_326 : vector<16xi32>
          %parallel_loop3A_328 = tpu.vector_load_idx %arg8[%parallel_loop3A_327] : memref<4224xf32, #tpu.memory_space<vmem>>[vector<16xi32>], vector<16xf32>,
          %parallel_loop3A_329 = arith.constant 64 : i32
          %parallel_loop3A_330 = arith.addi %parallel_loop3A_287, %parallel_loop3A_329 : i32
          %parallel_loop3A_331 = arith.index_cast %parallel_loop3A_330 : i32 to index
          %parallel_loop3A_332 = tpu.vector_load %arg7[%parallel_loop3A_331] {strides = array<i32>} : memref<40960xf32, #tpu.memory_space<vmem>>, vector<16xf32>,
          tpu.vector_store %arg7[%parallel_loop3A_331], %parallel_loop3A_328 {strides = array<i32>} : memref<40960xf32, #tpu.memory_space<vmem>>, vector<16xf32>,
          %parallel_loop3A_333 = arith.constant 2640 : i32
          %parallel_loop3A_334 = arith.addi %parallel_loop3A_333, %parallel_loop3A_238 : i32
          %parallel_loop3A_335 = vector.broadcast %parallel_loop3A_334 : i32 to vector<16xi32>
          %parallel_loop3A_336 = arith.addi %mul3A_3, %parallel_loop3A_335 : vector<16xi32>
          %parallel_loop3A_337 = tpu.vector_load_idx %arg8[%parallel_loop3A_336] : memref<4224xf32, #tpu.memory_space<vmem>>[vector<16xi32>], vector<16xf32>,
          %parallel_loop3A_338 = arith.constant 80 : i32
          %parallel_loop3A_339 = arith.addi %parallel_loop3A_287, %parallel_loop3A_338 : i32
          %parallel_loop3A_340 = arith.index_cast %parallel_loop3A_339 : i32 to index
          %parallel_loop3A_341 = tpu.vector_load %arg7[%parallel_loop3A_340] {strides = array<i32>} : memref<40960xf32, #tpu.memory_space<vmem>>, vector<16xf32>,
          tpu.vector_store %arg7[%parallel_loop3A_340], %parallel_loop3A_337 {strides = array<i32>} : memref<40960xf32, #tpu.memory_space<vmem>>, vector<16xf32>,
          %parallel_loop3A_342 = arith.constant 3168 : i32
          %parallel_loop3A_343 = arith.addi %parallel_loop3A_342, %parallel_loop3A_238 : i32
          %parallel_loop3A_344 = vector.broadcast %parallel_loop3A_343 : i32 to vector<16xi32>
          %parallel_loop3A_345 = arith.addi %mul3A_3, %parallel_loop3A_344 : vector<16xi32>
          %parallel_loop3A_346 = tpu.vector_load_idx %arg8[%parallel_loop3A_345] : memref<4224xf32, #tpu.memory_space<vmem>>[vector<16xi32>], vector<16xf32>,
          %parallel_loop3A_347 = arith.constant 96 : i32
          %parallel_loop3A_348 = arith.addi %parallel_loop3A_287, %parallel_loop3A_347 : i32
          %parallel_loop3A_349 = arith.index_cast %parallel_loop3A_348 : i32 to index
          %parallel_loop3A_350 = tpu.vector_load %arg7[%parallel_loop3A_349] {strides = array<i32>} : memref<40960xf32, #tpu.memory_space<vmem>>, vector<16xf32>,
          tpu.vector_store %arg7[%parallel_loop3A_349], %parallel_loop3A_346 {strides = array<i32>} : memref<40960xf32, #tpu.memory_space<vmem>>, vector<16xf32>,
          %parallel_loop3A_351 = arith.constant 3696 : i32
          %parallel_loop3A_352 = arith.addi %parallel_loop3A_351, %parallel_loop3A_238 : i32
          %parallel_loop3A_353 = vector.broadcast %parallel_loop3A_352 : i32 to vector<16xi32>
          %parallel_loop3A_354 = arith.addi %mul3A_3, %parallel_loop3A_353 : vector<16xi32>
          %parallel_loop3A_355 = tpu.vector_load_idx %arg8[%parallel_loop3A_354] : memref<4224xf32, #tpu.memory_space<vmem>>[vector<16xi32>], vector<16xf32>,
          %parallel_loop3A_356 = arith.constant 112 : i32
          %parallel_loop3A_357 = arith.addi %parallel_loop3A_287, %parallel_loop3A_356 : i32
          %parallel_loop3A_358 = arith.index_cast %parallel_loop3A_357 : i32 to index
          %parallel_loop3A_359 = tpu.vector_load %arg7[%parallel_loop3A_358] {strides = array<i32>} : memref<40960xf32, #tpu.memory_space<vmem>>, vector<16xf32>,
          tpu.vector_store %arg7[%parallel_loop3A_358], %parallel_loop3A_355 {strides = array<i32>} : memref<40960xf32, #tpu.memory_space<vmem>>, vector<16xf32>,
        } {sc.loop_unroll_factor = 8 : i64, sc.parallel_access}
        %scan3A_237 = arith.constant 0 : i32
        scf.yield %scan3A_237 : i32
      }
      %scan3A_178 = arith.constant 5 : i32
      %add3A_179 = arith.constant 0 : i32
      %add3A_180 = arith.addi %mul3A_170, %add3A_179 : i32
      %mul3A_181 = arith.constant 5120 : i32
      %mul3A_182 = arith.muli %add3A_136, %mul3A_181 : i32
      %add3A_183 = arith.constant 0 : i32
      %add3A_184 = arith.addi %add3A_183, %mul3A_182 : i32
      %dma_start3A_185 = tpu.memref_slice %arg7[%add3A_180] : memref<40960xf32, #tpu.memory_space<vmem>> -> memref<5120xf32, #tpu.memory_space<vmem>>
      %dma_start3A_186 = tpu.memref_slice %arg4[%add3A_184] : memref<51200000xf32, #tpu.memory_space<hbm>> -> memref<5120xf32, #tpu.memory_space<hbm>>
      %dma_start3A_187 = tpu.memref_slice %arg4[%add3A_184] : memref<51200000xf32, #tpu.memory_space<hbm>> -> memref<5120xf32, #tpu.memory_space<hbm>>
      %dma_start3A_188 = tpu.memref_slice %arg7[%add3A_180] : memref<40960xf32, #tpu.memory_space<vmem>> -> memref<5120xf32, #tpu.memory_space<vmem>>
      tpu.enqueue_dma source(%dma_start3A_188 : memref<5120xf32, #tpu.memory_space<vmem>>) target(%dma_start3A_187 : memref<5120xf32, #tpu.memory_space<hbm>>) target_semaphore(%arg10 : memref<!tpu.dma_semaphore, #tpu.memory_space<semaphore_mem>>)
      %add3A_189 = arith.constant 5120 : i32
      %add3A_190 = arith.addi %mul3A_170, %add3A_189 : i32
      %mul3A_191 = arith.constant 5120 : i32
      %mul3A_192 = arith.muli %add3A_136, %mul3A_191 : i32
      %add3A_193 = arith.constant 12800000 : i32
      %add3A_194 = arith.addi %add3A_193, %mul3A_192 : i32
      %dma_start3A_195 = tpu.memref_slice %arg7[%add3A_190] : memref<40960xf32, #tpu.memory_space<vmem>> -> memref<5120xf32, #tpu.memory_space<vmem>>
      %dma_start3A_196 = tpu.memref_slice %arg4[%add3A_194] : memref<51200000xf32, #tpu.memory_space<hbm>> -> memref<5120xf32, #tpu.memory_space<hbm>>
      %dma_start3A_197 = tpu.memref_slice %arg4[%add3A_194] : memref<51200000xf32, #tpu.memory_space<hbm>> -> memref<5120xf32, #tpu.memory_space<hbm>>
      %dma_start3A_198 = tpu.memref_slice %arg7[%add3A_190] : memref<40960xf32, #tpu.memory_space<vmem>> -> memref<5120xf32, #tpu.memory_space<vmem>>
      tpu.enqueue_dma source(%dma_start3A_198 : memref<5120xf32, #tpu.memory_space<vmem>>) target(%dma_start3A_197 : memref<5120xf32, #tpu.memory_space<hbm>>) target_semaphore(%arg10 : memref<!tpu.dma_semaphore, #tpu.memory_space<semaphore_mem>>)
      %add3A_199 = arith.constant 10240 : i32
      %add3A_200 = arith.addi %mul3A_170, %add3A_199 : i32
      %mul3A_201 = arith.constant 5120 : i32
      %mul3A_202 = arith.muli %add3A_136, %mul3A_201 : i32
      %add3A_203 = arith.constant 25600000 : i32
      %add3A_204 = arith.addi %add3A_203, %mul3A_202 : i32
      %dma_start3A_205 = tpu.memref_slice %arg7[%add3A_200] : memref<40960xf32, #tpu.memory_space<vmem>> -> memref<5120xf32, #tpu.memory_space<vmem>>
      %dma_start3A_206 = tpu.memref_slice %arg4[%add3A_204] : memref<51200000xf32, #tpu.memory_space<hbm>> -> memref<5120xf32, #tpu.memory_space<hbm>>
      %dma_start3A_207 = tpu.memref_slice %arg4[%add3A_204] : memref<51200000xf32, #tpu.memory_space<hbm>> -> memref<5120xf32, #tpu.memory_space<hbm>>
      %dma_start3A_208 = tpu.memref_slice %arg7[%add3A_200] : memref<40960xf32, #tpu.memory_space<vmem>> -> memref<5120xf32, #tpu.memory_space<vmem>>
      tpu.enqueue_dma source(%dma_start3A_208 : memref<5120xf32, #tpu.memory_space<vmem>>) target(%dma_start3A_207 : memref<5120xf32, #tpu.memory_space<hbm>>) target_semaphore(%arg10 : memref<!tpu.dma_semaphore, #tpu.memory_space<semaphore_mem>>)
      %add3A_209 = arith.constant 15360 : i32
      %add3A_210 = arith.addi %mul3A_170, %add3A_209 : i32
      %mul3A_211 = arith.constant 5120 : i32
      %mul3A_212 = arith.muli %add3A_136, %mul3A_211 : i32
      %add3A_213 = arith.constant 38400000 : i32
      %add3A_214 = arith.addi %add3A_213, %mul3A_212 : i32
      %dma_start3A_215 = tpu.memref_slice %arg7[%add3A_210] : memref<40960xf32, #tpu.memory_space<vmem>> -> memref<5120xf32, #tpu.memory_space<vmem>>
      %dma_start3A_216 = tpu.memref_slice %arg4[%add3A_214] : memref<51200000xf32, #tpu.memory_space<hbm>> -> memref<5120xf32, #tpu.memory_space<hbm>>
      %dma_start3A_217 = tpu.memref_slice %arg4[%add3A_214] : memref<51200000xf32, #tpu.memory_space<hbm>> -> memref<5120xf32, #tpu.memory_space<hbm>>
      %dma_start3A_218 = tpu.memref_slice %arg7[%add3A_210] : memref<40960xf32, #tpu.memory_space<vmem>> -> memref<5120xf32, #tpu.memory_space<vmem>>
      tpu.enqueue_dma source(%dma_start3A_218 : memref<5120xf32, #tpu.memory_space<vmem>>) target(%dma_start3A_217 : memref<5120xf32, #tpu.memory_space<hbm>>) target_semaphore(%arg10 : memref<!tpu.dma_semaphore, #tpu.memory_space<semaphore_mem>>)
      %gt3A = arith.constant 0 : i32
      %gt3A_219 = arith.cmpi sgt, %while3A_118, %gt3A : i32
      %convert_element_type3A = arith.extui %gt3A_219 : i1 to i32
      %cond3A = arith.constant 0 : i32
      %cond3A_220 = arith.cmpi ne, %convert_element_type3A, %cond3A : i32
      scf.if %cond3A_220 {
        %dma_wait3A_230 = arith.constant 0 : i32
        %dma_wait3A_231 = tpu.memref_slice %arg7[%dma_wait3A_230] : memref<40960xf32, #tpu.memory_space<vmem>> -> memref<5120xf32, #tpu.memory_space<vmem>>
        %dma_wait3A_232 = arith.constant 0 : i32
        %dma_wait3A_233 = tpu.memref_slice %arg4[%dma_wait3A_232] : memref<51200000xf32, #tpu.memory_space<hbm>> -> memref<5120xf32, #tpu.memory_space<hbm>>
        %dma_wait3A_234 = arith.constant 0 : i32
        %dma_wait3A_235 = tpu.memref_slice %arg4[%dma_wait3A_234] : memref<51200000xf32, #tpu.memory_space<hbm>> -> memref<5120xf32, #tpu.memory_space<hbm>>
        %dma_wait3A_236 = arith.constant 0 : i32
        %dma_wait3A_237 = tpu.memref_slice %arg7[%dma_wait3A_236] : memref<40960xf32, #tpu.memory_space<vmem>> -> memref<5120xf32, #tpu.memory_space<vmem>>
        tpu.wait_dma2 semaphore(%arg10 : memref<!tpu.dma_semaphore, #tpu.memory_space<semaphore_mem>>) src(%dma_wait3A_237 : memref<5120xf32, #tpu.memory_space<vmem>>) dst(%dma_wait3A_235 : memref<5120xf32, #tpu.memory_space<hbm>>)
        %dma_wait3A_238 = arith.constant 0 : i32
        %dma_wait3A_239 = tpu.memref_slice %arg7[%dma_wait3A_238] : memref<40960xf32, #tpu.memory_space<vmem>> -> memref<5120xf32, #tpu.memory_space<vmem>>
        %dma_wait3A_240 = arith.constant 0 : i32
        %dma_wait3A_241 = tpu.memref_slice %arg4[%dma_wait3A_240] : memref<51200000xf32, #tpu.memory_space<hbm>> -> memref<5120xf32, #tpu.memory_space<hbm>>
        %dma_wait3A_242 = arith.constant 0 : i32
        %dma_wait3A_243 = tpu.memref_slice %arg4[%dma_wait3A_242] : memref<51200000xf32, #tpu.memory_space<hbm>> -> memref<5120xf32, #tpu.memory_space<hbm>>
        %dma_wait3A_244 = arith.constant 0 : i32
        %dma_wait3A_245 = tpu.memref_slice %arg7[%dma_wait3A_244] : memref<40960xf32, #tpu.memory_space<vmem>> -> memref<5120xf32, #tpu.memory_space<vmem>>
        tpu.wait_dma2 semaphore(%arg10 : memref<!tpu.dma_semaphore, #tpu.memory_space<semaphore_mem>>) src(%dma_wait3A_245 : memref<5120xf32, #tpu.memory_space<vmem>>) dst(%dma_wait3A_243 : memref<5120xf32, #tpu.memory_space<hbm>>)
        %dma_wait3A_246 = arith.constant 0 : i32
        %dma_wait3A_247 = tpu.memref_slice %arg7[%dma_wait3A_246] : memref<40960xf32, #tpu.memory_space<vmem>> -> memref<5120xf32, #tpu.memory_space<vmem>>
        %dma_wait3A_248 = arith.constant 0 : i32
        %dma_wait3A_249 = tpu.memref_slice %arg4[%dma_wait3A_248] : memref<51200000xf32, #tpu.memory_space<hbm>> -> memref<5120xf32, #tpu.memory_space<hbm>>
        %dma_wait3A_250 = arith.constant 0 : i32
        %dma_wait3A_251 = tpu.memref_slice %arg4[%dma_wait3A_250] : memref<51200000xf32, #tpu.memory_space<hbm>> -> memref<5120xf32, #tpu.memory_space<hbm>>
        %dma_wait3A_252 = arith.constant 0 : i32
        %dma_wait3A_253 = tpu.memref_slice %arg7[%dma_wait3A_252] : memref<40960xf32, #tpu.memory_space<vmem>> -> memref<5120xf32, #tpu.memory_space<vmem>>
        tpu.wait_dma2 semaphore(%arg10 : memref<!tpu.dma_semaphore, #tpu.memory_space<semaphore_mem>>) src(%dma_wait3A_253 : memref<5120xf32, #tpu.memory_space<vmem>>) dst(%dma_wait3A_251 : memref<5120xf32, #tpu.memory_space<hbm>>)
        %dma_wait3A_254 = arith.constant 0 : i32
        %dma_wait3A_255 = tpu.memref_slice %arg7[%dma_wait3A_254] : memref<40960xf32, #tpu.memory_space<vmem>> -> memref<5120xf32, #tpu.memory_space<vmem>>
        %dma_wait3A_256 = arith.constant 0 : i32
        %dma_wait3A_257 = tpu.memref_slice %arg4[%dma_wait3A_256] : memref<51200000xf32, #tpu.memory_space<hbm>> -> memref<5120xf32, #tpu.memory_space<hbm>>
        %dma_wait3A_258 = arith.constant 0 : i32
        %dma_wait3A_259 = tpu.memref_slice %arg4[%dma_wait3A_258] : memref<51200000xf32, #tpu.memory_space<hbm>> -> memref<5120xf32, #tpu.memory_space<hbm>>
        %dma_wait3A_260 = arith.constant 0 : i32
        %dma_wait3A_261 = tpu.memref_slice %arg7[%dma_wait3A_260] : memref<40960xf32, #tpu.memory_space<vmem>> -> memref<5120xf32, #tpu.memory_space<vmem>>
        tpu.wait_dma2 semaphore(%arg10 : memref<!tpu.dma_semaphore, #tpu.memory_space<semaphore_mem>>) src(%dma_wait3A_261 : memref<5120xf32, #tpu.memory_space<vmem>>) dst(%dma_wait3A_259 : memref<5120xf32, #tpu.memory_space<hbm>>)
      } else {
      }
      %dma_wait3A_221 = arith.constant 0 : i32
      %dma_wait3A_222 = tpu.memref_slice %arg6[%dma_wait3A_221] : memref<1280xi32, #tpu.memory_space<vmem>> -> memref<640xi32, #tpu.memory_space<vmem>>
      %dma_wait3A_223 = arith.constant 0 : i32
      %dma_wait3A_224 = tpu.memref_slice %arg3[%dma_wait3A_223] : memref<1600000xi32, #tpu.memory_space<hbm>> -> memref<640xi32, #tpu.memory_space<hbm>>
      %dma_wait3A_225 = arith.constant 0 : i32
      %dma_wait3A_226 = tpu.memref_slice %arg6[%dma_wait3A_225] : memref<1280xi32, #tpu.memory_space<vmem>> -> memref<640xi32, #tpu.memory_space<vmem>>
      %dma_wait3A_227 = arith.constant 0 : i32
      %dma_wait3A_228 = tpu.memref_slice %arg3[%dma_wait3A_227] : memref<1600000xi32, #tpu.memory_space<hbm>> -> memref<640xi32, #tpu.memory_space<hbm>>
      tpu.wait_dma2 semaphore(%arg9 : memref<!tpu.dma_semaphore, #tpu.memory_space<semaphore_mem>>) src(%dma_wait3A_228 : memref<640xi32, #tpu.memory_space<hbm>>) dst(%dma_wait3A_226 : memref<640xi32, #tpu.memory_space<vmem>>)
      %while3A_229 = arith.constant 0 : i32
      scf.yield %while3A_229 : i32
    }
    %dma_wait3A_86 = arith.constant 0 : i32
    %dma_wait3A_87 = tpu.memref_slice %arg7[%dma_wait3A_86] : memref<40960xf32, #tpu.memory_space<vmem>> -> memref<5120xf32, #tpu.memory_space<vmem>>
    %dma_wait3A_88 = arith.constant 0 : i32
    %dma_wait3A_89 = tpu.memref_slice %arg4[%dma_wait3A_88] : memref<51200000xf32, #tpu.memory_space<hbm>> -> memref<5120xf32, #tpu.memory_space<hbm>>
    %dma_wait3A_90 = arith.constant 0 : i32
    %dma_wait3A_91 = tpu.memref_slice %arg4[%dma_wait3A_90] : memref<51200000xf32, #tpu.memory_space<hbm>> -> memref<5120xf32, #tpu.memory_space<hbm>>
    %dma_wait3A_92 = arith.constant 0 : i32
    %dma_wait3A_93 = tpu.memref_slice %arg7[%dma_wait3A_92] : memref<40960xf32, #tpu.memory_space<vmem>> -> memref<5120xf32, #tpu.memory_space<vmem>>
    tpu.wait_dma2 semaphore(%arg10 : memref<!tpu.dma_semaphore, #tpu.memory_space<semaphore_mem>>) src(%dma_wait3A_93 : memref<5120xf32, #tpu.memory_space<vmem>>) dst(%dma_wait3A_91 : memref<5120xf32, #tpu.memory_space<hbm>>)
    %dma_wait3A_94 = arith.constant 0 : i32
    %dma_wait3A_95 = tpu.memref_slice %arg7[%dma_wait3A_94] : memref<40960xf32, #tpu.memory_space<vmem>> -> memref<5120xf32, #tpu.memory_space<vmem>>
    %dma_wait3A_96 = arith.constant 0 : i32
    %dma_wait3A_97 = tpu.memref_slice %arg4[%dma_wait3A_96] : memref<51200000xf32, #tpu.memory_space<hbm>> -> memref<5120xf32, #tpu.memory_space<hbm>>
    %dma_wait3A_98 = arith.constant 0 : i32
    %dma_wait3A_99 = tpu.memref_slice %arg4[%dma_wait3A_98] : memref<51200000xf32, #tpu.memory_space<hbm>> -> memref<5120xf32, #tpu.memory_space<hbm>>
    %dma_wait3A_100 = arith.constant 0 : i32
    %dma_wait3A_101 = tpu.memref_slice %arg7[%dma_wait3A_100] : memref<40960xf32, #tpu.memory_space<vmem>> -> memref<5120xf32, #tpu.memory_space<vmem>>
    tpu.wait_dma2 semaphore(%arg10 : memref<!tpu.dma_semaphore, #tpu.memory_space<semaphore_mem>>) src(%dma_wait3A_101 : memref<5120xf32, #tpu.memory_space<vmem>>) dst(%dma_wait3A_99 : memref<5120xf32, #tpu.memory_space<hbm>>)
    %dma_wait3A_102 = arith.constant 0 : i32
    %dma_wait3A_103 = tpu.memref_slice %arg7[%dma_wait3A_102] : memref<40960xf32, #tpu.memory_space<vmem>> -> memref<5120xf32, #tpu.memory_space<vmem>>
    %dma_wait3A_104 = arith.constant 0 : i32
    %dma_wait3A_105 = tpu.memref_slice %arg4[%dma_wait3A_104] : memref<51200000xf32, #tpu.memory_space<hbm>> -> memref<5120xf32, #tpu.memory_space<hbm>>
    %dma_wait3A_106 = arith.constant 0 : i32
    %dma_wait3A_107 = tpu.memref_slice %arg4[%dma_wait3A_106] : memref<51200000xf32, #tpu.memory_space<hbm>> -> memref<5120xf32, #tpu.memory_space<hbm>>
    %dma_wait3A_108 = arith.constant 0 : i32
    %dma_wait3A_109 = tpu.memref_slice %arg7[%dma_wait3A_108] : memref<40960xf32, #tpu.memory_space<vmem>> -> memref<5120xf32, #tpu.memory_space<vmem>>
    tpu.wait_dma2 semaphore(%arg10 : memref<!tpu.dma_semaphore, #tpu.memory_space<semaphore_mem>>) src(%dma_wait3A_109 : memref<5120xf32, #tpu.memory_space<vmem>>) dst(%dma_wait3A_107 : memref<5120xf32, #tpu.memory_space<hbm>>)
    %dma_wait3A_110 = arith.constant 0 : i32
    %dma_wait3A_111 = tpu.memref_slice %arg7[%dma_wait3A_110] : memref<40960xf32, #tpu.memory_space<vmem>> -> memref<5120xf32, #tpu.memory_space<vmem>>
    %dma_wait3A_112 = arith.constant 0 : i32
    %dma_wait3A_113 = tpu.memref_slice %arg4[%dma_wait3A_112] : memref<51200000xf32, #tpu.memory_space<hbm>> -> memref<5120xf32, #tpu.memory_space<hbm>>
    %dma_wait3A_114 = arith.constant 0 : i32
    %dma_wait3A_115 = tpu.memref_slice %arg4[%dma_wait3A_114] : memref<51200000xf32, #tpu.memory_space<hbm>> -> memref<5120xf32, #tpu.memory_space<hbm>>
    %dma_wait3A_116 = arith.constant 0 : i32
    %dma_wait3A_117 = tpu.memref_slice %arg7[%dma_wait3A_116] : memref<40960xf32, #tpu.memory_space<vmem>> -> memref<5120xf32, #tpu.memory_space<vmem>>
    tpu.wait_dma2 semaphore(%arg10 : memref<!tpu.dma_semaphore, #tpu.memory_space<semaphore_mem>>) src(%dma_wait3A_117 : memref<5120xf32, #tpu.memory_space<vmem>>) dst(%dma_wait3A_115 : memref<5120xf32, #tpu.memory_space<hbm>>)
    return
  }
}

</mosaic_0001>

<sc_bundles>
// kernel: _sc_gather.3.cloned.1.call-start
scs
__scs_entry_jumppad:
0x0: {  	(pc) =	sbr.rel $0x88, $3  }
0x1: {  	(tag) =	ssettag $0x0;
	lr =	simm.s32 $0x1  }
0x2: {  	[smem:$0x3F9F] =	sst lr;
	_ =	strace $0xD0000000  }
0x3: {  	_ = 	snop  }
0x4: {  	_ = 	snop  }
0x5: {  	_ = 	snop  }
0x6: {  	_ = 	snop  }
0x7: {  	_ = 	snop  }
__scs_overlays_trampoline_lowered:
0x8: {  	[smem:$0x3FAE] =	sst s0  }
0x9: {  	[smem:$0x3FAF] =	sst s1  }
0xa: {  	[smem:$0x3FB0] =	sst s2  }
0xb: {  	[smem:$0x3FB1] =	sst s3  }
0xc: {  	[smem:$0x3FB2] =	sst s4  }
0xd: {  	[smem:$0x3FB3] =	sst s5  }
0xe: {  	[smem:$0x3FB4] =	sst s6  }
0xf: {  	[smem:$0x3FB5] =	sst s7  }
0x10: {  	[smem:$0x3FB6] =	sst s8  }
0x11: {  	[smem:$0x3FB7] =	sst s9;
	s0 =	simm.s32 @!p0 $0x0  }
0x12: {  	s1 =	sld [smem:$0x3F9D];
	s0 =	simm.s32 @p0 $0x1  }
0x13: {  	[smem:$0x3FB8] =	sst s0;
	s0 =	simm.s32 @!p1 $0x0  }
0x14: {  	s2 =	sld [smem:$0x3F9C];
	s0 =	simm.s32 @p1 $0x1  }
0x15: {  	[smem:$0x3FB9] =	sst s0;
	s0 =	simm.s32 @!p2 $0x0  }
0x16: {  	s3 =	sld [smem:$0x3FDB];
	s0 =	simm.s32 @p2 $0x1  }
0x17: {  	s4 =	simm.s32 $0x1BF5;
	[smem:$0x3FBB] =	sst s0  }
0x18: {  	s0 =	sld [smem:$0x3F9E];
	_ =	swait.ge [sflag:s4], $0x0  }
0x19: {  	s7 =	sld [smem:$0x3F9F]  }
0x1a: {  	s8 =	sadd.s32 $0xFFFFE003, lr  }
0x1b: {  	s9 =	sadd.s32 $0xFFFFFEF7, lr;
	s5 =	simm.s32 $0xFFFFFFFF;
	p2 =	slt.u32 s8, $0xFFFFF086  }
0x1c: {  	p1 =	slt.u32 s9, $0xF7A;
	s5 =	simm.s32 @!p2 $0x0  }
0x1d: {  	s5 =	simm.s32 @p1 $0x1;
	p0 =	seq.s32 s7, s2  }
0x1e: {  	s7 =	smul.u32 @!p0 $0xF7A, s2;
	p2 =	seq.s32 @!p0 s5, $0x0  }
0x1f: {  	s9 =	smul.u32 $0xF7A, s1;
	s8 =	simm.s32 @!p0 $0x1BF5;
	p2 =	por !p2, p0  }
0x20: {  	[sflag:s8] =	ssyncset.s32 @!p0 $0xFFFFF086;
	s6 =	sadd.s32 @!p0 s3, s7;
	s7 =	simm.s32 @!p0 $0x108  }
0x21: {  	s3 =	sadd.s32 s3, s9;
	s6 =	sadd.s32 @!p0 $0x88, s6;
	s7 =	simm.s32 @p2 $0x1082  }
0x22: {  	[simem:s7], [sflag:s8] =	dma.local @!p0 [hbm:s6], $0xF7A  }
0x23: {  	s9 =	sor.u32 $0xD0000000, s2;
	s6 =	simm.s32 $0x108;
	_ =	swait.ge @!p0 [sflag:s8], $0x0  }
0x24: {  	s3 =	sadd.s32 $0x88, s3;
	s6 =	simm.s32 @!p1 $0x1082;
	[sflag:s4] =	ssyncset.s32 $0xFFFFF086  }
0x25: {  	[simem:s6], [sflag:s4] =	dma.local [hbm:s3], $0xF7A  }
0x26: {  	[smem:$0x3F9F] =	sst s1;
	(tag) =	ssettag s2;
	_ =	strace s9  }
0x27: {  	s1 =	sld [smem:$0x3FAF]  }
0x28: {  	s2 =	sld [smem:$0x3FB0]  }
0x29: {  	s4 =	sld [smem:$0x3FB2]  }
0x2a: {  	p0 =	seq.s32 s5, $0x0;
	s5 =	sld [smem:$0x3FB3]  }
0x2b: {  	s6 =	sld [smem:$0x3FB4]  }
0x2c: {  	s7 =	sld [smem:$0x3FB5]  }
0x2d: {  	s3 =	simm.s32 $0x108;
	s8 =	sld [smem:$0x3FB6]  }
0x2e: {  	s3 =	simm.s32 @!p0 $0x1082;
	s9 =	sld [smem:$0x3FB7]  }
0x2f: {  	lr =	sadd.s32 s0, s3;
	s0 =	sld [smem:$0x3FAE]  }
0x30: {  	s3 =	sld [smem:$0x3FB1]  }
0x31: {  	[smem:$0x3FBA] =	sst s10  }
0x32: {  	s10 =	sld [smem:$0x3FB8];
	_ =	sdelay $0x3  }
0x33: {  	p0 =	seq.s32 s10, $0x1;
	s10 =	sld [smem:$0x3FBA];
	_ =	sdelay $0x3  }
0x34: {  	[smem:$0x3FBA] =	sst s10  }
0x35: {  	s10 =	sld [smem:$0x3FB9];
	_ =	sdelay $0x3  }
0x36: {  	p1 =	seq.s32 s10, $0x1;
	s10 =	sld [smem:$0x3FBA];
	_ =	sdelay $0x3  }
0x37: {  	[smem:$0x3FBA] =	sst s10  }
0x38: {  	s10 =	sld [smem:$0x3FBB]  }
0x39: {  	_ = 	snop;
	(pc) =	sbr.ind lr, $3  }
0x3a: {  	_ = 	snop  }
0x3b: {  	_ = 	snop  }
0x3c: {  	p2 =	seq.s32 s10, $0x1;
	s10 =	sld [smem:$0x3FBA]  }
0x3d: {  	_ =	shalt  }
0x3e: {  	_ =	shalt  }
0x3f: {  	_ =	shalt  }
0x40: {  	_ =	shalt  }
0x41: {  	_ =	shalt  }
0x42: {  	_ =	shalt  }
0x43: {  	_ =	shalt  }
0x44: {  	_ =	shalt  }
0x45: {  	_ =	shalt  }
0x46: {  	_ =	shalt  }
0x47: {  	_ =	shalt  }
0x48: {  	_ =	shalt  }
0x49: {  	_ =	shalt  }
0x4a: {  	_ =	shalt  }
0x4b: {  	_ =	shalt  }
0x4c: {  	_ =	shalt  }
0x4d: {  	_ =	shalt  }
0x4e: {  	_ =	shalt  }
0x4f: {  	_ =	shalt  }
0x50: {  	_ =	shalt  }
0x51: {  	_ =	shalt  }
0x52: {  	_ =	shalt  }
0x53: {  	_ =	shalt  }
0x54: {  	_ =	shalt  }
0x55: {  	_ =	shalt  }
0x56: {  	_ =	shalt  }
0x57: {  	_ =	shalt  }
0x58: {  	_ =	shalt  }
0x59: {  	_ =	shalt  }
0x5a: {  	_ =	shalt  }
0x5b: {  	_ =	shalt  }
0x5c: {  	_ =	shalt  }
0x5d: {  	_ =	shalt  }
0x5e: {  	_ =	shalt  }
0x5f: {  	_ =	shalt  }
0x60: {  	_ =	shalt  }
0x61: {  	_ =	shalt  }
0x62: {  	_ =	shalt  }
0x63: {  	_ =	shalt  }
0x64: {  	_ =	shalt  }
0x65: {  	_ =	shalt  }
0x66: {  	_ =	shalt  }
0x67: {  	_ =	shalt  }
0x68: {  	_ =	shalt  }
0x69: {  	_ =	shalt  }
0x6a: {  	_ =	shalt  }
0x6b: {  	_ =	shalt  }
0x6c: {  	_ =	shalt  }
0x6d: {  	_ =	shalt  }
0x6e: {  	_ =	shalt  }
0x6f: {  	_ =	shalt  }
0x70: {  	_ =	shalt  }
0x71: {  	_ =	shalt  }
0x72: {  	_ =	shalt  }
0x73: {  	_ =	shalt  }
0x74: {  	_ =	shalt  }
0x75: {  	_ =	shalt  }
0x76: {  	_ =	shalt  }
0x77: {  	_ =	shalt  }
0x78: {  	_ =	shalt  }
0x79: {  	_ =	shalt  }
0x7a: {  	_ =	shalt  }
0x7b: {  	_ =	shalt  }
0x7c: {  	_ =	shalt  }
0x7d: {  	_ =	shalt  }
0x7e: {  	_ =	shalt  }
0x7f: {  	_ =	shalt  }
0x80: {  	_ =	shalt  }
0x81: {  	_ =	shalt  }
0x82: {  	_ =	shalt  }
0x83: {  	_ =	shalt  }
0x84: {  	_ =	shalt  }
0x85: {  	_ =	shalt  }
0x86: {  	_ =	shalt  }
0x87: {  	_ =	shalt  }
.Lfunc_end0:
.L_simem_size_0:
called_computation_lowered:
.L_overlay_start_0:
0x88: {  	s2 =	sld [smem:$0x3FD9]  }
0x89: {  	s3 =	sld [smem:$0x3FFE];
	_ =	sdelay $0x1  }
0x8a: {  	s1 =	srdreg.scid  }
0x8b: {  	s0 =	sand.u32 $0x1, s1  }
0x8c: {  	s18 =	sshll.u32 s0, $0xA;
	s2 =	sadd.s32 s3, s2  }
0x8d: {  	s2 =	sadd.s32 s2, s18  }
0x8e: {  	[smem:$0x3FC6] =	sst s2  }
0x8f: {  	_ = 	snop  }
0x90: {  	s2 =	sld [smem:$0x3FC9]  }
0x91: {  	s19 =	sld [smem:$0x3FC8]  }
0x92: {  	s4 =	sld [smem:$0x3FD0];
	(tm) =	ssettm $0x1  }
0x93: {  	s5 =	sld [smem:$0x3FFB];
	_ =	sdelay $0x3  }
0x94: {  	_ =	strace s5  }
0x95: {  	s5 =	sld [smem:$0x3FFC];
	_ =	sdelay $0x3  }
0x96: {  	_ =	strace s5  }
0x97: {  	s5 =	sld [smem:$0x3FFD];
	_ =	sdelay $0x3  }
0x98: {  	_ =	strace s5  }
0x99: {  	_ =	strace $0x8FFFFFFF  }
0x9a: {  	s20 =	sld [smem:$0x3FDB];
	_ =	sdelay $0x1  }
0x9b: {  	s6 =	simm.s32 $_scs_section_size  }
0x9c: {  	s7 =	simm.s32 $_size__tile_overlayer_lowered;
	s8 =	simm.s32 $_tile_overlayer_lowered  }
0x9d: {  	s23 =	simm.s32 $0x1BFF;
	s22 =	sshll.u32 s8, $0x1;
	s5 =	sadd.s32 s6, s20  }
0x9e: {  	s9 =	simm.s32 $0x0;
	s21 =	sshll.u32 s7, $0x1;
	s7 =	sadd.s32 s22, s5  }
0x9f: {  	[timem:s9], [sflag:s23] =	dma.local [hbm:s7], s21  }
0xa0: {  	_ =	swait.ge [sflag:s23], s21  }
0xa1: {  	s6 =	ssub.s32 $0x0, s21;
	[sflag:s23] =	ssyncset.done $0x0  }
0xa2: {  	[sflag:s23] =	ssyncadd.s32 s6;
	_ =	sdelay $0x1  }
0xa3: {  	s24 =	simm.s32 $0x1B8B  }
0xa4: {  	_ =	swait.ge [sflag:s24], $0x1  }
0xa5: {  	[sflag:s24] =	ssyncset.done $0x0  }
0xa6: {  	s25 =	simm.s32 $0x1B8E;
	[sflag:s24] =	ssyncadd.s32 $0xFFFFFFFF  }
0xa7: {  	s26 =	simm.s32 $execute0_lowered;
	[smem:$0x3FD2] =	sst s25  }
0xa8: {  	s6 =	sshll.u32 s26, $0x1;
	_ =	strace $0x80000046;
	[dreg:$0x1] =	wrdreg $0xFFFFFFFF  }
0xa9: {  	s28 =	simm.s32 $_size_execute0_lowered;
	s5 =	sadd.s32 s5, s6;
	[dreg:$0x0] =	wrdreg $0x0  }
0xaa: {  	s6 =	sshll.u32 s28, $0x1;
	[dreg:$0x2] =	wrdreg s5  }
0xab: {  	[dreg:$0x3] =	wrdreg s6  }
0xac: {  	[dreg:$0x4] =	wrdreg $0xC0  }
0xad: {  	_ =	task [dreg:s9], $0x5FFFF  }
0xae: {  	[dreg:$0x1] =	wrdreg $0xFFFFFFFF  }
0xaf: {  	[dreg:$0x0] =	wrdreg $0x60  }
0xb0: {  	[dreg:$0x2] =	wrdreg s2  }
0xb1: {  	[dreg:$0x3] =	wrdreg s19  }
0xb2: {  	[dreg:$0x4] =	wrdreg s4  }
0xb3: {  	[dreg:$0x5] =	wrdreg $0x9  }
0xb4: {  	_ =	task.clear_ibuf [dreg:s9], $0x6FFFF;
	_ =	strace $0x90000046  }
0xb5: {  	s29 =	simm.s32 $0x9;
	_ =	strace $0x80000048  }
0xb6: {  	_ =	swait.ge [sflag:s29], $0x1  }
0xb7: {  	[sflag:s29] =	ssyncadd.s32 $0xFFFFFFFF  }
0xb8: {  	_ =	strace $0x90000048  }
0xb9: {  	_ =	sfence  }
0xba: {  	s30 =	sld [smem:$0x0];
	_ =	sdelay $0x2  }
0xbb: {  	s31 =	sshll.u32 s1, $0xD;
	s1 =	sshrl.u32 s1, $0x2  }
0xbc: {  	s3 =	sand.u32 $0x4000, s31;
	s1 =	sadd.s32 s1, s30  }
0xbd: {  	s0 =	sor.u32 s3, s0;
	s1 =	sshll.u32 s1, $0x11  }
0xbe: {  	s0 =	sor.u32 s1, s0  }
0xbf: {  	s0 =	sadd.s32 $0x8F2B, s0  }
0xc0: {  	[sflag:s0] =	ssyncadd.remote.s32 $0x1  }
0xc1: {  	_ =	sfence.sel $0xFFFF  }
0xc2: {  	[dreg:$0x0] =	wrdreg $0xFFFFFFFF;
	(pc) =	sbr.abs _section_cstart, $3  }
0xc3: {  	[dreg:$0x1] =	wrdreg $0xFFFFFFFF  }
0xc4: {  	_ =	task.clear_ibuf [dreg:s9], $0x2FFFF;
	_ =	strace $0x9FFFFFFF  }
0xc5: {  	(tm) =	ssettm $0x7FFFFFFF  }
tec
execute0_lowered:
.L_overlay_start_1:
0x0: {  	(tag) =	ssettag $0x1  }
0x1: {  	s3 =	rddreg [dreg:$0x1]  }
0x2: {  	s4 =	rddreg [dreg:$0x2]  }
0x3: {  	s6 =	srdreg.scid;
	s0 =	stileid.u32;
	s5 =	simm.s32 $0x0  }
0x4: {  	s13 =	simm.s32 $0x1;
	s6 =	sand.u32 $0x1, s6;
	s7 =	sshll.u32 s0, $0x1  }
0x5: {  	v0 =	vlaneseq.u32;
	v1 =	vimm.s32 $0x0;
	v3 =	vimm.s32 $0x1;
	s14 =	simm.s32 $0x14500;
	s8 =	ssub.s32 $0x2, s6;
	s6 =	sor.u32 s6, s7  }
0x6: {  	v4 =	vimm.s32 $0x2;
	v5 =	vimm.s32 $0x3;
	v6 =	vimm.s32 $0x4;
	s15 =	simm.s32 $0x2;
	[smem:$0x7FF] =	sst s5;
	s10 =	smul.u32 $0x50, s6  }
0x7: {  	v7 =	vimm.s32 $0x5;
	v8 =	vimm.s32 $0x6;
	v9 =	vimm.s32 $0x7;
	s16 =	simm.s32 $0x0;
	_ =	strace $0x80000047;
	s29 =	sshrl.u32 s8, $0x1  }
0x8: {  	v10 =	vimm.s32 $0x8;
	v11 =	vimm.s32 $0x9;
	v12 =	vimm.s32 $0xA;
	s9 =	ssub.s32 $0x9E3, s6;
	s11 =	ssub.s32 s8, s29;
	s30 =	sadd.s32 s3, s10  }
0x9: {  	v13 =	vimm.s32 $0xB;
	v14 =	vimm.s32 $0xC;
	v15 =	vimm.s32 $0xD;
	s7 =	sshrl.u32 s9, $0x5;
	s31 =	smax.u32 s11, $0x1;
	[dreg:$0x4] =	wrdreg s30  }
0xa: {  	v16 =	vimm.s32 $0xE;
	v17 =	vimm.s32 $0xF;
	v2 =	vor.u32 $0x10, v0;
	s8 =	sadd.s32 $0xFFFFFFFF, s7;
	s11 =	simm.s32 $0x3;
	[dreg:$0x5] =	wrdreg s31  }
.LBB2_1:
0xb: {  	s0 =	rddreg [dreg:$0x0]  }
0xc: {  	[tilespmem:s5], [sflag:$0x3] =	stream.linear.gather [hbm4b:s0+s5], $0xA000, $0x38;
	[tilespmem:$0x15580] =	vst v63  }
0xd: {  	_ =	swait.ge [sflag:s11], $0xA000  }
0xe: {  	[sflag:s11] =	ssyncset.done $0x0  }
0xf: {  	s1 =	simm.s32 $0xA000;
	s31 =	rddreg [dreg:$0x4];
	[sflag:s11] =	ssyncadd.s32 $0xFFFF6000  }
0x10: {  	[tilespmem:s1], [sflag:$0x1] =	stream.linear.gather [hbm4b:s31+s5], $0x280, $0x38;
	[tilespmem:$0x15580] =	vst v63  }
0x11: {  	_ =	swait.ge [sflag:s13], $0x280  }
0x12: {  	[sflag:s13] =	ssyncset.done $0x0  }
0x13: {  	p0 =	por $0x0, $0x0;
	s18 =	simm.s32 $0x0;
	[sflag:s13] =	ssyncadd.s32 $0xFFFFFD80  }
.LBB2_2:
0x14: {  	s17 =	sadd.s32 $0x1, s18  }
0x15: {  	s19 =	smov.u32 s8;
	p1 =	slt.s32 s17, s8  }
0x16: {  	s19 =	smov.u32 @p1 s17  }
0x17: {  	s22 =	sand.u32 $0x1, s18;
	s19 =	sshll.u32 s19, $0x5  }
0x18: {  	s30 =	smul.u32 $0xA00, s22;
	s19 =	sor.u32 s6, s19  }
0x19: {  	s20 =	simm.s32 $0x1;
	s23 =	simm.s32 $0xA280;
	s19 =	smul.u32 $0x280, s19  }
0x1a: {  	s20 =	simm.s32 @!p0 $0x0;
	s29 =	sand.u32 $0x1, s17;
	s22 =	smul.u32 $0x14000, s22  }
0x1b: {  	s21 =	smul.u32 $0x14000, s20;
	p1 =	seq.s32 s29, $0x1;
	s19 =	sshrl.u32 s19, $0x3  }
0x1c: {  	s20 =	simm.s32 $0x0;
	s23 =	simm.s32 @!p1 $0xA000;
	s19 =	sadd.s32 s3, s19  }
0x1d: {  	[tilespmem:s23], [sflag:$0x1] =	stream.linear.gather [hbm4b:s19+s20], $0x280, $0x38;
	[tilespmem:$0x15580] =	vst v63  }
0x1e: {  	s19 =	sshrl.u32 s30, $0x2  }
0x1f: {  	s21 =	sshrl.u32 s21, $0x2;
	s31 =	sor.u32 $0xA000, s19;
	s19 =	sshrl.u32 s22, $0x2  }
0x20: {  	s23 =	simm.s32 $0x0;
	s22 =	sadd.s32 $0xA700, s21;
	s21 =	sadd.s32 $0xA500, s19;
	v18 =	vmov s31  }
.LBB2_3:
0x21: {  	_ =	sdelay $0x1  }
0x22: {  	s24 =	sshll.u32 s23, $0x7  }
0x23: {  	s24 =	sand.u32 $0x3FFFFF80, s24  }
0x24: {  	v20 =	vld.idx.msk [tilespmem:v18+s24+$0x0 ss:$0x1], $0xffff;
	_ =	sdelay $0x4  }
0x25: {  	v19 =	vperm.xlane v20, v1;
	_ =	sdelay $0x1  }
0x26: {  	v21 =	vadd.s32 v0, v19;
	_ =	sdelay $0x4  }
0x27: {  	v21 =	vld.idx.msk [tilespmem:v21+s20+$0x0], $0xffff  }
0x28: {  	v19 =	vadd.s32 v2, v19;
	_ =	sdelay $0x3  }
0x29: {  	[tilespmem:$0x14500] =	vst v21;
	v21 =	vperm.xlane v20, v3  }
0x2a: {  	v19 =	vld.idx.msk [tilespmem:v19+s20+$0x0], $0xffff  }
0x2b: {  	v22 =	vadd.s32 v0, v21;
	_ =	sdelay $0x3  }
0x2c: {  	[tilespmem:$0x14510] =	vst v19  }
0x2d: {  	v19 =	vld.idx.msk [tilespmem:v22+s20+$0x0], $0xffff  }
0x2e: {  	v21 =	vadd.s32 v2, v21;
	_ =	sdelay $0x3  }
0x2f: {  	v22 =	vperm.xlane v20, v4;
	[tilespmem:$0x14521] =	vst v19  }
0x30: {  	v21 =	vld.idx.msk [tilespmem:v21+s20+$0x0], $0xffff  }
0x31: {  	v23 =	vadd.s32 v0, v22;
	v19 =	vld.idx.msk [tilespmem:v18+s24+$0x10 ss:$0x1], $0xffff;
	_ =	sdelay $0x3  }
0x32: {  	[tilespmem:$0x14531] =	vst v21  }
0x33: {  	v21 =	vld.idx.msk [tilespmem:v23+s20+$0x0], $0xffff;
	v23 =	vperm.xlane v19, v1  }
0x34: {  	v22 =	vadd.s32 v2, v22  }
0x35: {  	v24 =	vadd.s32 v0, v23;
	_ =	sdelay $0x2  }
0x36: {  	[tilespmem:$0x14542] =	vst v21;
	v21 =	vperm.xlane v20, v5  }
0x37: {  	v22 =	vld.idx.msk [tilespmem:v22+s20+$0x0], $0xffff  }
0x38: {  	v25 =	vadd.s32 v0, v21;
	v24 =	vld.idx.msk [tilespmem:v24+s20+$0x0], $0xffff  }
0x39: {  	v23 =	vadd.s32 v2, v23;
	_ =	sdelay $0x2  }
0x3a: {  	[tilespmem:$0x14552] =	vst v22  }
0x3b: {  	v22 =	vld.idx.msk [tilespmem:v25+s20+$0x0], $0xffff;
	[tilespmem:$0x14710] =	vst v24;
	v24 =	vperm.xlane v19, v3  }
0x3c: {  	v21 =	vadd.s32 v2, v21;
	v23 =	vld.idx.msk [tilespmem:v23+s20+$0x0], $0xffff  }
0x3d: {  	v25 =	vadd.s32 v0, v24;
	_ =	sdelay $0x2  }
0x3e: {  	[tilespmem:$0x14563] =	vst v22;
	v22 =	vperm.xlane v20, v6  }
0x3f: {  	v21 =	vld.idx.msk [tilespmem:v21+s20+$0x0], $0xffff;
	[tilespmem:$0x14720] =	vst v23  }
0x40: {  	v23 =	vadd.s32 v0, v22;
	v25 =	vld.idx.msk [tilespmem:v25+s20+$0x0], $0xffff  }
0x41: {  	v24 =	vadd.s32 v2, v24;
	_ =	sdelay $0x2  }
0x42: {  	[tilespmem:$0x14573] =	vst v21  }
0x43: {  	v21 =	vld.idx.msk [tilespmem:v23+s20+$0x0], $0xffff;
	[tilespmem:$0x14731] =	vst v25;
	v23 =	vperm.xlane v19, v4  }
0x44: {  	v22 =	vadd.s32 v2, v22;
	v24 =	vld.idx.msk [tilespmem:v24+s20+$0x0], $0xffff  }
0x45: {  	v25 =	vadd.s32 v0, v23;
	_ =	sdelay $0x2  }
0x46: {  	[tilespmem:$0x14584] =	vst v21;
	v21 =	vperm.xlane v20, v7  }
0x47: {  	v22 =	vld.idx.msk [tilespmem:v22+s20+$0x0], $0xffff;
	[tilespmem:$0x14741] =	vst v24  }
0x48: {  	v24 =	vadd.s32 v0, v21;
	v25 =	vld.idx.msk [tilespmem:v25+s20+$0x0], $0xffff  }
0x49: {  	v23 =	vadd.s32 v2, v23;
	_ =	sdelay $0x2  }
0x4a: {  	[tilespmem:$0x14594] =	vst v22  }
0x4b: {  	v22 =	vld.idx.msk [tilespmem:v24+s20+$0x0], $0xffff;
	[tilespmem:$0x14752] =	vst v25;
	v24 =	vperm.xlane v19, v5  }
0x4c: {  	v21 =	vadd.s32 v2, v21;
	v23 =	vld.idx.msk [tilespmem:v23+s20+$0x0], $0xffff  }
0x4d: {  	v25 =	vadd.s32 v0, v24;
	_ =	sdelay $0x2  }
0x4e: {  	[tilespmem:$0x145A5] =	vst v22;
	v22 =	vperm.xlane v20, v8  }
0x4f: {  	v21 =	vld.idx.msk [tilespmem:v21+s20+$0x0], $0xffff;
	[tilespmem:$0x14762] =	vst v23  }
0x50: {  	v23 =	vadd.s32 v0, v22;
	v25 =	vld.idx.msk [tilespmem:v25+s20+$0x0], $0xffff  }
0x51: {  	v24 =	vadd.s32 v2, v24;
	_ =	sdelay $0x2  }
0x52: {  	[tilespmem:$0x145B5] =	vst v21  }
0x53: {  	v21 =	vld.idx.msk [tilespmem:v23+s20+$0x0], $0xffff;
	[tilespmem:$0x14773] =	vst v25;
	v23 =	vperm.xlane v19, v6  }
0x54: {  	v22 =	vadd.s32 v2, v22;
	v24 =	vld.idx.msk [tilespmem:v24+s20+$0x0], $0xffff  }
0x55: {  	v25 =	vadd.s32 v0, v23;
	_ =	sdelay $0x2  }
0x56: {  	[tilespmem:$0x145C6] =	vst v21;
	v21 =	vperm.xlane v20, v9  }
0x57: {  	v22 =	vld.idx.msk [tilespmem:v22+s20+$0x0], $0xffff;
	[tilespmem:$0x14783] =	vst v24  }
0x58: {  	v24 =	vadd.s32 v0, v21;
	v25 =	vld.idx.msk [tilespmem:v25+s20+$0x0], $0xffff  }
0x59: {  	v23 =	vadd.s32 v2, v23;
	_ =	sdelay $0x2  }
0x5a: {  	[tilespmem:$0x145D6] =	vst v22  }
0x5b: {  	v22 =	vld.idx.msk [tilespmem:v24+s20+$0x0], $0xffff;
	[tilespmem:$0x14794] =	vst v25;
	v24 =	vperm.xlane v19, v7  }
0x5c: {  	v21 =	vadd.s32 v2, v21;
	v23 =	vld.idx.msk [tilespmem:v23+s20+$0x0], $0xffff  }
0x5d: {  	v25 =	vadd.s32 v0, v24;
	_ =	sdelay $0x2  }
0x5e: {  	[tilespmem:$0x145E7] =	vst v22;
	v22 =	vperm.xlane v20, v10  }
0x5f: {  	v21 =	vld.idx.msk [tilespmem:v21+s20+$0x0], $0xffff;
	[tilespmem:$0x147A4] =	vst v23  }
0x60: {  	v23 =	vadd.s32 v0, v22;
	v25 =	vld.idx.msk [tilespmem:v25+s20+$0x0], $0xffff  }
0x61: {  	v24 =	vadd.s32 v2, v24;
	_ =	sdelay $0x2  }
0x62: {  	[tilespmem:$0x145F7] =	vst v21  }
0x63: {  	v21 =	vld.idx.msk [tilespmem:v23+s20+$0x0], $0xffff;
	[tilespmem:$0x147B5] =	vst v25;
	v23 =	vperm.xlane v19, v8  }
0x64: {  	v22 =	vadd.s32 v2, v22;
	v24 =	vld.idx.msk [tilespmem:v24+s20+$0x0], $0xffff  }
0x65: {  	v25 =	vadd.s32 v0, v23;
	_ =	sdelay $0x2  }
0x66: {  	[tilespmem:$0x14608] =	vst v21;
	v21 =	vperm.xlane v20, v11  }
0x67: {  	v22 =	vld.idx.msk [tilespmem:v22+s20+$0x0], $0xffff;
	[tilespmem:$0x147C5] =	vst v24  }
0x68: {  	v24 =	vadd.s32 v0, v21;
	v25 =	vld.idx.msk [tilespmem:v25+s20+$0x0], $0xffff  }
0x69: {  	v23 =	vadd.s32 v2, v23;
	_ =	sdelay $0x2  }
0x6a: {  	[tilespmem:$0x14618] =	vst v22  }
0x6b: {  	v22 =	vld.idx.msk [tilespmem:v24+s20+$0x0], $0xffff;
	[tilespmem:$0x147D6] =	vst v25;
	v24 =	vperm.xlane v19, v9  }
0x6c: {  	v21 =	vadd.s32 v2, v21;
	v23 =	vld.idx.msk [tilespmem:v23+s20+$0x0], $0xffff  }
0x6d: {  	v25 =	vadd.s32 v0, v24;
	_ =	sdelay $0x2  }
0x6e: {  	[tilespmem:$0x14629] =	vst v22;
	v22 =	vperm.xlane v20, v12  }
0x6f: {  	v21 =	vld.idx.msk [tilespmem:v21+s20+$0x0], $0xffff;
	[tilespmem:$0x147E6] =	vst v23  }
0x70: {  	v23 =	vadd.s32 v0, v22;
	v25 =	vld.idx.msk [tilespmem:v25+s20+$0x0], $0xffff  }
0x71: {  	v24 =	vadd.s32 v2, v24;
	_ =	sdelay $0x2  }
0x72: {  	[tilespmem:$0x14639] =	vst v21  }
0x73: {  	v21 =	vld.idx.msk [tilespmem:v23+s20+$0x0], $0xffff;
	[tilespmem:$0x147F7] =	vst v25;
	v23 =	vperm.xlane v19, v10  }
0x74: {  	v22 =	vadd.s32 v2, v22;
	v24 =	vld.idx.msk [tilespmem:v24+s20+$0x0], $0xffff  }
0x75: {  	v25 =	vadd.s32 v0, v23;
	_ =	sdelay $0x2  }
0x76: {  	[tilespmem:$0x1464A] =	vst v21;
	v21 =	vperm.xlane v20, v13  }
0x77: {  	v22 =	vld.idx.msk [tilespmem:v22+s20+$0x0], $0xffff;
	[tilespmem:$0x14807] =	vst v24  }
0x78: {  	v24 =	vadd.s32 v0, v21;
	v25 =	vld.idx.msk [tilespmem:v25+s20+$0x0], $0xffff  }
0x79: {  	v23 =	vadd.s32 v2, v23;
	_ =	sdelay $0x2  }
0x7a: {  	[tilespmem:$0x1465A] =	vst v22  }
0x7b: {  	v22 =	vld.idx.msk [tilespmem:v24+s20+$0x0], $0xffff;
	[tilespmem:$0x14818] =	vst v25;
	v24 =	vperm.xlane v19, v11  }
0x7c: {  	v21 =	vadd.s32 v2, v21;
	v23 =	vld.idx.msk [tilespmem:v23+s20+$0x0], $0xffff  }
0x7d: {  	v25 =	vadd.s32 v0, v24;
	_ =	sdelay $0x2  }
0x7e: {  	[tilespmem:$0x1466B] =	vst v22;
	v22 =	vperm.xlane v20, v14  }
0x7f: {  	v21 =	vld.idx.msk [tilespmem:v21+s20+$0x0], $0xffff;
	[tilespmem:$0x14828] =	vst v23  }
0x80: {  	v23 =	vadd.s32 v0, v22;
	v25 =	vld.idx.msk [tilespmem:v25+s20+$0x0], $0xffff  }
0x81: {  	v24 =	vadd.s32 v2, v24;
	_ =	sdelay $0x2  }
0x82: {  	[tilespmem:$0x1467B] =	vst v21  }
0x83: {  	v21 =	vld.idx.msk [tilespmem:v23+s20+$0x0], $0xffff;
	[tilespmem:$0x14839] =	vst v25;
	v23 =	vperm.xlane v19, v12  }
0x84: {  	v22 =	vadd.s32 v2, v22;
	v24 =	vld.idx.msk [tilespmem:v24+s20+$0x0], $0xffff  }
0x85: {  	v25 =	vadd.s32 v0, v23;
	_ =	sdelay $0x2  }
0x86: {  	[tilespmem:$0x1468C] =	vst v21;
	v21 =	vperm.xlane v20, v15  }
0x87: {  	v22 =	vld.idx.msk [tilespmem:v22+s20+$0x0], $0xffff;
	[tilespmem:$0x14849] =	vst v24  }
0x88: {  	v24 =	vadd.s32 v0, v21;
	v25 =	vld.idx.msk [tilespmem:v25+s20+$0x0], $0xffff  }
0x89: {  	v23 =	vadd.s32 v2, v23;
	_ =	sdelay $0x2  }
0x8a: {  	[tilespmem:$0x1469C] =	vst v22  }
0x8b: {  	v22 =	vld.idx.msk [tilespmem:v24+s20+$0x0], $0xffff;
	[tilespmem:$0x1485A] =	vst v25;
	v24 =	vperm.xlane v19, v13  }
0x8c: {  	v21 =	vadd.s32 v2, v21;
	v23 =	vld.idx.msk [tilespmem:v23+s20+$0x0], $0xffff  }
0x8d: {  	v25 =	vadd.s32 v0, v24;
	_ =	sdelay $0x2  }
0x8e: {  	[tilespmem:$0x146AD] =	vst v22;
	v22 =	vperm.xlane v20, v16  }
0x8f: {  	v21 =	vld.idx.msk [tilespmem:v21+s20+$0x0], $0xffff;
	[tilespmem:$0x1486A] =	vst v23  }
0x90: {  	v23 =	vadd.s32 v0, v22;
	v25 =	vld.idx.msk [tilespmem:v25+s20+$0x0], $0xffff  }
0x91: {  	v24 =	vadd.s32 v2, v24;
	_ =	sdelay $0x2  }
0x92: {  	[tilespmem:$0x146BD] =	vst v21  }
0x93: {  	v21 =	vld.idx.msk [tilespmem:v23+s20+$0x0], $0xffff;
	[tilespmem:$0x1487B] =	vst v25;
	v23 =	vperm.xlane v19, v14  }
0x94: {  	v22 =	vadd.s32 v2, v22;
	v24 =	vld.idx.msk [tilespmem:v24+s20+$0x0], $0xffff  }
0x95: {  	v25 =	vadd.s32 v0, v23;
	_ =	sdelay $0x2  }
0x96: {  	v20 =	vperm.xlane v20, v17;
	[tilespmem:$0x146CE] =	vst v21  }
0x97: {  	v21 =	vld.idx.msk [tilespmem:v22+s20+$0x0], $0xffff;
	[tilespmem:$0x1488B] =	vst v24  }
0x98: {  	v22 =	vadd.s32 v0, v20;
	v24 =	vld.idx.msk [tilespmem:v25+s20+$0x0], $0xffff  }
0x99: {  	v23 =	vadd.s32 v2, v23;
	_ =	sdelay $0x2  }
0x9a: {  	[tilespmem:$0x146DE] =	vst v21  }
0x9b: {  	v21 =	vld.idx.msk [tilespmem:v22+s20+$0x0], $0xffff;
	[tilespmem:$0x1489C] =	vst v24;
	v22 =	vperm.xlane v19, v15  }
0x9c: {  	v20 =	vadd.s32 v2, v20;
	v23 =	vld.idx.msk [tilespmem:v23+s20+$0x0], $0xffff  }
0x9d: {  	v24 =	vadd.s32 v0, v22;
	_ =	sdelay $0x2  }
0x9e: {  	[tilespmem:$0x146EF] =	vst v21  }
0x9f: {  	v20 =	vld.idx.msk [tilespmem:v20+s20+$0x0], $0xffff;
	[tilespmem:$0x148AC] =	vst v23  }
0xa0: {  	v21 =	vld.idx.msk [tilespmem:v24+s20+$0x0], $0xffff  }
0xa1: {  	v22 =	vadd.s32 v2, v22;
	_ =	sdelay $0x2  }
0xa2: {  	[tilespmem:$0x146FF] =	vst v20  }
0xa3: {  	v20 =	vperm.xlane v19, v16;
	[tilespmem:$0x148BD] =	vst v21  }
0xa4: {  	v21 =	vld.idx.msk [tilespmem:v22+s20+$0x0], $0xffff  }
0xa5: {  	v22 =	vadd.s32 v0, v20;
	_ =	sdelay $0x3  }
0xa6: {  	[tilespmem:$0x148CD] =	vst v21  }
0xa7: {  	v21 =	vld.idx.msk [tilespmem:v22+s20+$0x0], $0xffff  }
0xa8: {  	v20 =	vadd.s32 v2, v20;
	_ =	sdelay $0x3  }
0xa9: {  	v25 =	vperm.xlane v19, v17;
	[tilespmem:$0x148DE] =	vst v21  }
0xaa: {  	v19 =	vld.idx.msk [tilespmem:v20+s20+$0x0], $0xffff  }
0xab: {  	v20 =	vadd.s32 v0, v25  }
0xac: {  	v24 =	vld.idx.msk [tilespmem:v18+s24+$0x20 ss:$0x1], $0xffff  }
0xad: {  	v23 =	vld.idx.msk [tilespmem:v18+s24+$0x30 ss:$0x1], $0xffff  }
0xae: {  	v22 =	vld.idx.msk [tilespmem:v18+s24+$0x40 ss:$0x1], $0xffff  }
0xaf: {  	v21 =	vld.idx.msk [tilespmem:v18+s24+$0x50 ss:$0x1], $0xffff;
	[tilespmem:$0x148EE] =	vst v19  }
0xb0: {  	v26 =	vld.idx.msk [tilespmem:v20+s20+$0x0], $0xffff  }
0xb1: {  	v20 =	vld.idx.msk [tilespmem:v18+s24+$0x60 ss:$0x1], $0xffff  }
0xb2: {  	v27 =	vperm.xlane v24, v1;
	v19 =	vld.idx.msk [tilespmem:v18+s24+$0x70 ss:$0x1], $0xffff  }
0xb3: {  	v28 =	vperm.xlane v23, v1;
	v25 =	vadd.s32 v2, v25  }
0xb4: {  	v29 =	vadd.s32 v0, v27;
	v30 =	vperm.xlane v22, v1  }
0xb5: {  	v31 =	vadd.s32 v0, v28;
	v32 =	vperm.xlane v21, v1  }
0xb6: {  	v33 =	vadd.s32 v0, v30;
	v34 =	vperm.xlane v20, v1  }
0xb7: {  	v35 =	vperm.xlane v19, v1;
	[tilespmem:$0x148FF] =	vst v26;
	v26 =	vadd.s32 v0, v32  }
0xb8: {  	v25 =	vld.idx.msk [tilespmem:v25+s20+$0x0], $0xffff;
	v36 =	vadd.s32 v0, v34  }
0xb9: {  	v29 =	vld.idx.msk [tilespmem:v29+s20+$0x0], $0xffff;
	v37 =	vadd.s32 v0, v35  }
0xba: {  	v27 =	vadd.s32 v2, v27;
	v31 =	vld.idx.msk [tilespmem:v31+s20+$0x0], $0xffff  }
0xbb: {  	v28 =	vadd.s32 v2, v28;
	v33 =	vld.idx.msk [tilespmem:v33+s20+$0x0], $0xffff  }
0xbc: {  	v30 =	vadd.s32 v2, v30;
	v26 =	vld.idx.msk [tilespmem:v26+s20+$0x0], $0xffff  }
0xbd: {  	[tilespmem:$0x1490F] =	vst v25;
	v25 =	vadd.s32 v2, v32;
	v50 =	vld.idx.msk [tilespmem:v36+s20+$0x0], $0xffff  }
0xbe: {  	[tilespmem:$0x14920] =	vst v29;
	v29 =	vperm.xlane v24, v3;
	v34 =	vadd.s32 v2, v34;
	v51 =	vld.idx.msk [tilespmem:v37+s20+$0x0], $0xffff  }
0xbf: {  	[tilespmem:$0x14B30] =	vst v31;
	v31 =	vperm.xlane v23, v3;
	v27 =	vld.idx.msk [tilespmem:v27+s20+$0x0], $0xffff;
	v35 =	vadd.s32 v2, v35  }
0xc0: {  	v53 =	vperm.xlane v22, v3;
	v28 =	vld.idx.msk [tilespmem:v28+s20+$0x0], $0xffff;
	v52 =	vadd.s32 v0, v29;
	[tilespmem:$0x14D40] =	vst v33  }
0xc1: {  	v38 =	vadd.s32 v0, v31;
	v30 =	vld.idx.msk [tilespmem:v30+s20+$0x0], $0xffff;
	[tilespmem:$0x14F50] =	vst v26;
	v26 =	vperm.xlane v21, v3  }
0xc2: {  	v39 =	vadd.s32 v0, v53;
	v54 =	vperm.xlane v20, v3;
	v25 =	vld.idx.msk [tilespmem:v25+s20+$0x0], $0xffff;
	[tilespmem:$0x15160] =	vst v50  }
0xc3: {  	v55 =	vperm.xlane v19, v3;
	[tilespmem:$0x15370] =	vst v51;
	v40 =	vadd.s32 v0, v26;
	v34 =	vld.idx.msk [tilespmem:v34+s20+$0x0], $0xffff  }
0xc4: {  	[tilespmem:$0x14930] =	vst v27;
	v27 =	vadd.s32 v0, v54;
	v35 =	vld.idx.msk [tilespmem:v35+s20+$0x0], $0xffff  }
0xc5: {  	[tilespmem:$0x14B40] =	vst v28;
	v28 =	vadd.s32 v0, v55;
	v37 =	vld.idx.msk [tilespmem:v52+s20+$0x0], $0xffff  }
0xc6: {  	v29 =	vadd.s32 v2, v29;
	v38 =	vld.idx.msk [tilespmem:v38+s20+$0x0], $0xffff;
	[tilespmem:$0x14D50] =	vst v30  }
0xc7: {  	v30 =	vadd.s32 v2, v31;
	v31 =	vld.idx.msk [tilespmem:v39+s20+$0x0], $0xffff;
	[tilespmem:$0x14F60] =	vst v25  }
0xc8: {  	v25 =	vadd.s32 v2, v53;
	v56 =	vld.idx.msk [tilespmem:v40+s20+$0x0], $0xffff;
	[tilespmem:$0x15170] =	vst v34  }
0xc9: {  	v26 =	vadd.s32 v2, v26;
	[tilespmem:$0x15380] =	vst v35;
	v27 =	vld.idx.msk [tilespmem:v27+s20+$0x0], $0xffff  }
0xca: {  	v57 =	vperm.xlane v24, v4;
	v32 =	vadd.s32 v2, v54;
	[tilespmem:$0x14941] =	vst v37;
	v28 =	vld.idx.msk [tilespmem:v28+s20+$0x0], $0xffff  }
0xcb: {  	v58 =	vperm.xlane v23, v4;
	[tilespmem:$0x14B51] =	vst v38;
	v36 =	vadd.s32 v2, v55;
	v29 =	vld.idx.msk [tilespmem:v29+s20+$0x0], $0xffff  }
0xcc: {  	v59 =	vadd.s32 v0, v57;
	v30 =	vld.idx.msk [tilespmem:v30+s20+$0x0], $0xffff;
	[tilespmem:$0x14D61] =	vst v31;
	v31 =	vperm.xlane v22, v4  }
0xcd: {  	v60 =	vadd.s32 v0, v58;
	v61 =	vperm.xlane v21, v4;
	v25 =	vld.idx.msk [tilespmem:v25+s20+$0x0], $0xffff;
	[tilespmem:$0x14F71] =	vst v56  }
0xce: {  	v62 =	vadd.s32 v0, v31;
	v26 =	vld.idx.msk [tilespmem:v26+s20+$0x0], $0xffff;
	[tilespmem:$0x15181] =	vst v27;
	v27 =	vperm.xlane v20, v4  }
0xcf: {  	v63 =	vadd.s32 v0, v61;
	[tilespmem:$0x15391] =	vst v28;
	v28 =	vperm.xlane v19, v4;
	v32 =	vld.idx.msk [tilespmem:v32+s20+$0x0], $0xffff  }
0xd0: {  	[tilespmem:$0x14951] =	vst v29;
	v36 =	vld.idx.msk [tilespmem:v36+s20+$0x0], $0xffff;
	v29 =	vadd.s32 v0, v27  }
0xd1: {  	[tilespmem:$0x14B61] =	vst v30;
	v37 =	vld.idx.msk [tilespmem:v59+s20+$0x0], $0xffff;
	v30 =	vadd.s32 v0, v28  }
0xd2: {  	v38 =	vld.idx.msk [tilespmem:v60+s20+$0x0], $0xffff;
	v34 =	vadd.s32 v2, v57;
	[tilespmem:$0x14D71] =	vst v25  }
0xd3: {  	v25 =	vadd.s32 v2, v58;
	v44 =	vld.idx.msk [tilespmem:v62+s20+$0x0], $0xffff;
	[tilespmem:$0x14F81] =	vst v26  }
0xd4: {  	v26 =	vadd.s32 v2, v31;
	v31 =	vld.idx.msk [tilespmem:v63+s20+$0x0], $0xffff;
	[tilespmem:$0x15191] =	vst v32  }
0xd5: {  	v45 =	vadd.s32 v2, v61;
	[tilespmem:$0x153A1] =	vst v36;
	v29 =	vld.idx.msk [tilespmem:v29+s20+$0x0], $0xffff  }
0xd6: {  	v46 =	vperm.xlane v24, v5;
	[tilespmem:$0x14962] =	vst v37;
	v27 =	vadd.s32 v2, v27;
	v30 =	vld.idx.msk [tilespmem:v30+s20+$0x0], $0xffff  }
0xd7: {  	v47 =	vperm.xlane v23, v5;
	[tilespmem:$0x14B72] =	vst v38;
	v34 =	vld.idx.msk [tilespmem:v34+s20+$0x0], $0xffff;
	v28 =	vadd.s32 v2, v28  }
0xd8: {  	v48 =	vadd.s32 v0, v46;
	v49 =	vperm.xlane v22, v5;
	v25 =	vld.idx.msk [tilespmem:v25+s20+$0x0], $0xffff;
	[tilespmem:$0x14D82] =	vst v44  }
0xd9: {  	v50 =	vadd.s32 v0, v47;
	v26 =	vld.idx.msk [tilespmem:v26+s20+$0x0], $0xffff;
	[tilespmem:$0x14F92] =	vst v31;
	v31 =	vperm.xlane v21, v5  }
0xda: {  	v51 =	vadd.s32 v0, v49;
	v32 =	vld.idx.msk [tilespmem:v45+s20+$0x0], $0xffff;
	[tilespmem:$0x151A2] =	vst v29;
	v29 =	vperm.xlane v20, v5  }
0xdb: {  	[tilespmem:$0x153B2] =	vst v30;
	v30 =	vperm.xlane v19, v5;
	v52 =	vadd.s32 v0, v31;
	v27 =	vld.idx.msk [tilespmem:v27+s20+$0x0], $0xffff  }
0xdc: {  	[tilespmem:$0x14972] =	vst v34;
	v28 =	vld.idx.msk [tilespmem:v28+s20+$0x0], $0xffff;
	v53 =	vadd.s32 v0, v29  }
0xdd: {  	v37 =	vld.idx.msk [tilespmem:v48+s20+$0x0], $0xffff;
	[tilespmem:$0x14B82] =	vst v25;
	v25 =	vadd.s32 v0, v30  }
0xde: {  	v33 =	vadd.s32 v2, v46;
	v38 =	vld.idx.msk [tilespmem:v50+s20+$0x0], $0xffff;
	[tilespmem:$0x14D92] =	vst v26  }
0xdf: {  	v26 =	vadd.s32 v2, v47;
	v54 =	vld.idx.msk [tilespmem:v51+s20+$0x0], $0xffff;
	[tilespmem:$0x14FA2] =	vst v32  }
0xe0: {  	v55 =	vadd.s32 v2, v49;
	v56 =	vld.idx.msk [tilespmem:v52+s20+$0x0], $0xffff;
	[tilespmem:$0x151B2] =	vst v27  }
0xe1: {  	[tilespmem:$0x153C2] =	vst v28;
	v27 =	vadd.s32 v2, v31;
	v31 =	vld.idx.msk [tilespmem:v53+s20+$0x0], $0xffff  }
0xe2: {  	[tilespmem:$0x14983] =	vst v37;
	v29 =	vadd.s32 v2, v29;
	v28 =	vperm.xlane v24, v6;
	v25 =	vld.idx.msk [tilespmem:v25+s20+$0x0], $0xffff  }
0xe3: {  	v57 =	vperm.xlane v23, v6;
	v33 =	vld.idx.msk [tilespmem:v33+s20+$0x0], $0xffff;
	v30 =	vadd.s32 v2, v30;
	[tilespmem:$0x14B93] =	vst v38  }
0xe4: {  	v59 =	vperm.xlane v22, v6;
	v58 =	vadd.s32 v0, v28;
	v26 =	vld.idx.msk [tilespmem:v26+s20+$0x0], $0xffff;
	[tilespmem:$0x14DA3] =	vst v54  }
0xe5: {  	v61 =	vperm.xlane v21, v6;
	v60 =	vadd.s32 v0, v57;
	v32 =	vld.idx.msk [tilespmem:v55+s20+$0x0], $0xffff;
	[tilespmem:$0x14FB3] =	vst v56  }
0xe6: {  	v62 =	vadd.s32 v0, v59;
	v27 =	vld.idx.msk [tilespmem:v27+s20+$0x0], $0xffff;
	[tilespmem:$0x151C3] =	vst v31;
	v31 =	vperm.xlane v20, v6  }
0xe7: {  	v63 =	vadd.s32 v0, v61;
	[tilespmem:$0x153D3] =	vst v25;
	v25 =	vperm.xlane v19, v6;
	v29 =	vld.idx.msk [tilespmem:v29+s20+$0x0], $0xffff  }
0xe8: {  	[tilespmem:$0x14993] =	vst v33;
	v30 =	vld.idx.msk [tilespmem:v30+s20+$0x0], $0xffff;
	v42 =	vadd.s32 v0, v31  }
0xe9: {  	v37 =	vld.idx.msk [tilespmem:v58+s20+$0x0], $0xffff;
	[tilespmem:$0x14BA3] =	vst v26;
	v26 =	vadd.s32 v0, v25  }
0xea: {  	v28 =	vadd.s32 v2, v28;
	v38 =	vld.idx.msk [tilespmem:v60+s20+$0x0], $0xffff;
	[tilespmem:$0x14DB3] =	vst v32  }
0xeb: {  	v43 =	vadd.s32 v2, v57;
	v44 =	vld.idx.msk [tilespmem:v62+s20+$0x0], $0xffff;
	[tilespmem:$0x14FC3] =	vst v27  }
0xec: {  	v27 =	vadd.s32 v2, v59;
	v45 =	vld.idx.msk [tilespmem:v63+s20+$0x0], $0xffff;
	[tilespmem:$0x151D3] =	vst v29  }
0xed: {  	[tilespmem:$0x153E3] =	vst v30;
	v29 =	vadd.s32 v2, v61;
	v33 =	vld.idx.msk [tilespmem:v42+s20+$0x0], $0xffff  }
0xee: {  	v31 =	vadd.s32 v2, v31;
	[tilespmem:$0x149A4] =	vst v37;
	v30 =	vperm.xlane v24, v7;
	v26 =	vld.idx.msk [tilespmem:v26+s20+$0x0], $0xffff  }
0xef: {  	v46 =	vperm.xlane v23, v7;
	v25 =	vadd.s32 v2, v25;
	v28 =	vld.idx.msk [tilespmem:v28+s20+$0x0], $0xffff;
	[tilespmem:$0x14BB4] =	vst v38  }
0xf0: {  	v48 =	vperm.xlane v22, v7;
	v47 =	vadd.s32 v0, v30;
	v32 =	vld.idx.msk [tilespmem:v43+s20+$0x0], $0xffff;
	[tilespmem:$0x14DC4] =	vst v44  }
0xf1: {  	v49 =	vadd.s32 v0, v46;
	v50 =	vperm.xlane v21, v7;
	v27 =	vld.idx.msk [tilespmem:v27+s20+$0x0], $0xffff;
	[tilespmem:$0x14FD4] =	vst v45  }
0xf2: {  	v51 =	vadd.s32 v0, v48;
	v52 =	vperm.xlane v20, v7;
	v29 =	vld.idx.msk [tilespmem:v29+s20+$0x0], $0xffff;
	[tilespmem:$0x151E4] =	vst v33  }
0xf3: {  	v53 =	vadd.s32 v0, v50;
	[tilespmem:$0x153F4] =	vst v26;
	v26 =	vperm.xlane v19, v7;
	v31 =	vld.idx.msk [tilespmem:v31+s20+$0x0], $0xffff  }
0xf4: {  	[tilespmem:$0x149B4] =	vst v28;
	v28 =	vadd.s32 v0, v52;
	v25 =	vld.idx.msk [tilespmem:v25+s20+$0x0], $0xffff  }
0xf5: {  	v37 =	vld.idx.msk [tilespmem:v47+s20+$0x0], $0xffff;
	[tilespmem:$0x14BC4] =	vst v32;
	v54 =	vadd.s32 v0, v26  }
0xf6: {  	v30 =	vadd.s32 v2, v30;
	v38 =	vld.idx.msk [tilespmem:v49+s20+$0x0], $0xffff;
	[tilespmem:$0x14DD4] =	vst v27  }
0xf7: {  	v27 =	vadd.s32 v2, v46;
	v55 =	vld.idx.msk [tilespmem:v51+s20+$0x0], $0xffff;
	[tilespmem:$0x14FE4] =	vst v29  }
0xf8: {  	v29 =	vadd.s32 v2, v48;
	v56 =	vld.idx.msk [tilespmem:v53+s20+$0x0], $0xffff;
	[tilespmem:$0x151F4] =	vst v31  }
0xf9: {  	[tilespmem:$0x15404] =	vst v25;
	v31 =	vadd.s32 v2, v50;
	v28 =	vld.idx.msk [tilespmem:v28+s20+$0x0], $0xffff  }
0xfa: {  	v33 =	vadd.s32 v2, v52;
	[tilespmem:$0x149C5] =	vst v37;
	v25 =	vperm.xlane v24, v8;
	v32 =	vld.idx.msk [tilespmem:v54+s20+$0x0], $0xffff  }
0xfb: {  	v57 =	vperm.xlane v23, v8;
	v26 =	vadd.s32 v2, v26;
	v30 =	vld.idx.msk [tilespmem:v30+s20+$0x0], $0xffff;
	[tilespmem:$0x14BD5] =	vst v38  }
0xfc: {  	v59 =	vperm.xlane v22, v8;
	v58 =	vadd.s32 v0, v25;
	v27 =	vld.idx.msk [tilespmem:v27+s20+$0x0], $0xffff;
	[tilespmem:$0x14DE5] =	vst v55  }
0xfd: {  	v60 =	vadd.s32 v0, v57;
	v61 =	vperm.xlane v21, v8;
	v29 =	vld.idx.msk [tilespmem:v29+s20+$0x0], $0xffff;
	[tilespmem:$0x14FF5] =	vst v56  }
0xfe: {  	v62 =	vadd.s32 v0, v59;
	v31 =	vld.idx.msk [tilespmem:v31+s20+$0x0], $0xffff;
	[tilespmem:$0x15205] =	vst v28;
	v28 =	vperm.xlane v20, v8  }
0xff: {  	v42 =	vperm.xlane v19, v8;
	v63 =	vadd.s32 v0, v61;
	[tilespmem:$0x15415] =	vst v32;
	v33 =	vld.idx.msk [tilespmem:v33+s20+$0x0], $0xffff  }
0x100: {  	[tilespmem:$0x149D5] =	vst v30;
	v26 =	vld.idx.msk [tilespmem:v26+s20+$0x0], $0xffff;
	v30 =	vadd.s32 v0, v28  }
0x101: {  	v37 =	vld.idx.msk [tilespmem:v58+s20+$0x0], $0xffff;
	[tilespmem:$0x14BE5] =	vst v27;
	v27 =	vadd.s32 v0, v42  }
0x102: {  	v25 =	vadd.s32 v2, v25;
	v38 =	vld.idx.msk [tilespmem:v60+s20+$0x0], $0xffff;
	[tilespmem:$0x14DF5] =	vst v29  }
0x103: {  	v29 =	vadd.s32 v2, v57;
	v43 =	vld.idx.msk [tilespmem:v62+s20+$0x0], $0xffff;
	[tilespmem:$0x15005] =	vst v31  }
0x104: {  	v31 =	vadd.s32 v2, v59;
	v44 =	vld.idx.msk [tilespmem:v63+s20+$0x0], $0xffff;
	[tilespmem:$0x15215] =	vst v33  }
0x105: {  	v45 =	vadd.s32 v2, v61;
	[tilespmem:$0x15425] =	vst v26;
	v30 =	vld.idx.msk [tilespmem:v30+s20+$0x0], $0xffff  }
0x106: {  	v28 =	vadd.s32 v2, v28;
	[tilespmem:$0x149E6] =	vst v37;
	v26 =	vperm.xlane v24, v9;
	v27 =	vld.idx.msk [tilespmem:v27+s20+$0x0], $0xffff  }
0x107: {  	v46 =	vperm.xlane v23, v9;
	v32 =	vadd.s32 v2, v42;
	v25 =	vld.idx.msk [tilespmem:v25+s20+$0x0], $0xffff;
	[tilespmem:$0x14BF6] =	vst v38  }
0x108: {  	v48 =	vperm.xlane v22, v9;
	v47 =	vadd.s32 v0, v26;
	v29 =	vld.idx.msk [tilespmem:v29+s20+$0x0], $0xffff;
	[tilespmem:$0x14E06] =	vst v43  }
0x109: {  	v49 =	vadd.s32 v0, v46;
	v50 =	vperm.xlane v21, v9;
	v31 =	vld.idx.msk [tilespmem:v31+s20+$0x0], $0xffff;
	[tilespmem:$0x15016] =	vst v44  }
0x10a: {  	v51 =	vadd.s32 v0, v48;
	v33 =	vld.idx.msk [tilespmem:v45+s20+$0x0], $0xffff;
	[tilespmem:$0x15226] =	vst v30;
	v30 =	vperm.xlane v20, v9  }
0x10b: {  	v52 =	vadd.s32 v0, v50;
	[tilespmem:$0x15436] =	vst v27;
	v27 =	vperm.xlane v19, v9;
	v28 =	vld.idx.msk [tilespmem:v28+s20+$0x0], $0xffff  }
0x10c: {  	[tilespmem:$0x149F6] =	vst v25;
	v32 =	vld.idx.msk [tilespmem:v32+s20+$0x0], $0xffff;
	v25 =	vadd.s32 v0, v30  }
0x10d: {  	v37 =	vld.idx.msk [tilespmem:v47+s20+$0x0], $0xffff;
	[tilespmem:$0x14C06] =	vst v29;
	v29 =	vadd.s32 v0, v27  }
0x10e: {  	v26 =	vadd.s32 v2, v26;
	v38 =	vld.idx.msk [tilespmem:v49+s20+$0x0], $0xffff;
	[tilespmem:$0x14E16] =	vst v31  }
0x10f: {  	v31 =	vadd.s32 v2, v46;
	v53 =	vld.idx.msk [tilespmem:v51+s20+$0x0], $0xffff;
	[tilespmem:$0x15026] =	vst v33  }
0x110: {  	v54 =	vadd.s32 v2, v48;
	v55 =	vld.idx.msk [tilespmem:v52+s20+$0x0], $0xffff;
	[tilespmem:$0x15236] =	vst v28  }
0x111: {  	[tilespmem:$0x15446] =	vst v32;
	v28 =	vadd.s32 v2, v50;
	v25 =	vld.idx.msk [tilespmem:v25+s20+$0x0], $0xffff  }
0x112: {  	v56 =	vperm.xlane v24, v10;
	v30 =	vadd.s32 v2, v30;
	[tilespmem:$0x14A07] =	vst v37;
	v29 =	vld.idx.msk [tilespmem:v29+s20+$0x0], $0xffff  }
0x113: {  	v57 =	vperm.xlane v23, v10;
	v27 =	vadd.s32 v2, v27;
	v26 =	vld.idx.msk [tilespmem:v26+s20+$0x0], $0xffff;
	[tilespmem:$0x14C17] =	vst v38  }
0x114: {  	v58 =	vadd.s32 v0, v56;
	v59 =	vperm.xlane v22, v10;
	v31 =	vld.idx.msk [tilespmem:v31+s20+$0x0], $0xffff;
	[tilespmem:$0x14E27] =	vst v53  }
0x115: {  	v61 =	vperm.xlane v21, v10;
	v60 =	vadd.s32 v0, v57;
	v33 =	vld.idx.msk [tilespmem:v54+s20+$0x0], $0xffff;
	[tilespmem:$0x15037] =	vst v55  }
0x116: {  	v62 =	vadd.s32 v0, v59;
	v28 =	vld.idx.msk [tilespmem:v28+s20+$0x0], $0xffff;
	[tilespmem:$0x15247] =	vst v25;
	v25 =	vperm.xlane v20, v10  }
0x117: {  	v63 =	vadd.s32 v0, v61;
	[tilespmem:$0x15457] =	vst v29;
	v29 =	vperm.xlane v19, v10;
	v30 =	vld.idx.msk [tilespmem:v30+s20+$0x0], $0xffff  }
0x118: {  	[tilespmem:$0x14A17] =	vst v26;
	v27 =	vld.idx.msk [tilespmem:v27+s20+$0x0], $0xffff;
	v26 =	vadd.s32 v0, v25  }
0x119: {  	v37 =	vld.idx.msk [tilespmem:v58+s20+$0x0], $0xffff;
	[tilespmem:$0x14C27] =	vst v31;
	v31 =	vadd.s32 v0, v29  }
0x11a: {  	v32 =	vadd.s32 v2, v56;
	v38 =	vld.idx.msk [tilespmem:v60+s20+$0x0], $0xffff;
	[tilespmem:$0x14E37] =	vst v33  }
0x11b: {  	v43 =	vadd.s32 v2, v57;
	v44 =	vld.idx.msk [tilespmem:v62+s20+$0x0], $0xffff;
	[tilespmem:$0x15047] =	vst v28  }
0x11c: {  	v28 =	vadd.s32 v2, v59;
	v45 =	vld.idx.msk [tilespmem:v63+s20+$0x0], $0xffff;
	[tilespmem:$0x15257] =	vst v30  }
0x11d: {  	[tilespmem:$0x15467] =	vst v27;
	v30 =	vadd.s32 v2, v61;
	v26 =	vld.idx.msk [tilespmem:v26+s20+$0x0], $0xffff  }
0x11e: {  	v25 =	vadd.s32 v2, v25;
	[tilespmem:$0x14A28] =	vst v37;
	v27 =	vperm.xlane v24, v11;
	v31 =	vld.idx.msk [tilespmem:v31+s20+$0x0], $0xffff  }
0x11f: {  	v46 =	vperm.xlane v23, v11;
	v29 =	vadd.s32 v2, v29;
	v32 =	vld.idx.msk [tilespmem:v32+s20+$0x0], $0xffff;
	[tilespmem:$0x14C38] =	vst v38  }
0x120: {  	v48 =	vperm.xlane v22, v11;
	v47 =	vadd.s32 v0, v27;
	v33 =	vld.idx.msk [tilespmem:v43+s20+$0x0], $0xffff;
	[tilespmem:$0x14E48] =	vst v44  }
0x121: {  	v49 =	vadd.s32 v0, v46;
	v50 =	vperm.xlane v21, v11;
	v28 =	vld.idx.msk [tilespmem:v28+s20+$0x0], $0xffff;
	[tilespmem:$0x15058] =	vst v45  }
0x122: {  	v51 =	vadd.s32 v0, v48;
	v30 =	vld.idx.msk [tilespmem:v30+s20+$0x0], $0xffff;
	[tilespmem:$0x15268] =	vst v26;
	v26 =	vperm.xlane v20, v11  }
0x123: {  	v52 =	vadd.s32 v0, v50;
	[tilespmem:$0x15478] =	vst v31;
	v31 =	vperm.xlane v19, v11;
	v25 =	vld.idx.msk [tilespmem:v25+s20+$0x0], $0xffff  }
0x124: {  	[tilespmem:$0x14A38] =	vst v32;
	v29 =	vld.idx.msk [tilespmem:v29+s20+$0x0], $0xffff;
	v53 =	vadd.s32 v0, v26  }
0x125: {  	v37 =	vld.idx.msk [tilespmem:v47+s20+$0x0], $0xffff;
	[tilespmem:$0x14C48] =	vst v33;
	v54 =	vadd.s32 v0, v31  }
0x126: {  	v27 =	vadd.s32 v2, v27;
	v38 =	vld.idx.msk [tilespmem:v49+s20+$0x0], $0xffff;
	[tilespmem:$0x14E58] =	vst v28  }
0x127: {  	v28 =	vadd.s32 v2, v46;
	v55 =	vld.idx.msk [tilespmem:v51+s20+$0x0], $0xffff;
	[tilespmem:$0x15068] =	vst v30  }
0x128: {  	v30 =	vadd.s32 v2, v48;
	v56 =	vld.idx.msk [tilespmem:v52+s20+$0x0], $0xffff;
	[tilespmem:$0x15278] =	vst v25  }
0x129: {  	[tilespmem:$0x15488] =	vst v29;
	v25 =	vadd.s32 v2, v50;
	v32 =	vld.idx.msk [tilespmem:v53+s20+$0x0], $0xffff  }
0x12a: {  	v26 =	vadd.s32 v2, v26;
	[tilespmem:$0x14A49] =	vst v37;
	v29 =	vperm.xlane v24, v12;
	v33 =	vld.idx.msk [tilespmem:v54+s20+$0x0], $0xffff  }
0x12b: {  	v57 =	vperm.xlane v23, v12;
	v31 =	vadd.s32 v2, v31;
	v27 =	vld.idx.msk [tilespmem:v27+s20+$0x0], $0xffff;
	[tilespmem:$0x14C59] =	vst v38  }
0x12c: {  	v59 =	vperm.xlane v22, v12;
	v58 =	vadd.s32 v0, v29;
	v28 =	vld.idx.msk [tilespmem:v28+s20+$0x0], $0xffff;
	[tilespmem:$0x14E69] =	vst v55  }
0x12d: {  	v60 =	vadd.s32 v0, v57;
	v61 =	vperm.xlane v21, v12;
	v30 =	vld.idx.msk [tilespmem:v30+s20+$0x0], $0xffff;
	[tilespmem:$0x15079] =	vst v56  }
0x12e: {  	v63 =	vperm.xlane v20, v12;
	v62 =	vadd.s32 v0, v59;
	v25 =	vld.idx.msk [tilespmem:v25+s20+$0x0], $0xffff;
	[tilespmem:$0x15289] =	vst v32  }
0x12f: {  	v44 =	vadd.s32 v0, v61;
	v45 =	vperm.xlane v19, v12;
	[tilespmem:$0x15499] =	vst v33;
	v26 =	vld.idx.msk [tilespmem:v26+s20+$0x0], $0xffff  }
0x130: {  	[tilespmem:$0x14A59] =	vst v27;
	v27 =	vadd.s32 v0, v63;
	v31 =	vld.idx.msk [tilespmem:v31+s20+$0x0], $0xffff  }
0x131: {  	v37 =	vld.idx.msk [tilespmem:v58+s20+$0x0], $0xffff;
	[tilespmem:$0x14C69] =	vst v28;
	v28 =	vadd.s32 v0, v45  }
0x132: {  	v29 =	vadd.s32 v2, v29;
	v38 =	vld.idx.msk [tilespmem:v60+s20+$0x0], $0xffff;
	[tilespmem:$0x14E79] =	vst v30  }
0x133: {  	v30 =	vadd.s32 v2, v57;
	v46 =	vld.idx.msk [tilespmem:v62+s20+$0x0], $0xffff;
	[tilespmem:$0x15089] =	vst v25  }
0x134: {  	v25 =	vadd.s32 v2, v59;
	v47 =	vld.idx.msk [tilespmem:v44+s20+$0x0], $0xffff;
	[tilespmem:$0x15299] =	vst v26  }
0x135: {  	[tilespmem:$0x154A9] =	vst v31;
	v26 =	vadd.s32 v2, v61;
	v27 =	vld.idx.msk [tilespmem:v27+s20+$0x0], $0xffff  }
0x136: {  	v32 =	vadd.s32 v2, v63;
	[tilespmem:$0x14A6A] =	vst v37;
	v31 =	vperm.xlane v24, v13;
	v28 =	vld.idx.msk [tilespmem:v28+s20+$0x0], $0xffff  }
0x137: {  	v48 =	vperm.xlane v23, v13;
	v33 =	vadd.s32 v2, v45;
	v29 =	vld.idx.msk [tilespmem:v29+s20+$0x0], $0xffff;
	[tilespmem:$0x14C7A] =	vst v38  }
0x138: {  	v50 =	vperm.xlane v22, v13;
	v49 =	vadd.s32 v0, v31;
	v30 =	vld.idx.msk [tilespmem:v30+s20+$0x0], $0xffff;
	[tilespmem:$0x14E8A] =	vst v46  }
0x139: {  	v52 =	vperm.xlane v21, v13;
	v51 =	vadd.s32 v0, v48;
	v25 =	vld.idx.msk [tilespmem:v25+s20+$0x0], $0xffff;
	[tilespmem:$0x1509A] =	vst v47  }
0x13a: {  	v53 =	vadd.s32 v0, v50;
	v26 =	vld.idx.msk [tilespmem:v26+s20+$0x0], $0xffff;
	[tilespmem:$0x152AA] =	vst v27;
	v27 =	vperm.xlane v20, v13  }
0x13b: {  	v54 =	vadd.s32 v0, v52;
	[tilespmem:$0x154BA] =	vst v28;
	v28 =	vperm.xlane v19, v13;
	v32 =	vld.idx.msk [tilespmem:v32+s20+$0x0], $0xffff  }
0x13c: {  	[tilespmem:$0x14A7A] =	vst v29;
	v33 =	vld.idx.msk [tilespmem:v33+s20+$0x0], $0xffff;
	v29 =	vadd.s32 v0, v27  }
0x13d: {  	v37 =	vld.idx.msk [tilespmem:v49+s20+$0x0], $0xffff;
	[tilespmem:$0x14C8A] =	vst v30;
	v30 =	vadd.s32 v0, v28  }
0x13e: {  	v31 =	vadd.s32 v2, v31;
	v38 =	vld.idx.msk [tilespmem:v51+s20+$0x0], $0xffff;
	[tilespmem:$0x14E9A] =	vst v25  }
0x13f: {  	v25 =	vadd.s32 v2, v48;
	v55 =	vld.idx.msk [tilespmem:v53+s20+$0x0], $0xffff;
	[tilespmem:$0x150AA] =	vst v26  }
0x140: {  	v26 =	vadd.s32 v2, v50;
	v56 =	vld.idx.msk [tilespmem:v54+s20+$0x0], $0xffff;
	[tilespmem:$0x152BA] =	vst v32  }
0x141: {  	v57 =	vadd.s32 v2, v52;
	[tilespmem:$0x154CA] =	vst v33;
	v29 =	vld.idx.msk [tilespmem:v29+s20+$0x0], $0xffff  }
0x142: {  	v58 =	vperm.xlane v24, v14;
	v27 =	vadd.s32 v2, v27;
	[tilespmem:$0x14A8B] =	vst v37;
	v30 =	vld.idx.msk [tilespmem:v30+s20+$0x0], $0xffff  }
0x143: {  	v59 =	vperm.xlane v23, v14;
	v28 =	vadd.s32 v2, v28;
	v31 =	vld.idx.msk [tilespmem:v31+s20+$0x0], $0xffff;
	[tilespmem:$0x14C9B] =	vst v38  }
0x144: {  	v60 =	vadd.s32 v0, v58;
	v61 =	vperm.xlane v22, v14;
	v25 =	vld.idx.msk [tilespmem:v25+s20+$0x0], $0xffff;
	[tilespmem:$0x14EAB] =	vst v55  }
0x145: {  	v63 =	vperm.xlane v21, v14;
	v62 =	vadd.s32 v0, v59;
	v26 =	vld.idx.msk [tilespmem:v26+s20+$0x0], $0xffff;
	[tilespmem:$0x150BB] =	vst v56  }
0x146: {  	v44 =	vadd.s32 v0, v61;
	v32 =	vld.idx.msk [tilespmem:v57+s20+$0x0], $0xffff;
	[tilespmem:$0x152CB] =	vst v29;
	v29 =	vperm.xlane v20, v14  }
0x147: {  	v45 =	vadd.s32 v0, v63;
	[tilespmem:$0x154DB] =	vst v30;
	v30 =	vperm.xlane v19, v14;
	v27 =	vld.idx.msk [tilespmem:v27+s20+$0x0], $0xffff  }
0x148: {  	[tilespmem:$0x14A9B] =	vst v31;
	v28 =	vld.idx.msk [tilespmem:v28+s20+$0x0], $0xffff;
	v31 =	vadd.s32 v0, v29  }
0x149: {  	v37 =	vld.idx.msk [tilespmem:v60+s20+$0x0], $0xffff;
	[tilespmem:$0x14CAB] =	vst v25;
	v25 =	vadd.s32 v0, v30  }
0x14a: {  	v33 =	vadd.s32 v2, v58;
	v38 =	vld.idx.msk [tilespmem:v62+s20+$0x0], $0xffff;
	[tilespmem:$0x14EBB] =	vst v26  }
0x14b: {  	v26 =	vadd.s32 v2, v59;
	v46 =	vld.idx.msk [tilespmem:v44+s20+$0x0], $0xffff;
	[tilespmem:$0x150CB] =	vst v32  }
0x14c: {  	v47 =	vadd.s32 v2, v61;
	v48 =	vld.idx.msk [tilespmem:v45+s20+$0x0], $0xffff;
	[tilespmem:$0x152DB] =	vst v27  }
0x14d: {  	[tilespmem:$0x154EB] =	vst v28;
	v27 =	vadd.s32 v2, v63;
	v31 =	vld.idx.msk [tilespmem:v31+s20+$0x0], $0xffff  }
0x14e: {  	v29 =	vadd.s32 v2, v29;
	[tilespmem:$0x14AAC] =	vst v37;
	v28 =	vperm.xlane v24, v15;
	v25 =	vld.idx.msk [tilespmem:v25+s20+$0x0], $0xffff  }
0x14f: {  	v49 =	vperm.xlane v23, v15;
	v30 =	vadd.s32 v2, v30;
	v33 =	vld.idx.msk [tilespmem:v33+s20+$0x0], $0xffff;
	[tilespmem:$0x14CBC] =	vst v38  }
0x150: {  	v51 =	vperm.xlane v22, v15;
	v50 =	vadd.s32 v0, v28;
	v26 =	vld.idx.msk [tilespmem:v26+s20+$0x0], $0xffff;
	[tilespmem:$0x14ECC] =	vst v46  }
0x151: {  	v52 =	vadd.s32 v0, v49;
	v53 =	vperm.xlane v21, v15;
	v32 =	vld.idx.msk [tilespmem:v47+s20+$0x0], $0xffff;
	[tilespmem:$0x150DC] =	vst v48  }
0x152: {  	v54 =	vadd.s32 v0, v51;
	v27 =	vld.idx.msk [tilespmem:v27+s20+$0x0], $0xffff;
	[tilespmem:$0x152EC] =	vst v31;
	v31 =	vperm.xlane v20, v15  }
0x153: {  	v55 =	vadd.s32 v0, v53;
	[tilespmem:$0x154FC] =	vst v25;
	v25 =	vperm.xlane v19, v15;
	v29 =	vld.idx.msk [tilespmem:v29+s20+$0x0], $0xffff  }
0x154: {  	[tilespmem:$0x14ABC] =	vst v33;
	v30 =	vld.idx.msk [tilespmem:v30+s20+$0x0], $0xffff;
	v56 =	vadd.s32 v0, v31  }
0x155: {  	v37 =	vld.idx.msk [tilespmem:v50+s20+$0x0], $0xffff;
	[tilespmem:$0x14CCC] =	vst v26;
	v26 =	vadd.s32 v0, v25  }
0x156: {  	v28 =	vadd.s32 v2, v28;
	v38 =	vld.idx.msk [tilespmem:v52+s20+$0x0], $0xffff;
	[tilespmem:$0x14EDC] =	vst v32  }
0x157: {  	v57 =	vadd.s32 v2, v49;
	v58 =	vld.idx.msk [tilespmem:v54+s20+$0x0], $0xffff;
	[tilespmem:$0x150EC] =	vst v27  }
0x158: {  	v27 =	vadd.s32 v2, v51;
	v59 =	vld.idx.msk [tilespmem:v55+s20+$0x0], $0xffff;
	[tilespmem:$0x152FC] =	vst v29  }
0x159: {  	[tilespmem:$0x1550C] =	vst v30;
	v29 =	vadd.s32 v2, v53;
	v33 =	vld.idx.msk [tilespmem:v56+s20+$0x0], $0xffff  }
0x15a: {  	v31 =	vadd.s32 v2, v31;
	[tilespmem:$0x14ACD] =	vst v37;
	v30 =	vperm.xlane v24, v16;
	v26 =	vld.idx.msk [tilespmem:v26+s20+$0x0], $0xffff  }
0x15b: {  	v60 =	vperm.xlane v23, v16;
	v25 =	vadd.s32 v2, v25;
	v28 =	vld.idx.msk [tilespmem:v28+s20+$0x0], $0xffff;
	[tilespmem:$0x14CDD] =	vst v38  }
0x15c: {  	v62 =	vperm.xlane v22, v16;
	v61 =	vadd.s32 v0, v30;
	v32 =	vld.idx.msk [tilespmem:v57+s20+$0x0], $0xffff;
	[tilespmem:$0x14EED] =	vst v58  }
0x15d: {  	v44 =	vperm.xlane v21, v16;
	v63 =	vadd.s32 v0, v60;
	v27 =	vld.idx.msk [tilespmem:v27+s20+$0x0], $0xffff;
	[tilespmem:$0x150FD] =	vst v59  }
0x15e: {  	v45 =	vadd.s32 v0, v62;
	v46 =	vperm.xlane v20, v16;
	v29 =	vld.idx.msk [tilespmem:v29+s20+$0x0], $0xffff;
	[tilespmem:$0x1530D] =	vst v33  }
0x15f: {  	v47 =	vadd.s32 v0, v44;
	[tilespmem:$0x1551D] =	vst v26;
	v26 =	vperm.xlane v19, v16;
	v31 =	vld.idx.msk [tilespmem:v31+s20+$0x0], $0xffff  }
0x160: {  	[tilespmem:$0x14ADD] =	vst v28;
	v28 =	vadd.s32 v0, v46;
	v25 =	vld.idx.msk [tilespmem:v25+s20+$0x0], $0xffff  }
0x161: {  	v37 =	vld.idx.msk [tilespmem:v61+s20+$0x0], $0xffff;
	[tilespmem:$0x14CED] =	vst v32;
	v48 =	vadd.s32 v0, v26  }
0x162: {  	[tilespmem:$0x14EFD] =	vst v27;
	v27 =	vadd.s32 v2, v30;
	v30 =	vld.idx.msk [tilespmem:v63+s20+$0x0], $0xffff  }
0x163: {  	v49 =	vld.idx.msk [tilespmem:v45+s20+$0x0], $0xffff;
	[tilespmem:$0x1510D] =	vst v29;
	v29 =	vadd.s32 v2, v60  }
0x164: {  	v50 =	vld.idx.msk [tilespmem:v47+s20+$0x0], $0xffff;
	[tilespmem:$0x1531D] =	vst v31;
	v31 =	vadd.s32 v2, v62  }
0x165: {  	[tilespmem:$0x1552D] =	vst v25;
	v25 =	vadd.s32 v2, v44;
	v28 =	vld.idx.msk [tilespmem:v28+s20+$0x0], $0xffff  }
0x166: {  	v24 =	vperm.xlane v24, v17;
	v33 =	vadd.s32 v2, v46;
	[tilespmem:$0x14AEE] =	vst v37;
	v32 =	vld.idx.msk [tilespmem:v48+s20+$0x0], $0xffff  }
0x167: {  	v23 =	vperm.xlane v23, v17;
	v26 =	vadd.s32 v2, v26;
	[tilespmem:$0x14CFE] =	vst v30;
	v27 =	vld.idx.msk [tilespmem:v27+s20+$0x0], $0xffff  }
0x168: {  	v22 =	vperm.xlane v22, v17;
	v30 =	vadd.s32 v0, v24;
	[tilespmem:$0x14F0E] =	vst v49;
	v29 =	vld.idx.msk [tilespmem:v29+s20+$0x0], $0xffff  }
0x169: {  	v21 =	vperm.xlane v21, v17;
	v51 =	vadd.s32 v0, v23;
	[tilespmem:$0x1511E] =	vst v50;
	v31 =	vld.idx.msk [tilespmem:v31+s20+$0x0], $0xffff  }
0x16a: {  	v20 =	vperm.xlane v20, v17;
	v25 =	vld.idx.msk [tilespmem:v25+s20+$0x0], $0xffff;
	[tilespmem:$0x1532E] =	vst v28;
	v28 =	vadd.s32 v0, v22  }
0x16b: {  	v52 =	vadd.s32 v0, v21;
	v19 =	vperm.xlane v19, v17;
	[tilespmem:$0x1553E] =	vst v32;
	v33 =	vld.idx.msk [tilespmem:v33+s20+$0x0], $0xffff  }
0x16c: {  	[tilespmem:$0x14AFE] =	vst v27;
	v27 =	vadd.s32 v0, v20;
	v26 =	vld.idx.msk [tilespmem:v26+s20+$0x0], $0xffff  }
0x16d: {  	v30 =	vld.idx.msk [tilespmem:v30+s20+$0x0], $0xffff;
	[tilespmem:$0x14D0E] =	vst v29;
	v29 =	vadd.s32 v0, v19  }
0x16e: {  	v24 =	vadd.s32 v2, v24;
	[tilespmem:$0x14F1E] =	vst v31;
	v31 =	vld.idx.msk [tilespmem:v51+s20+$0x0], $0xffff  }
0x16f: {  	v23 =	vadd.s32 v2, v23;
	[tilespmem:$0x1512E] =	vst v25;
	v28 =	vld.idx.msk [tilespmem:v28+s20+$0x0], $0xffff  }
0x170: {  	v22 =	vadd.s32 v2, v22;
	v25 =	vld.idx.msk [tilespmem:v52+s20+$0x0], $0xffff;
	[tilespmem:$0x1533E] =	vst v33  }
0x171: {  	v21 =	vadd.s32 v2, v21;
	[tilespmem:$0x1554E] =	vst v26;
	v27 =	vld.idx.msk [tilespmem:v27+s20+$0x0], $0xffff  }
0x172: {  	v20 =	vadd.s32 v2, v20;
	[tilespmem:$0x14B0F] =	vst v30;
	v26 =	vld.idx.msk [tilespmem:v29+s20+$0x0], $0xffff  }
0x173: {  	v24 =	vld.idx.msk [tilespmem:v24+s20+$0x0], $0xffff;
	v29 =	vadd.s32 v2, v19;
	[tilespmem:$0x14D1F] =	vst v31  }
0x174: {  	v23 =	vld.idx.msk [tilespmem:v23+s20+$0x0], $0xffff;
	[tilespmem:$0x14F2F] =	vst v28  }
0x175: {  	[tilespmem:$0x1513F] =	vst v25;
	v22 =	vld.idx.msk [tilespmem:v22+s20+$0x0], $0xffff  }
0x176: {  	v21 =	vld.idx.msk [tilespmem:v21+s20+$0x0], $0xffff;
	[tilespmem:$0x1534F] =	vst v27  }
0x177: {  	v19 =	vmul.u32 $0x21, v0;
	[tilespmem:$0x1555F] =	vst v26;
	v20 =	vld.idx.msk [tilespmem:v20+s20+$0x0], $0xffff  }
0x178: {  	s9 =	simm.s32 $0x2;
	[tilespmem:$0x14B1F] =	vst v24;
	v24 =	vld.idx.msk [tilespmem:v29+s20+$0x0], $0xffff  }
0x179: {  	s10 =	simm.s32 $0x4;
	v25 =	vadd.s32 s9, v19;
	[tilespmem:$0x14D2F] =	vst v23  }
0x17a: {  	s25 =	simm.s32 $0x3;
	v26 =	vadd.s32 s10, v19;
	[tilespmem:$0x14F3F] =	vst v22  }
0x17b: {  	s1 =	simm.s32 $0x6;
	[tilespmem:$0x1514F] =	vst v21;
	v21 =	vadd.s32 s25, v19  }
0x17c: {  	s2 =	simm.s32 $0x5;
	[tilespmem:$0x1535F] =	vst v20;
	v20 =	vadd.s32 s1, v19  }
0x17d: {  	[tilespmem:$0x1556F] =	vst v24;
	v24 =	vadd.s32 s2, v19  }
0x17e: {  	s12 =	simm.s32 $0x1;
	v23 =	vadd.s32 s20, v19;
	v25 =	vld.idx.msk [tilespmem:v25+s14+$0x0], $0xffff  }
0x17f: {  	s0 =	simm.s32 $0x7;
	v27 =	vadd.s32 s12, v19;
	v26 =	vld.idx.msk [tilespmem:v26+s14+$0x0], $0xffff  }
0x180: {  	s26 =	simm.s32 $0x213;
	v22 =	vadd.s32 s0, v19;
	v21 =	vld.idx.msk [tilespmem:v21+s14+$0x0], $0xffff  }
0x181: {  	s29 =	simm.s32 $0x216;
	v28 =	vadd.s32 s26, v19;
	v20 =	vld.idx.msk [tilespmem:v20+s14+$0x0], $0xffff  }
0x182: {  	s30 =	simm.s32 $0x215;
	v29 =	vadd.s32 s29, v19;
	v24 =	vld.idx.msk [tilespmem:v24+s14+$0x0], $0xffff  }
0x183: {  	v30 =	vadd.s32 s30, v19;
	s0 =	simm.s32 $0x210;
	v23 =	vld.idx.msk [tilespmem:v23+s14+$0x0], $0xffff  }
0x184: {  	v31 =	vadd.s32 s0, v19;
	s1 =	simm.s32 $0x212;
	v27 =	vld.idx.msk [tilespmem:v27+s14+$0x0], $0xffff;
	[tilespmem:s22+$0xFFFFFF00] =	vst v25  }
0x185: {  	s2 =	simm.s32 $0x214;
	v53 =	vadd.s32 s1, v19;
	v22 =	vld.idx.msk [tilespmem:v22+s14+$0x0], $0xffff;
	[tilespmem:s22+$0xFFFFFF80] =	vst v21  }
0x186: {  	s9 =	simm.s32 $0x211;
	v21 =	vld.idx.msk [tilespmem:v28+s14+$0x0], $0xffff;
	v28 =	vadd.s32 s2, v19;
	[tilespmem:s22+$0x100] =	vst v20  }
0x187: {  	s10 =	simm.s32 $0x217;
	v20 =	vadd.s32 s9, v19;
	[tilespmem:s22+$0x80] =	vst v24;
	v24 =	vld.idx.msk [tilespmem:v29+s14+$0x0], $0xffff  }
0x188: {  	s12 =	simm.s32 $0x423;
	[tilespmem:s22+$0xFFFFFE00] =	vst v23;
	v29 =	vadd.s32 s10, v19;
	v23 =	vld.idx.msk [tilespmem:v30+s14+$0x0], $0xffff  }
0x189: {  	s25 =	simm.s32 $0x426;
	v25 =	vadd.s32 s12, v19;
	[tilespmem:s22+$0x0] =	vst v26;
	v30 =	vld.idx.msk [tilespmem:v31+s14+$0x0], $0xffff  }
0x18a: {  	s26 =	simm.s32 $0x425;
	v26 =	vadd.s32 s25, v19;
	[tilespmem:s22+$0xFFFFFE80] =	vst v27;
	v31 =	vld.idx.msk [tilespmem:v53+s14+$0x0], $0xffff  }
0x18b: {  	v54 =	vadd.s32 s26, v19;
	s29 =	simm.s32 $0x424;
	[tilespmem:s22+$0x180] =	vst v22;
	v27 =	vld.idx.msk [tilespmem:v28+s14+$0x0], $0xffff  }
0x18c: {  	s30 =	simm.s32 $0x421;
	v22 =	vadd.s32 s29, v19;
	[tilespmem:s22+$0xFFFFFF90] =	vst v21;
	v20 =	vld.idx.msk [tilespmem:v20+s14+$0x0], $0xffff  }
0x18d: {  	s0 =	simm.s32 $0x422;
	v28 =	vadd.s32 s30, v19;
	v21 =	vld.idx.msk [tilespmem:v29+s14+$0x0], $0xffff;
	[tilespmem:s22+$0x110] =	vst v24  }
0x18e: {  	s1 =	simm.s32 $0x420;
	v29 =	vadd.s32 s0, v19;
	v24 =	vld.idx.msk [tilespmem:v25+s14+$0x0], $0xffff;
	[tilespmem:s22+$0x90] =	vst v23  }
0x18f: {  	s2 =	simm.s32 $0x636;
	v25 =	vadd.s32 s1, v19;
	[tilespmem:s22+$0xFFFFFF10] =	vst v31;
	v23 =	vld.idx.msk [tilespmem:v26+s14+$0x0], $0xffff  }
0x190: {  	v55 =	vadd.s32 s2, v19;
	s9 =	simm.s32 $0x427;
	v26 =	vld.idx.msk [tilespmem:v54+s14+$0x0], $0xffff;
	[tilespmem:s22+$0x10] =	vst v27  }
0x191: {  	s10 =	simm.s32 $0x634;
	[tilespmem:s22+$0xFFFFFE90] =	vst v20;
	v20 =	vld.idx.msk [tilespmem:v22+s14+$0x0], $0xffff;
	v22 =	vadd.s32 s9, v19  }
0x192: {  	s12 =	simm.s32 $0x631;
	[tilespmem:s22+$0xFFFFFE10] =	vst v30;
	v27 =	vld.idx.msk [tilespmem:v28+s14+$0x0], $0xffff;
	v28 =	vadd.s32 s10, v19  }
0x193: {  	s26 =	simm.s32 $0x632;
	v30 =	vadd.s32 s12, v19;
	v29 =	vld.idx.msk [tilespmem:v29+s14+$0x0], $0xffff;
	[tilespmem:s22+$0x190] =	vst v21  }
0x194: {  	s29 =	simm.s32 $0x630;
	v25 =	vld.idx.msk [tilespmem:v25+s14+$0x0], $0xffff;
	[tilespmem:s22+$0x120] =	vst v23;
	v23 =	vadd.s32 s26, v19  }
0x195: {  	s30 =	simm.s32 $0x635;
	v31 =	vadd.s32 s29, v19;
	[tilespmem:s22+$0xFFFFFFA0] =	vst v24;
	v21 =	vld.idx.msk [tilespmem:v55+s14+$0x0], $0xffff  }
0x196: {  	s0 =	simm.s32 $0x633;
	[tilespmem:s22+$0x20] =	vst v20;
	v20 =	vadd.s32 s30, v19;
	v22 =	vld.idx.msk [tilespmem:v22+s14+$0x0], $0xffff  }
0x197: {  	s1 =	simm.s32 $0x637;
	[tilespmem:s22+$0xFFFFFEA0] =	vst v27;
	v27 =	vadd.s32 s0, v19;
	v28 =	vld.idx.msk [tilespmem:v28+s14+$0x0], $0xffff  }
0x198: {  	s2 =	simm.s32 $0x844;
	[tilespmem:s22+$0xFFFFFF20] =	vst v29;
	v29 =	vld.idx.msk [tilespmem:v30+s14+$0x0], $0xffff;
	v30 =	vadd.s32 s1, v19  }
0x199: {  	v56 =	vadd.s32 s2, v19;
	s9 =	simm.s32 $0x841;
	[tilespmem:s22+$0xFFFFFE20] =	vst v25;
	v25 =	vld.idx.msk [tilespmem:v23+s14+$0x0], $0xffff  }
0x19a: {  	s10 =	simm.s32 $0x842;
	[tilespmem:s22+$0xA0] =	vst v26;
	v26 =	vld.idx.msk [tilespmem:v31+s14+$0x0], $0xffff;
	v31 =	vadd.s32 s9, v19  }
0x19b: {  	s12 =	simm.s32 $0x840;
	v24 =	vadd.s32 s10, v19;
	[tilespmem:s22+$0x130] =	vst v21;
	v20 =	vld.idx.msk [tilespmem:v20+s14+$0x0], $0xffff  }
0x19c: {  	v57 =	vadd.s32 s12, v19;
	s26 =	simm.s32 $0x845;
	[tilespmem:s22+$0x1A0] =	vst v22;
	v23 =	vld.idx.msk [tilespmem:v27+s14+$0x0], $0xffff  }
0x19d: {  	s29 =	simm.s32 $0x846;
	v22 =	vadd.s32 s26, v19;
	[tilespmem:s22+$0x30] =	vst v28;
	v27 =	vld.idx.msk [tilespmem:v30+s14+$0x0], $0xffff  }
0x19e: {  	s30 =	simm.s32 $0x847;
	[tilespmem:s22+$0xFFFFFEB0] =	vst v29;
	v28 =	vld.idx.msk [tilespmem:v56+s14+$0x0], $0xffff;
	v29 =	vadd.s32 s29, v19  }
0x19f: {  	s0 =	simm.s32 $0xA54;
	[tilespmem:s22+$0xFFFFFF30] =	vst v25;
	v25 =	vadd.s32 s30, v19;
	v30 =	vld.idx.msk [tilespmem:v31+s14+$0x0], $0xffff  }
0x1a0: {  	s1 =	simm.s32 $0xA51;
	[tilespmem:s22+$0xFFFFFE30] =	vst v26;
	v26 =	vadd.s32 s0, v19;
	v24 =	vld.idx.msk [tilespmem:v24+s14+$0x0], $0xffff  }
0x1a1: {  	s9 =	simm.s32 $0xA50;
	v58 =	vadd.s32 s1, v19;
	v31 =	vld.idx.msk [tilespmem:v57+s14+$0x0], $0xffff;
	[tilespmem:s22+$0xB0] =	vst v20  }
0x1a2: {  	s2 =	simm.s32 $0xA52;
	v21 =	vadd.s32 s9, v19;
	v22 =	vld.idx.msk [tilespmem:v22+s14+$0x0], $0xffff;
	[tilespmem:s22+$0x1B0] =	vst v27  }
0x1a3: {  	s10 =	simm.s32 $0xA55;
	v20 =	vadd.s32 s2, v19;
	v29 =	vld.idx.msk [tilespmem:v29+s14+$0x0], $0xffff;
	[tilespmem:s22+$0x40] =	vst v28  }
0x1a4: {  	s12 =	simm.s32 $0xA56;
	v27 =	vadd.s32 s10, v19;
	v25 =	vld.idx.msk [tilespmem:v25+s14+$0x0], $0xffff;
	[tilespmem:s22+$0xFFFFFEC0] =	vst v30  }
0x1a5: {  	s25 =	simm.s32 $0xA57;
	v28 =	vadd.s32 s12, v19;
	v26 =	vld.idx.msk [tilespmem:v26+s14+$0x0], $0xffff;
	[tilespmem:s22+$0xFFFFFF40] =	vst v24  }
0x1a6: {  	s26 =	simm.s32 $0xC64;
	v24 =	vadd.s32 s25, v19;
	[tilespmem:s22+$0xFFFFFE40] =	vst v31;
	v30 =	vld.idx.msk [tilespmem:v58+s14+$0x0], $0xffff  }
0x1a7: {  	s29 =	simm.s32 $0xC61;
	v31 =	vadd.s32 s26, v19;
	v21 =	vld.idx.msk [tilespmem:v21+s14+$0x0], $0xffff  }
0x1a8: {  	s30 =	simm.s32 $0xC62;
	v59 =	vadd.s32 s29, v19;
	v20 =	vld.idx.msk [tilespmem:v20+s14+$0x0], $0xffff;
	[tilespmem:s22+$0xC0] =	vst v22  }
0x1a9: {  	s0 =	simm.s32 $0xC60;
	v60 =	vadd.s32 s30, v19;
	v61 =	vld.idx.msk [tilespmem:v27+s14+$0x0], $0xffff;
	[tilespmem:s22+$0x140] =	vst v29  }
0x1aa: {  	s1 =	simm.s32 $0xC65;
	v29 =	vadd.s32 s0, v19;
	v28 =	vld.idx.msk [tilespmem:v28+s14+$0x0], $0xffff;
	[tilespmem:s22+$0x1C0] =	vst v25  }
0x1ab: {  	s2 =	simm.s32 $0xC66;
	[tilespmem:s22+$0x50] =	vst v26;
	v26 =	vadd.s32 s1, v19;
	v35 =	vld.idx.msk [tilespmem:v24+s14+$0x0], $0xffff  }
0x1ac: {  	s9 =	simm.s32 $0xC67;
	[tilespmem:s22+$0xFFFFFED0] =	vst v30;
	v62 =	vld.idx.msk [tilespmem:v31+s14+$0x0], $0xffff;
	v24 =	vadd.s32 s2, v19  }
0x1ad: {  	v63 =	vadd.s32 s9, v19;
	v22 =	vld.idx.msk [tilespmem:v59+s14+$0x0], $0xffff;
	[tilespmem:s22+$0xFFFFFF50] =	vst v20  }
0x1ae: {  	s12 =	simm.s32 $0xE74;
	[tilespmem:s22+$0xFFFFFE50] =	vst v21;
	v27 =	vld.idx.msk [tilespmem:v60+s14+$0x0], $0xffff  }
0x1af: {  	s26 =	simm.s32 $0x843;
	v30 =	vadd.s32 s12, v19;
	v25 =	vld.idx.msk [tilespmem:v29+s14+$0x0], $0xffff;
	[tilespmem:s22+$0xD0] =	vst v61  }
0x1b0: {  	s31 =	simm.s32 $0x8;
	s29 =	simm.s32 $0xE72;
	v32 =	vadd.s32 s26, v19;
	v26 =	vld.idx.msk [tilespmem:v26+s14+$0x0], $0xffff;
	[tilespmem:s22+$0x150] =	vst v28  }
0x1b1: {  	s28 =	sadd.s32 $0x1400, s22;
	s30 =	simm.s32 $0xE70;
	s10 =	simm.s32 $0xE75;
	v31 =	vadd.s32 s29, v19;
	v24 =	vld.idx.msk [tilespmem:v24+s14+$0x0], $0xffff;
	[tilespmem:s22+$0x1D0] =	vst v35  }
0x1b2: {  	s24 =	smov.u32 s22;
	s25 =	simm.s32 $0xE77;
	s26 =	simm.s32 $0x0;
	v21 =	vmov v19;
	v20 =	vadd.s32 s10, v19;
	v28 =	vadd.s32 s30, v19;
	[tilespmem:s22+$0x60] =	vst v62;
	v29 =	vld.idx.msk [tilespmem:v63+s14+$0x0], $0xffff  }
.LBB2_4:
0x1b3: {  	s0 =	sadd.s32 $0x5, s31  }
0x1b4: {  	s2 =	sadd.s32 $0x6, s31;
	s29 =	sadd.s32 $0x7, s31;
	[tilespmem:s24+$0xFFFFFFB0] =	vst v23;
	v23 =	vld.idx.msk [tilespmem:v30+s14+$0x0], $0xffff;
	s30 =	smov.u32 s31  }
0x1b5: {  	s1 =	sadd.s32 $0x2, s31;
	s12 =	sadd.s32 $0x3, s31;
	s9 =	sadd.s32 $0x4, s31;
	v30 =	vadd.s32 s25, v21;
	[tilespmem:s24+$0xFFFFFF60] =	vst v27;
	v27 =	vld.idx.msk [tilespmem:v32+s14+$0x0], $0xffff  }
0x1b6: {  	v32 =	vadd.s32 s30, v19;
	s10 =	sadd.s32 $0x1, s30;
	v33 =	vadd.s32 s9, v19;
	v34 =	vadd.s32 s29, v19;
	s25 =	sadd.s32 $0xE77, s30;
	s29 =	sadd.s32 $0x8, s31;
	v31 =	vld.idx.msk [tilespmem:v31+s14+$0x0], $0xffff  }
0x1b7: {  	p1 =	slt.u32 s31, $0x18;
	v36 =	vadd.s32 s1, v19;
	v37 =	vadd.s32 s2, v19;
	v35 =	vadd.s32 s10, v19;
	[tilespmem:s24+$0xFFFFFE60] =	vst v25  }
0x1b8: {  	v38 =	vadd.s32 s0, v19;
	s0 =	sadd.s32 $0xE75, s30;
	v25 =	vadd.s32 s12, v19;
	v28 =	vld.idx.msk [tilespmem:v28+s14+$0x0], $0xffff;
	[tilespmem:s24+$0xE0] =	vst v26  }
0x1b9: {  	v26 =	vld.idx.msk [tilespmem:v20+s14+$0x0], $0xffff;
	v20 =	vadd.s32 s0, v19;
	[tilespmem:s24+$0x1E0] =	vst v29  }
0x1ba: {  	[tilespmem:s24+$0x160] =	vst v24;
	v24 =	vld.idx.msk [tilespmem:v30+s14+$0x0], $0xffff  }
0x1bb: {  	v29 =	vld.idx.msk [tilespmem:v32+s14+$0x0], $0xffff;
	[tilespmem:s24+$0xFFFFFFC0] =	vst v27  }
0x1bc: {  	s1 =	sadd.s32 $0xE76, s26;
	s0 =	sadd.s32 $0x217, s30;
	v27 =	vld.idx.msk [tilespmem:v34+s14+$0x0], $0xffff;
	[tilespmem:s24+$0xFFFFFF70] =	vst v31  }
0x1bd: {  	v30 =	vadd.s32 s0, v19;
	v25 =	vld.idx.msk [tilespmem:v25+s14+$0x0], $0xffff;
	[tilespmem:s24+$0x70] =	vst v23;
	v23 =	vadd.s32 s1, v21  }
0x1be: {  	s0 =	sadd.s32 $0x213, s30;
	v31 =	vld.idx.msk [tilespmem:v37+s14+$0x0], $0xffff;
	[tilespmem:s24+$0xFFFFFE70] =	vst v28  }
0x1bf: {  	v28 =	vadd.s32 s0, v19;
	s0 =	sadd.s32 $0x216, s30;
	v32 =	vld.idx.msk [tilespmem:v38+s14+$0x0], $0xffff;
	[tilespmem:s24+$0xF0] =	vst v26  }
0x1c0: {  	s1 =	sadd.s32 $0x215, s30;
	v34 =	vadd.s32 s0, v19;
	v26 =	vld.idx.msk [tilespmem:v36+s14+$0x0], $0xffff;
	[tilespmem:s24+$0x1F0] =	vst v24  }
0x1c1: {  	s0 =	sadd.s32 $0x210, s30;
	[tilespmem:s28+$0xFFFFFE00] =	vst v29;
	v24 =	vld.idx.msk [tilespmem:v33+s14+$0x0], $0xffff;
	v29 =	vadd.s32 s1, v19  }
0x1c2: {  	v33 =	vadd.s32 s0, v19;
	s0 =	sadd.s32 $0x212, s30;
	[tilespmem:s28+$0x180] =	vst v27;
	v23 =	vld.idx.msk [tilespmem:v23+s14+$0x0], $0xffff  }
0x1c3: {  	s1 =	sadd.s32 $0xA53, s26;
	v27 =	vld.idx.msk [tilespmem:v35+s14+$0x0], $0xffff;
	v35 =	vadd.s32 s0, v19;
	[tilespmem:s28+$0xFFFFFF80] =	vst v25;
	s0 =	sadd.s32 $0x214, s30  }
0x1c4: {  	s2 =	sadd.s32 $0x211, s30;
	v25 =	vld.idx.msk [tilespmem:v28+s14+$0x0], $0xffff;
	v28 =	vadd.s32 s0, v19;
	[tilespmem:s28+$0x100] =	vst v31;
	v31 =	vadd.s32 s1, v21  }
0x1c5: {  	v36 =	vadd.s32 s2, v19;
	s0 =	sadd.s32 $0x423, s30;
	[tilespmem:s28+$0x80] =	vst v32;
	v32 =	vld.idx.msk [tilespmem:v34+s14+$0x0], $0xffff  }
0x1c6: {  	[tilespmem:s28+$0xFFFFFF00] =	vst v26;
	v26 =	vadd.s32 s0, v19;
	v29 =	vld.idx.msk [tilespmem:v29+s14+$0x0], $0xffff;
	s0 =	sadd.s32 $0x426, s30  }
0x1c7: {  	s1 =	sadd.s32 $0x425, s30;
	v33 =	vld.idx.msk [tilespmem:v33+s14+$0x0], $0xffff;
	[tilespmem:s28+$0x0] =	vst v24;
	v24 =	vadd.s32 s0, v19  }
0x1c8: {  	s0 =	sadd.s32 $0x420, s30;
	v34 =	vld.idx.msk [tilespmem:v35+s14+$0x0], $0xffff;
	v35 =	vadd.s32 s1, v19;
	[tilespmem:s24+$0x170] =	vst v23  }
0x1c9: {  	v23 =	vadd.s32 s0, v19;
	s0 =	sadd.s32 $0x422, s30;
	[tilespmem:s28+$0xFFFFFE80] =	vst v27;
	v27 =	vld.idx.msk [tilespmem:v31+s14+$0x0], $0xffff  }
0x1ca: {  	s1 =	sadd.s32 $0xC63, s26;
	v31 =	vadd.s32 s0, v19;
	s0 =	sadd.s32 $0x424, s30;
	[tilespmem:s28+$0xFFFFFF90] =	vst v25;
	v25 =	vld.idx.msk [tilespmem:v30+s14+$0x0], $0xffff  }
0x1cb: {  	v30 =	vadd.s32 s0, v19;
	v28 =	vld.idx.msk [tilespmem:v28+s14+$0x0], $0xffff;
	[tilespmem:s28+$0x110] =	vst v32;
	v32 =	vadd.s32 s1, v21  }
0x1cc: {  	v36 =	vld.idx.msk [tilespmem:v36+s14+$0x0], $0xffff;
	[tilespmem:s28+$0x90] =	vst v29  }
0x1cd: {  	s0 =	sadd.s32 $0x421, s30;
	[tilespmem:s28+$0xFFFFFE10] =	vst v33;
	v26 =	vld.idx.msk [tilespmem:v26+s14+$0x0], $0xffff  }
0x1ce: {  	v29 =	vadd.s32 s0, v19;
	[tilespmem:s28+$0xFFFFFF10] =	vst v34;
	v24 =	vld.idx.msk [tilespmem:v24+s14+$0x0], $0xffff  }
0x1cf: {  	s0 =	sadd.s32 $0x636, s30;
	v33 =	vld.idx.msk [tilespmem:v35+s14+$0x0], $0xffff;
	[tilespmem:s24+$0xFFFFFFD0] =	vst v27  }
0x1d0: {  	v27 =	vadd.s32 s0, v19;
	s0 =	sadd.s32 $0xE71, s26;
	[tilespmem:s28+$0x190] =	vst v25;
	v25 =	vld.idx.msk [tilespmem:v32+s14+$0x0], $0xffff  }
0x1d1: {  	v31 =	vld.idx.msk [tilespmem:v31+s14+$0x0], $0xffff;
	[tilespmem:s28+$0x10] =	vst v28;
	v28 =	vadd.s32 s0, v21;
	s0 =	sadd.s32 $0xE73, s26;
	s26 =	smov.u32 s30  }
0x1d2: {  	[tilespmem:s28+$0xFFFFFE90] =	vst v36;
	v30 =	vld.idx.msk [tilespmem:v30+s14+$0x0], $0xffff;
	s1 =	sadd.s32 $0x427, s26;
	v32 =	vadd.s32 s0, v21;
	v21 =	vmov v19  }
0x1d3: {  	s0 =	sadd.s32 $0x634, s26;
	v29 =	vld.idx.msk [tilespmem:v29+s14+$0x0], $0xffff;
	[tilespmem:s28+$0xFFFFFFA0] =	vst v26;
	v26 =	vadd.s32 s1, v21  }
0x1d4: {  	s1 =	sadd.s32 $0x631, s26;
	v34 =	vadd.s32 s0, v21;
	v23 =	vld.idx.msk [tilespmem:v23+s14+$0x0], $0xffff;
	[tilespmem:s28+$0x120] =	vst v24  }
0x1d5: {  	s0 =	sadd.s32 $0x632, s26;
	v24 =	vadd.s32 s1, v21;
	v27 =	vld.idx.msk [tilespmem:v27+s14+$0x0], $0xffff;
	[tilespmem:s24+$0xFFFFFEE0] =	vst v22  }
0x1d6: {  	s1 =	sadd.s32 $0x630, s26;
	v22 =	vadd.s32 s0, v21;
	v28 =	vld.idx.msk [tilespmem:v28+s14+$0x0], $0xffff;
	[tilespmem:s24+$0xFFFFFFE0] =	vst v25  }
0x1d7: {  	s0 =	sadd.s32 $0x635, s26;
	v25 =	vadd.s32 s1, v21;
	[tilespmem:s28+$0xFFFFFF20] =	vst v31;
	v31 =	vld.idx.msk [tilespmem:v32+s14+$0x0], $0xffff  }
0x1d8: {  	s1 =	sadd.s32 $0x633, s26;
	[tilespmem:s28+$0x20] =	vst v30;
	v30 =	vadd.s32 s0, v21;
	v26 =	vld.idx.msk [tilespmem:v26+s14+$0x0], $0xffff  }
0x1d9: {  	s0 =	sadd.s32 $0x637, s26;
	[tilespmem:s28+$0xFFFFFEA0] =	vst v29;
	v29 =	vadd.s32 s1, v21;
	v32 =	vld.idx.msk [tilespmem:v34+s14+$0x0], $0xffff  }
0x1da: {  	s1 =	sadd.s32 $0x844, s26;
	v34 =	vadd.s32 s0, v21;
	[tilespmem:s28+$0xFFFFFE20] =	vst v23;
	v24 =	vld.idx.msk [tilespmem:v24+s14+$0x0], $0xffff  }
0x1db: {  	s0 =	sadd.s32 $0x841, s26;
	v35 =	vadd.s32 s1, v21;
	v22 =	vld.idx.msk [tilespmem:v22+s14+$0x0], $0xffff;
	[tilespmem:s28+$0xA0] =	vst v33  }
0x1dc: {  	v33 =	vadd.s32 s0, v21;
	s0 =	sadd.s32 $0x842, s26;
	v25 =	vld.idx.msk [tilespmem:v25+s14+$0x0], $0xffff;
	[tilespmem:s24+$0xFFFFFEF0] =	vst v28  }
0x1dd: {  	s1 =	sadd.s32 $0x840, s26;
	v28 =	vadd.s32 s0, v21;
	v30 =	vld.idx.msk [tilespmem:v30+s14+$0x0], $0xffff;
	[tilespmem:s24+$0xFFFFFFF0] =	vst v31;
	s24 =	smov.u32 s28  }
0x1de: {  	s0 =	sadd.s32 $0x845, s26;
	v31 =	vadd.s32 s1, v21;
	v23 =	vld.idx.msk [tilespmem:v29+s14+$0x0], $0xffff;
	[tilespmem:s28+$0x1A0] =	vst v26  }
0x1df: {  	v26 =	vadd.s32 s0, v21;
	s0 =	sadd.s32 $0x846, s26;
	[tilespmem:s28+$0x30] =	vst v32;
	v29 =	vld.idx.msk [tilespmem:v34+s14+$0x0], $0xffff  }
0x1e0: {  	v32 =	vadd.s32 s0, v21;
	s0 =	sadd.s32 $0x847, s26;
	[tilespmem:s28+$0xFFFFFEB0] =	vst v24;
	v24 =	vld.idx.msk [tilespmem:v35+s14+$0x0], $0xffff  }
0x1e1: {  	s1 =	sadd.s32 $0xA54, s26;
	v33 =	vld.idx.msk [tilespmem:v33+s14+$0x0], $0xffff;
	[tilespmem:s28+$0xFFFFFF30] =	vst v22;
	v22 =	vadd.s32 s0, v21  }
0x1e2: {  	s0 =	sadd.s32 $0xA51, s26;
	[tilespmem:s28+$0xFFFFFE30] =	vst v25;
	v25 =	vld.idx.msk [tilespmem:v28+s14+$0x0], $0xffff;
	v28 =	vadd.s32 s1, v21  }
0x1e3: {  	v34 =	vadd.s32 s0, v21;
	s0 =	sadd.s32 $0xA52, s26;
	v31 =	vld.idx.msk [tilespmem:v31+s14+$0x0], $0xffff;
	[tilespmem:s28+$0xB0] =	vst v30  }
0x1e4: {  	s1 =	sadd.s32 $0xA50, s26;
	v30 =	vadd.s32 s0, v21;
	v26 =	vld.idx.msk [tilespmem:v26+s14+$0x0], $0xffff;
	[tilespmem:s28+$0x130] =	vst v27  }
0x1e5: {  	s0 =	sadd.s32 $0xA55, s26;
	v27 =	vadd.s32 s1, v21;
	v32 =	vld.idx.msk [tilespmem:v32+s14+$0x0], $0xffff;
	[tilespmem:s28+$0x1B0] =	vst v29  }
0x1e6: {  	[tilespmem:s28+$0x40] =	vst v24;
	v24 =	vadd.s32 s0, v21;
	s0 =	sadd.s32 $0xA56, s26;
	v22 =	vld.idx.msk [tilespmem:v22+s14+$0x0], $0xffff  }
0x1e7: {  	[tilespmem:s28+$0xFFFFFEC0] =	vst v33;
	v28 =	vld.idx.msk [tilespmem:v28+s14+$0x0], $0xffff;
	v29 =	vadd.s32 s0, v21;
	s0 =	sadd.s32 $0xA57, s26  }
0x1e8: {  	s1 =	sadd.s32 $0xC64, s26;
	v33 =	vld.idx.msk [tilespmem:v34+s14+$0x0], $0xffff;
	[tilespmem:s28+$0xFFFFFF40] =	vst v25;
	v25 =	vadd.s32 s0, v21  }
0x1e9: {  	s0 =	sadd.s32 $0xC61, s26;
	[tilespmem:s28+$0xFFFFFE40] =	vst v31;
	v30 =	vld.idx.msk [tilespmem:v30+s14+$0x0], $0xffff;
	v31 =	vadd.s32 s1, v21  }
0x1ea: {  	v34 =	vadd.s32 s0, v21;
	s0 =	sadd.s32 $0xC62, s26;
	v27 =	vld.idx.msk [tilespmem:v27+s14+$0x0], $0xffff;
	[tilespmem:s28+$0xC0] =	vst v26  }
0x1eb: {  	s1 =	sadd.s32 $0xC60, s26;
	v26 =	vadd.s32 s0, v21;
	v24 =	vld.idx.msk [tilespmem:v24+s14+$0x0], $0xffff;
	[tilespmem:s28+$0x140] =	vst v32  }
0x1ec: {  	s0 =	sadd.s32 $0xC65, s26;
	v32 =	vadd.s32 s1, v21;
	v29 =	vld.idx.msk [tilespmem:v29+s14+$0x0], $0xffff;
	[tilespmem:s28+$0x1C0] =	vst v22  }
0x1ed: {  	[tilespmem:s28+$0x50] =	vst v28;
	v28 =	vadd.s32 s0, v21;
	s0 =	sadd.s32 $0xC66, s26;
	v35 =	vld.idx.msk [tilespmem:v25+s14+$0x0], $0xffff  }
0x1ee: {  	[tilespmem:s28+$0xFFFFFED0] =	vst v33;
	v33 =	vld.idx.msk [tilespmem:v31+s14+$0x0], $0xffff;
	v36 =	vadd.s32 s0, v21;
	s0 =	sadd.s32 $0xC67, s26  }
0x1ef: {  	s1 =	sadd.s32 $0xE74, s26;
	v22 =	vld.idx.msk [tilespmem:v34+s14+$0x0], $0xffff;
	[tilespmem:s28+$0xFFFFFF50] =	vst v30;
	v34 =	vadd.s32 s0, v21  }
.Ltmp0:
0x1f0: {  	s0 =	sadd.s32 $0x843, s26;
	v30 =	vadd.s32 s1, v21;
	[tilespmem:s28+$0xFFFFFE50] =	vst v27;
	v27 =	vld.idx.msk [tilespmem:v26+s14+$0x0], $0xffff;
	(pc) =	sbr.rel @p1 .LBB2_4-.Ltmp0, $4  }
0x1f1: {  	s1 =	sadd.s32 $0xE72, s26;
	v25 =	vld.idx.msk [tilespmem:v32+s14+$0x0], $0xffff;
	v32 =	vadd.s32 s0, v21;
	[tilespmem:s28+$0xD0] =	vst v24  }
0x1f2: {  	v31 =	vadd.s32 s1, v21;
	v26 =	vld.idx.msk [tilespmem:v28+s14+$0x0], $0xffff;
	[tilespmem:s28+$0x150] =	vst v29  }
0x1f3: {  	s0 =	sadd.s32 $0xE70, s26;
	v24 =	vld.idx.msk [tilespmem:v36+s14+$0x0], $0xffff;
	[tilespmem:s28+$0x1D0] =	vst v35  }
0x1f4: {  	s31 =	smov.u32 s29;
	v28 =	vadd.s32 s0, v21;
	s28 =	sadd.s32 $0x1400, s28;
	[tilespmem:s24+$0x60] =	vst v33;
	v29 =	vld.idx.msk [tilespmem:v34+s14+$0x0], $0xffff  }
0x1f5: {  	_ =	sdelay $0x2  }
0x1f6: {  	[tilespmem:s24+$0xFFFFFFB0] =	vst v23  }
0x1f7: {  	s0 =	sadd.s32 $0xA53, s26;
	v19 =	vld.idx.msk [tilespmem:v32+s14+$0x0], $0xffff  }
0x1f8: {  	v55 =	vadd.s32 s0, v21;
	_ =	sdelay $0x3  }
0x1f9: {  	[tilespmem:s24+$0xFFFFFFC0] =	vst v19  }
0x1fa: {  	s28 =	sadd.s32 $0xC63, s26;
	v19 =	vld.idx.msk [tilespmem:v55+s14+$0x0], $0xffff  }
0x1fb: {  	v56 =	vadd.s32 s28, v21  }
0x1fc: {  	[tilespmem:s24+$0xFFFFFF60] =	vst v27  }
0x1fd: {  	[tilespmem:s24+$0xFFFFFEE0] =	vst v22  }
0x1fe: {  	v57 =	vld.idx.msk [tilespmem:v30+s14+$0x0], $0xffff;
	v58 =	vadd.s32 s25, v21;
	s29 =	sadd.s32 $0xE76, s26;
	[tilespmem:s24+$0xFFFFFE60] =	vst v25  }
0x1ff: {  	s30 =	sadd.s32 $0xE71, s26;
	v27 =	vld.idx.msk [tilespmem:v31+s14+$0x0], $0xffff;
	v59 =	vadd.s32 s29, v21;
	[tilespmem:s24+$0xFFFFFFD0] =	vst v19  }
0x200: {  	s31 =	sadd.s32 $0xE73, s26;
	v60 =	vadd.s32 s30, v21;
	[tilespmem:s24+$0xE0] =	vst v26;
	v19 =	vld.idx.msk [tilespmem:v56+s14+$0x0], $0xffff  }
0x201: {  	v61 =	vadd.s32 s31, v21;
	v28 =	vld.idx.msk [tilespmem:v28+s14+$0x0], $0xffff;
	[tilespmem:s24+$0x160] =	vst v24  }
0x202: {  	v20 =	vld.idx.msk [tilespmem:v20+s14+$0x0], $0xffff;
	[tilespmem:s24+$0x1E0] =	vst v29  }
0x203: {  	v62 =	vld.idx.msk [tilespmem:v58+s14+$0x0], $0xffff;
	[tilespmem:s24+$0x70] =	vst v57  }
0x204: {  	[tilespmem:s24+$0xFFFFFF70] =	vst v27;
	v63 =	vld.idx.msk [tilespmem:v59+s14+$0x0], $0xffff  }
0x205: {  	s23 =	sadd.s32 $0x1, s23;
	v22 =	vld.idx.msk [tilespmem:v60+s14+$0x0], $0xffff;
	[tilespmem:s24+$0xFFFFFFE0] =	vst v19  }
0x206: {  	p1 =	sne.s32 s23, $0x5;
	[tilespmem:s24+$0xFFFFFE70] =	vst v28;
	v19 =	vld.idx.msk [tilespmem:v61+s14+$0x0], $0xffff  }
.Ltmp1:
0x207: {  	[tilespmem:s24+$0xF0] =	vst v20;
	(pc) =	sbr.rel @p1 .LBB2_3-.Ltmp1, $4  }
0x208: {  	[tilespmem:s24+$0x1F0] =	vst v62  }
0x209: {  	[tilespmem:s24+$0x170] =	vst v63  }
0x20a: {  	[tilespmem:s24+$0xFFFFFEF0] =	vst v22  }
0x20b: {  	s22 =	sadd.s32 $0x400, s22;
	[tilespmem:s24+$0xFFFFFFF0] =	vst v19  }
0x20c: {  	s0 =	sshll.u32 s18, $0x5  }
0x20d: {  	s0 =	sor.u32 s6, s0  }
0x20e: {  	s0 =	smul.u32 $0x1400, s0;
	_ =	sdelay $0x1  }
0x20f: {  	s1 =	sshrl.u32 s0, $0x3  }
0x210: {  	s28 =	sadd.s32 $0xC35000, s0;
	s1 =	sadd.s32 s4, s1  }
0x211: {  	[hbm4b:s1+s5] =	stream.linear.scatter [tilespmem:s21], [sflag:$0x2], $0x1400, $0x38;
	[tilespmem:$0x15580] =	vst v63  }
0x212: {  	s1 =	sshrl.u32 s28, $0x3  }
0x213: {  	s2 =	sadd.s32 $0xB900, s19;
	s29 =	sadd.s32 $0x186A000, s0;
	s1 =	sadd.s32 s4, s1  }
0x214: {  	[hbm4b:s1+s5] =	stream.linear.scatter [tilespmem:s2], [sflag:$0x2], $0x1400, $0x38;
	[tilespmem:$0x15580] =	vst v63  }
0x215: {  	s0 =	sadd.s32 $0x249F000, s0;
	s1 =	sshrl.u32 s29, $0x3  }
0x216: {  	s30 =	sadd.s32 $0xCD00, s19;
	s0 =	sshrl.u32 s0, $0x3;
	s1 =	sadd.s32 s4, s1  }
0x217: {  	[hbm4b:s1+s5] =	stream.linear.scatter [tilespmem:s30], [sflag:$0x2], $0x1400, $0x38;
	[tilespmem:$0x15580] =	vst v63  }
0x218: {  	s31 =	sadd.s32 $0xE100, s19;
	p1 =	seq.s32 s18, $0x0;
	s0 =	sadd.s32 s4, s0  }
0x219: {  	[hbm4b:s0+s5] =	stream.linear.scatter [tilespmem:s31], [sflag:$0x2], $0x1400, $0x38;
	[tilespmem:$0x15580] =	vst v63  }
0x21a: {  	s0 =	simm.s32 @!p1 $0x2  }
0x21b: {  	_ =	swait.ge @!p1 [sflag:s0], $0x1400  }
0x21c: {  	[sflag:s0] =	ssyncset.done @!p1 $0x0  }
0x21d: {  	[sflag:s0] =	ssyncadd.s32 @!p1 $0xFFFFEC00  }
0x21e: {  	_ =	swait.ge @!p1 [sflag:s0], $0x1400  }
0x21f: {  	[sflag:s0] =	ssyncset.done @!p1 $0x0  }
0x220: {  	[sflag:s0] =	ssyncadd.s32 @!p1 $0xFFFFEC00  }
0x221: {  	_ =	swait.ge @!p1 [sflag:s0], $0x1400  }
0x222: {  	[sflag:s0] =	ssyncset.done @!p1 $0x0  }
0x223: {  	[sflag:s0] =	ssyncadd.s32 @!p1 $0xFFFFEC00  }
0x224: {  	_ =	swait.ge @!p1 [sflag:s0], $0x1400  }
0x225: {  	[sflag:s0] =	ssyncset.done @!p1 $0x0  }
0x226: {  	[sflag:s0] =	ssyncadd.s32 @!p1 $0xFFFFEC00;
	p1 =	sne.s32 s17, s7  }
.Ltmp2:
0x227: {  	_ = 	snop;
	(pc) =	sbr.rel @p1 .LBB2_2-.Ltmp2, $4  }
0x228: {  	_ = 	snop  }
0x229: {  	_ =	swait.ge [sflag:s13], $0x280  }
0x22a: {  	[sflag:s13] =	ssyncset.done $0x0  }
0x22b: {  	p0 =	por !p0, !p0;
	s18 =	smov.u32 s17;
	[sflag:s13] =	ssyncadd.s32 $0xFFFFFD80  }
0x22c: {  	_ =	swait.ge [sflag:s15], $0x1400  }
0x22d: {  	[sflag:s15] =	ssyncset.done $0x0  }
0x22e: {  	[sflag:s15] =	ssyncadd.s32 $0xFFFFEC00  }
0x22f: {  	_ =	swait.ge [sflag:s15], $0x1400  }
0x230: {  	[sflag:s15] =	ssyncset.done $0x0  }
0x231: {  	[sflag:s15] =	ssyncadd.s32 $0xFFFFEC00  }
0x232: {  	_ =	swait.ge [sflag:s15], $0x1400  }
0x233: {  	[sflag:s15] =	ssyncset.done $0x0  }
0x234: {  	[sflag:s15] =	ssyncadd.s32 $0xFFFFEC00  }
0x235: {  	_ =	swait.ge [sflag:s15], $0x1400  }
0x236: {  	s16 =	sadd.s32 $0x1, s16;
	s0 =	rddreg [dreg:$0x5]  }
0x237: {  	p0 =	sne.s32 s16, s0  }
.Ltmp3:
0x238: {  	_ = 	snop;
	(pc) =	sbr.rel @p0 .LBB2_1-.Ltmp3, $3  }
0x239: {  	_ =	sdelay $0x1  }
0x23a: {  	[sflag:s15] =	ssyncset.done $0x0  }
0x23b: {  	[sflag:s15] =	ssyncadd.s32 $0xFFFFEC00  }
0x23c: {  	_ =	sfence.sel $0x180000  }
0x23d: {  	[bflag:$0x0] =	sbarrier.arrive $0xFFFF  }
0x23e: {  	_ =	strace $0x90000047  }
0x23f: {  	s0 =	stileid.u32;
	[bflag:$0x2] =	sbarrier.arrive $0xFFFF  }
0x240: {  	p0 =	sne.s32 s0, $0x0;
	s0 =	rddreg [dreg:$0x3]  }
0x241: {  	s0 =	sadd.s32 @!p0 $0x100000, s0  }
0x242: {  	[sflag:s0] =	ssyncadd.tile.s32 @!p0 $0x1;
	_ =	shalt  }
.Lfunc_end2:
_tile_overlayer_lowered:
.L_overlay_start_2:
0x243: {  	(tag) =	ssettag $0x2  }
0x244: {  	s0 =	rddreg [dreg:$0x0];
	s2 =	stileid.u32  }
0x245: {  	s1 =	rddreg [dreg:$0x1];
	p0 =	sne.s32 s2, $0x0  }
0x246: {  	s3 =	rddreg [dreg:$0x2];
	[bflag:$0x3] =	sbarrier.arrive $0xFFFF;
	s2 =	simm.s32 @!p0 $0x1C03  }
0x247: {  	[timem:s3], [sflag:s2] =	dma.local @!p0 [hbm:s0], s1  }
0x248: {  	s0 =	simm.s32 @!p0 $0x3  }
0x249: {  	_ =	swait.ge @!p0 [sflag:s0], s1  }
0x24a: {  	s1 =	ssub.s32 @!p0 $0x0, s1;
	[sflag:s0] =	ssyncset.done @!p0 $0x0  }
0x24b: {  	[sflag:s0] =	ssyncadd.s32 @!p0 s1  }
0x24c: {  	[bflag:$0x3] =	sbarrier.arrive $0xFFFF  }
0x24d: {  	_ =	shalt  }

</sc_bundles>
